<compile_context>
chip_gen: v7x
topology: tpu7x:2x2x1
jax: 0.10.2.dev20260603
libtpu: 0.0.44.dev20260713+nightly
codegen_flags: <defaults>
</compile_context>

<pallas_src>
import functools

import jax
import jax.numpy as jnp
from jax import lax
from jax.experimental import pallas as pl
from jax.experimental.pallas import tpu as pltpu
from jax.experimental.pallas import tpu_sc as plsc

N = 50000
T = 24
DYN = 16
STAT = 16
E = 800000
H = 64
HF = 32

NSUB = 16
WIN = 512
IR = WIN // 128
NWIN = 100
EPT = WIN * NWIN
EPAD = EPT * NSUB
ER = EPAD // 128
NP = 50048
ACC_ROWS = NP
ZCH = ACC_ROWS // NSUB
OPT = NP // NSUB

_f32 = jnp.float32


def _gru_body(xd_ref, xs_ref, wih_t_ref, whh_t_ref, bih_ref, bhh_ref,
              w1a_ref, w1b_ref, out_ref):
    wih_t = wih_t_ref[...]
    whh_t = whh_t_ref[...]
    bih = bih_ref[...]
    bhh = bhh_ref[...]
    R = xd_ref.shape[0]
    h = jnp.zeros((R, H), _f32)
    for t in range(T):
        x_t = xd_ref[:, t * DYN:(t + 1) * DYN]
        gi = jnp.dot(x_t, wih_t, preferred_element_type=_f32) + bih
        gh = jnp.dot(h, whh_t, preferred_element_type=_f32) + bhh
        r = jax.nn.sigmoid(gi[:, 0:H] + gh[:, 0:H])
        z = jax.nn.sigmoid(gi[:, H:2 * H] + gh[:, H:2 * H])
        n = jnp.tanh(gi[:, 2 * H:3 * H] + r * gh[:, 2 * H:3 * H])
        h = (1.0 - z) * n + z * h
    hw = (jnp.dot(h, w1a_ref[...], preferred_element_type=_f32)
          + jnp.dot(xs_ref[...], w1b_ref[...], preferred_element_type=_f32))
    out_ref[0] = hw[:, 0:HF]
    out_ref[1] = hw[:, HF:2 * HF]


def _gru_call(xd2, x_stat, wih_t, whh_t, bih, bhh, w1a, w1b):
    R = 512
    grid = (pl.cdiv(N, R),)
    return pl.pallas_call(
        _gru_body,
        grid=grid,
        in_specs=[
            pl.BlockSpec((R, T * DYN), lambda i: (i, 0)),
            pl.BlockSpec((R, STAT), lambda i: (i, 0)),
            pl.BlockSpec((DYN, 3 * H), lambda i: (0, 0)),
            pl.BlockSpec((H, 3 * H), lambda i: (0, 0)),
            pl.BlockSpec((1, 3 * H), lambda i: (0, 0)),
            pl.BlockSpec((1, 3 * H), lambda i: (0, 0)),
            pl.BlockSpec((H, H), lambda i: (0, 0)),
            pl.BlockSpec((STAT, H), lambda i: (0, 0)),
        ],
        out_specs=pl.BlockSpec((2, R, HF), lambda i: (0, i, 0)),
        out_shape=jax.ShapeDtypeStruct((2, N, HF), _f32),
    )(xd2, x_stat, wih_t, whh_t, bih, bhh, w1a, w1b)


def _mid_body(a_ref, b_ref, b1a_ref, b1b_ref, w2a_ref, w2b_ref, out_ref):
    ha = jnp.maximum(a_ref[...] + b1a_ref[...], 0.0)
    hb = jnp.maximum(b_ref[...] + b1b_ref[...], 0.0)
    hw = (jnp.dot(ha, w2a_ref[...], preferred_element_type=_f32)
          + jnp.dot(hb, w2b_ref[...], preferred_element_type=_f32))
    out_ref[0] = hw[:, 0:HF]
    out_ref[1] = hw[:, HF:2 * HF]


def _mid_call(a, b, b1a, b1b, w2a, w2b):
    R = 2048
    grid = (pl.cdiv(N, R),)
    return pl.pallas_call(
        _mid_body,
        grid=grid,
        in_specs=[
            pl.BlockSpec((R, HF), lambda i: (i, 0)),
            pl.BlockSpec((R, HF), lambda i: (i, 0)),
            pl.BlockSpec((1, HF), lambda i: (0, 0)),
            pl.BlockSpec((1, HF), lambda i: (0, 0)),
            pl.BlockSpec((HF, H), lambda i: (0, 0)),
            pl.BlockSpec((HF, H), lambda i: (0, 0)),
        ],
        out_specs=pl.BlockSpec((2, R, HF), lambda i: (0, i, 0)),
        out_shape=jax.ShapeDtypeStruct((2, N, HF), _f32),
    )(a, b, b1a, b1b, w2a, w2b)


def _head_body(a_ref, b_ref, b2a_ref, b2b_ref, wha_ref, whb_ref, bh_ref,
               out_ref):
    ha = jnp.maximum(a_ref[...] + b2a_ref[...], 0.0)
    hb = jnp.maximum(b_ref[...] + b2b_ref[...], 0.0)
    out_ref[...] = (jnp.dot(ha, wha_ref[...], preferred_element_type=_f32)
                    + jnp.dot(hb, whb_ref[...], preferred_element_type=_f32)
                    + bh_ref[...])


def _head_call(a, b, b2a, b2b, wha, whb, bh):
    R = 2048
    grid = (pl.cdiv(N, R),)
    return pl.pallas_call(
        _head_body,
        grid=grid,
        in_specs=[
            pl.BlockSpec((R, HF), lambda i: (i, 0)),
            pl.BlockSpec((R, HF), lambda i: (i, 0)),
            pl.BlockSpec((1, HF), lambda i: (0, 0)),
            pl.BlockSpec((1, HF), lambda i: (0, 0)),
            pl.BlockSpec((HF, 2), lambda i: (0, 0)),
            pl.BlockSpec((HF, 2), lambda i: (0, 0)),
            pl.BlockSpec((1, 2), lambda i: (0, 0)),
        ],
        out_specs=pl.BlockSpec((R, 2), lambda i: (i, 0)),
        out_shape=jax.ShapeDtypeStruct((N, 2), _f32),
    )(a, b, b2a, b2b, wha, whb, bh)


def _sc_body(table, srcp, dstp, ewp, zer, out, acc, srcv, dstv, ewv, rows,
             sem):
    c = lax.axis_index("c")
    s = lax.axis_index("s")
    pltpu.sync_copy(zer, acc.at[pl.ds(s * ZCH, ZCH)])
    plsc.subcore_barrier()
    cidx = lax.iota(jnp.int32, 16)

    def window(w, carry):
        ebase = s * EPT + w * WIN
        rbase = s * (NWIN * IR) + w * IR
        pltpu.sync_copy(srcp.at[pl.ds(c * ER + rbase, IR)], srcv)
        pltpu.sync_copy(dstp.at[pl.ds(rbase, IR)], dstv)
        pltpu.sync_copy(ewp.at[pl.ds(ebase, WIN)], ewv)
        handles = []
        for j in range(IR):
            handles.append(
                pltpu.async_copy(table.at[srcv.at[j]],
                                 rows.at[pl.ds(j * 128, 128)], sem))
        for h_ in handles:
            h_.wait()

        def scale(g, carry2):
            for u in range(4):
                e = g * 4 + u
                re = jnp.full((16,), e, jnp.int32)
                bb = plsc.load_gather(ewv, [re])
                v0 = plsc.load_gather(rows, [re, cidx])
                v1 = plsc.load_gather(rows, [re, cidx + 16])
                plsc.store_scatter(rows, [re, cidx], v0 * bb)
                plsc.store_scatter(rows, [re, cidx + 16], v1 * bb)
            return carry2

        lax.fori_loop(0, WIN // 4, scale, 0)
        for j in range(IR):
            pltpu.sync_copy(rows.at[pl.ds(j * 128, 128)],
                            acc.at[dstv.at[j]], add=True)
        return carry

    lax.fori_loop(0, NWIN, window, 0)
    plsc.subcore_barrier()
    pltpu.sync_copy(acc.at[pl.ds(s * OPT, OPT)],
                    out.at[pl.ds(c * NP + s * OPT, OPT)])


@functools.cache
def _sc_scatter_kernel():
    return pl.kernel(
        _sc_body,
        out_type=jax.ShapeDtypeStruct((2 * NP, HF), _f32),
        mesh=plsc.VectorSubcoreMesh(core_axis_name="c", subcore_axis_name="s"),
        compiler_params=pltpu.CompilerParams(needs_layout_passes=False,
                                             use_tc_tiling_on_sc=False),
        scratch_types=[
            pltpu.VMEM_SHARED((ACC_ROWS, HF), _f32),
            pltpu.VMEM((IR, 128), jnp.int32),
            pltpu.VMEM((IR, 128), jnp.int32),
            pltpu.VMEM((WIN,), _f32),
            pltpu.VMEM((WIN, HF), _f32),
            pltpu.SemaphoreType.DMA,
        ],
    )


def _sc_scatter(*args):
    return _sc_scatter_kernel()(*args)


def kernel(x_dyn, x_stat, edge_index, edge_weight, W_ih, W_hh, b_ih, b_hh,
           W1, b1, W2, b2, W_aqi, b_aqi, W_pm, b_pm):
    src = edge_index[0].astype(jnp.int32)
    dst = edge_index[1].astype(jnp.int32)
    pad = EPAD - E
    pidx = jnp.arange(pad, dtype=jnp.int32) % 16
    src_p = jnp.concatenate([src, pidx])
    srcp = jnp.concatenate([src_p, src_p + N]).reshape(2 * ER, 128)
    dstp = jnp.concatenate([dst, N + pidx]).reshape(ER, 128)
    ewp = jnp.concatenate([edge_weight.astype(_f32),
                           jnp.zeros((pad,), _f32)])
    zer = jnp.zeros((ZCH, HF), _f32)

    xd2 = x_dyn.reshape(N, T * DYN)
    hw1 = _gru_call(xd2, x_stat, W_ih.T, W_hh.T, b_ih.reshape(1, -1),
                    b_hh.reshape(1, -1), W1[:H], W1[H:])
    agg1 = _sc_scatter(hw1.reshape(2 * N, HF), srcp, dstp, ewp, zer)

    hw2 = _mid_call(agg1[:N], agg1[NP:NP + N], b1[:HF].reshape(1, HF),
                    b1[HF:].reshape(1, HF), W2[:HF], W2[HF:])
    agg2 = _sc_scatter(hw2.reshape(2 * N, HF), srcp, dstp, ewp, zer)

    wh = jnp.concatenate([W_aqi, W_pm], axis=1)
    bh = jnp.stack([b_aqi[0], b_pm[0]]).reshape(1, 2)
    res = _head_call(agg2[:N], agg2[NP:NP + N], b2[:HF].reshape(1, HF),
                     b2[HF:].reshape(1, HF), wh[:HF], wh[HF:], bh)
    return (res[:, 0], res[:, 1])

# --- scband reference (transcript-rebuilt; emitter-appended) ---
"""Pipeline reference for scband-sttgnn-77129022701970 (READ-ONLY COPY).

The authoritative reference and input builder live on the scoring server;
editing this copy changes nothing except your own understanding.
"""

import jax, jax.numpy as jnp
import numpy as np

N = 50000
T = 24
DYN = 16
STAT = 16
E = 800000
GRU_H = 64
GNN_H = 64
IN_DIM = GRU_H + STAT


def setup_inputs(seed: int = 0) -> dict:
    key = jax.random.key(seed)
    ks = jax.random.split(key, 20)
    s = 0.05
    inp = {
        "x_dyn": jax.random.normal(ks[0], (N, T, DYN), jnp.float32),
        "x_stat": jax.random.normal(ks[1], (N, STAT), jnp.float32),
        "edge_index": jax.random.randint(ks[2], (2, E), 0, N),
        "edge_weight": jax.random.uniform(ks[3], (E,), jnp.float32),
        "W_ih": jax.random.normal(ks[4], (3 * GRU_H, DYN), jnp.float32) * s,
        "W_hh": jax.random.normal(ks[5], (3 * GRU_H, GRU_H), jnp.float32) * s,
        "b_ih": jax.random.normal(ks[6], (3 * GRU_H,), jnp.float32) * s,
        "b_hh": jax.random.normal(ks[7], (3 * GRU_H,), jnp.float32) * s,
        "W1": jax.random.normal(ks[8], (IN_DIM, GNN_H), jnp.float32) * s,
        "b1": jax.random.normal(ks[9], (GNN_H,), jnp.float32) * s,
        "W2": jax.random.normal(ks[10], (GNN_H, GNN_H), jnp.float32) * s,
        "b2": jax.random.normal(ks[11], (GNN_H,), jnp.float32) * s,
        "W_aqi": jax.random.normal(ks[12], (GNN_H, 1), jnp.float32) * s,
        "b_aqi": jax.random.normal(ks[13], (1,), jnp.float32) * s,
        "W_pm": jax.random.normal(ks[14], (GNN_H, 1), jnp.float32) * s,
        "b_pm": jax.random.normal(ks[15], (1,), jnp.float32) * s,
    }
    return inp


def _gru_last(x_dyn, W_ih, W_hh, b_ih, b_hh):
    n, t, d = x_dyn.shape
    hdim = W_hh.shape[1]

    def step(h, x_t):
        gi = x_t @ W_ih.T + b_ih
        gh = h @ W_hh.T + b_hh
        i_r, i_z, i_n = jnp.split(gi, 3, axis=1)
        h_r, h_z, h_n = jnp.split(gh, 3, axis=1)
        r = jax.nn.sigmoid(i_r + h_r)
        z = jax.nn.sigmoid(i_z + h_z)
        nn_ = jnp.tanh(i_n + r * h_n)
        h_new = (1.0 - z) * nn_ + z * h
        return h_new, None

    h0 = jnp.zeros((n, hdim), x_dyn.dtype)
    xT = jnp.transpose(x_dyn, (1, 0, 2))
    h_last, _ = jax.lax.scan(step, h0, xT)
    return h_last


def _gcn(h, W, b, src, dst, ew, n_nodes):
    # GCNConv with add_self_loops=False, normalize=False
    hw = h @ W
    msg = hw[src] * ew[:, None]
    out = jnp.zeros((n_nodes, hw.shape[1]), hw.dtype).at[dst].add(msg)
    return out + b


def reference(x_dyn, x_stat, edge_index, edge_weight, W_ih, W_hh, b_ih, b_hh,
              W1, b1, W2, b2, W_aqi, b_aqi, W_pm, b_pm):
    z = _gru_last(x_dyn, W_ih, W_hh, b_ih, b_hh)
    h = jnp.concatenate([z, x_stat], axis=1)
    src = edge_index[0]
    dst = edge_index[1]
    n_nodes = x_dyn.shape[0]
    h = jax.nn.relu(_gcn(h, W1, b1, src, dst, edge_weight, n_nodes))
    # dropout is identity in eval mode
    h = jax.nn.relu(_gcn(h, W2, b2, src, dst, edge_weight, n_nodes))
    aqi = (h @ W_aqi + b_aqi).squeeze(-1)
    pm = (h @ W_pm + b_pm).squeeze(-1)
    return (aqi, pm)

if __name__ == "__main__":
    import jax
    _d = setup_inputs()
    print(jax.jit(kernel)(*tuple(_d.values())))

</pallas_src>

<mosaic_0001>
#map = affine_map<(d0, d1) -> (0, 0)>
#map1 = affine_map<(d0, d1) -> (0)>
module attributes {stable_mosaic.version = 14 : i64} {
  func.func @_sc_body(%arg0: i32, %arg1: i32, %arg2: memref<100000x32xf32, #tpu.memory_space<hbm>>, %arg3: memref<12800x128xi32, #tpu.memory_space<hbm>>, %arg4: memref<6400x128xi32, #tpu.memory_space<hbm>>, %arg5: memref<819200xf32, #tpu.memory_space<hbm>>, %arg6: memref<3128x32xf32, #tpu.memory_space<hbm>>, %arg7: memref<100096x32xf32, #tpu.memory_space<hbm>>, %arg8: memref<50048x32xf32, #tpu.memory_space<vmem_shared>>, %arg9: memref<4x128xi32, #tpu.memory_space<vmem>>, %arg10: memref<4x128xi32, #tpu.memory_space<vmem>>, %arg11: memref<512xf32, #tpu.memory_space<vmem>>, %arg12: memref<512x32xf32, #tpu.memory_space<vmem>>, %arg13: memref<!tpu.dma_semaphore, #tpu.memory_space<semaphore_mem>>) attributes {dimension_semantics = [#tpu.dimension_semantics<core_parallel>, #tpu.dimension_semantics<subcore_parallel>], iteration_bounds = array<i64: 2, 16>, scalar_prefetch = 0 : i64, scratch_operands = 6 : i64, tpu.core_type = #tpu.core_type<sc_vector_subcore>, window_params = [{transform_indices = #map}, {transform_indices = #map}, {transform_indices = #map}, {transform_indices = #map1}, {transform_indices = #map}, {transform_indices = #map}]} {
    %mul3A = arith.constant 3128 : i32
    %mul3A_0 = arith.muli %arg1, %mul3A : i32
    "tpu.region"() ({
      %run_scoped3A = tpu.sem_alloc : memref<!tpu.dma_semaphore, #tpu.memory_space<semaphore_mem>>
      %dma_start3A = arith.constant 0 : i32
      %dma_start3A_13 = tpu.memref_slice %arg8[%mul3A_0, %dma_start3A] : memref<50048x32xf32, #tpu.memory_space<vmem_shared>> -> memref<3128x32xf32, #tpu.memory_space<vmem_shared>>
      tpu.enqueue_dma source(%arg6 : memref<3128x32xf32, #tpu.memory_space<hbm>>) target(%dma_start3A_13 : memref<3128x32xf32, #tpu.memory_space<vmem_shared>>) target_semaphore(%run_scoped3A : memref<!tpu.dma_semaphore, #tpu.memory_space<semaphore_mem>>)
      %dma_wait3A = arith.constant 0 : i32
      %dma_wait3A_14 = tpu.memref_slice %arg8[%mul3A_0, %dma_wait3A] : memref<50048x32xf32, #tpu.memory_space<vmem_shared>> -> memref<3128x32xf32, #tpu.memory_space<vmem_shared>>
      tpu.wait_dma2 semaphore(%run_scoped3A : memref<!tpu.dma_semaphore, #tpu.memory_space<semaphore_mem>>) src(%arg6 : memref<3128x32xf32, #tpu.memory_space<hbm>>) dst(%dma_wait3A_14 : memref<3128x32xf32, #tpu.memory_space<vmem_shared>>)
      tpu.yield
    }) : () -> ()
    %barrier3A = arith.constant 0 : index
    tpu.barrier barrier_id(%barrier3A)
    %iota3A = tpu.iota {dimensions = array<i32: 0>} : vector<16xi32>
    %scan3A = arith.constant 0 : i32
    %scan3A_1 = arith.constant 0 : i32
    %scan3A_2 = arith.constant 100 : i32
    %scan3A_3 = arith.addi %scan3A_1, %scan3A_2 : i32
    %scan3A_4 = arith.constant 1 : i32
    scf.for %scan3A_13 = %scan3A_1 to %scan3A_3 step %scan3A_4  : i32 {
      %mul3A_14 = arith.constant 51200 : i32
      %mul3A_15 = arith.muli %arg1, %mul3A_14 : i32
      %mul3A_16 = arith.constant 512 : i32
      %mul3A_17 = arith.muli %scan3A_13, %mul3A_16 : i32
      %add3A_18 = arith.addi %mul3A_15, %mul3A_17 : i32
      %mul3A_19 = arith.constant 400 : i32
      %mul3A_20 = arith.muli %arg1, %mul3A_19 : i32
      %mul3A_21 = arith.constant 4 : i32
      %mul3A_22 = arith.muli %scan3A_13, %mul3A_21 : i32
      %add3A_23 = arith.addi %mul3A_20, %mul3A_22 : i32
      %mul3A_24 = arith.constant 6400 : i32
      %mul3A_25 = arith.muli %arg0, %mul3A_24 : i32
      %add3A_26 = arith.addi %mul3A_25, %add3A_23 : i32
      "tpu.region"() ({
        %run_scoped3A_114 = tpu.sem_alloc : memref<!tpu.dma_semaphore, #tpu.memory_space<semaphore_mem>>
        %dma_start3A_115 = arith.constant 0 : i32
        %dma_start3A_116 = tpu.memref_slice %arg3[%add3A_26, %dma_start3A_115] : memref<12800x128xi32, #tpu.memory_space<hbm>> -> memref<4x128xi32, #tpu.memory_space<hbm>>
        %dma_start3A_117 = arith.constant 0 : i32
        %dma_start3A_118 = tpu.memref_slice %arg3[%add3A_26, %dma_start3A_117] : memref<12800x128xi32, #tpu.memory_space<hbm>> -> memref<4x128xi32, #tpu.memory_space<hbm>>
        tpu.enqueue_dma source(%dma_start3A_118 : memref<4x128xi32, #tpu.memory_space<hbm>>) target(%arg9 : memref<4x128xi32, #tpu.memory_space<vmem>>) target_semaphore(%run_scoped3A_114 : memref<!tpu.dma_semaphore, #tpu.memory_space<semaphore_mem>>)
        %dma_wait3A_119 = arith.constant 0 : i32
        %dma_wait3A_120 = tpu.memref_slice %arg3[%add3A_26, %dma_wait3A_119] : memref<12800x128xi32, #tpu.memory_space<hbm>> -> memref<4x128xi32, #tpu.memory_space<hbm>>
        %dma_wait3A_121 = arith.constant 0 : i32
        %dma_wait3A_122 = tpu.memref_slice %arg3[%add3A_26, %dma_wait3A_121] : memref<12800x128xi32, #tpu.memory_space<hbm>> -> memref<4x128xi32, #tpu.memory_space<hbm>>
        tpu.wait_dma2 semaphore(%run_scoped3A_114 : memref<!tpu.dma_semaphore, #tpu.memory_space<semaphore_mem>>) src(%dma_wait3A_122 : memref<4x128xi32, #tpu.memory_space<hbm>>) dst(%arg9 : memref<4x128xi32, #tpu.memory_space<vmem>>)
        tpu.yield
      }) : () -> ()
      "tpu.region"() ({
        %run_scoped3A_114 = tpu.sem_alloc : memref<!tpu.dma_semaphore, #tpu.memory_space<semaphore_mem>>
        %dma_start3A_115 = arith.constant 0 : i32
        %dma_start3A_116 = tpu.memref_slice %arg4[%add3A_23, %dma_start3A_115] : memref<6400x128xi32, #tpu.memory_space<hbm>> -> memref<4x128xi32, #tpu.memory_space<hbm>>
        %dma_start3A_117 = arith.constant 0 : i32
        %dma_start3A_118 = tpu.memref_slice %arg4[%add3A_23, %dma_start3A_117] : memref<6400x128xi32, #tpu.memory_space<hbm>> -> memref<4x128xi32, #tpu.memory_space<hbm>>
        tpu.enqueue_dma source(%dma_start3A_118 : memref<4x128xi32, #tpu.memory_space<hbm>>) target(%arg10 : memref<4x128xi32, #tpu.memory_space<vmem>>) target_semaphore(%run_scoped3A_114 : memref<!tpu.dma_semaphore, #tpu.memory_space<semaphore_mem>>)
        %dma_wait3A_119 = arith.constant 0 : i32
        %dma_wait3A_120 = tpu.memref_slice %arg4[%add3A_23, %dma_wait3A_119] : memref<6400x128xi32, #tpu.memory_space<hbm>> -> memref<4x128xi32, #tpu.memory_space<hbm>>
        %dma_wait3A_121 = arith.constant 0 : i32
        %dma_wait3A_122 = tpu.memref_slice %arg4[%add3A_23, %dma_wait3A_121] : memref<6400x128xi32, #tpu.memory_space<hbm>> -> memref<4x128xi32, #tpu.memory_space<hbm>>
        tpu.wait_dma2 semaphore(%run_scoped3A_114 : memref<!tpu.dma_semaphore, #tpu.memory_space<semaphore_mem>>) src(%dma_wait3A_122 : memref<4x128xi32, #tpu.memory_space<hbm>>) dst(%arg10 : memref<4x128xi32, #tpu.memory_space<vmem>>)
        tpu.yield
      }) : () -> ()
      "tpu.region"() ({
        %run_scoped3A_114 = tpu.sem_alloc : memref<!tpu.dma_semaphore, #tpu.memory_space<semaphore_mem>>
        %dma_start3A_115 = tpu.memref_slice %arg5[%add3A_18] : memref<819200xf32, #tpu.memory_space<hbm>> -> memref<512xf32, #tpu.memory_space<hbm>>
        %dma_start3A_116 = tpu.memref_slice %arg5[%add3A_18] : memref<819200xf32, #tpu.memory_space<hbm>> -> memref<512xf32, #tpu.memory_space<hbm>>
        tpu.enqueue_dma source(%dma_start3A_116 : memref<512xf32, #tpu.memory_space<hbm>>) target(%arg11 : memref<512xf32, #tpu.memory_space<vmem>>) target_semaphore(%run_scoped3A_114 : memref<!tpu.dma_semaphore, #tpu.memory_space<semaphore_mem>>)
        %dma_wait3A_117 = tpu.memref_slice %arg5[%add3A_18] : memref<819200xf32, #tpu.memory_space<hbm>> -> memref<512xf32, #tpu.memory_space<hbm>>
        %dma_wait3A_118 = tpu.memref_slice %arg5[%add3A_18] : memref<819200xf32, #tpu.memory_space<hbm>> -> memref<512xf32, #tpu.memory_space<hbm>>
        tpu.wait_dma2 semaphore(%run_scoped3A_114 : memref<!tpu.dma_semaphore, #tpu.memory_space<semaphore_mem>>) src(%dma_wait3A_118 : memref<512xf32, #tpu.memory_space<hbm>>) dst(%arg11 : memref<512xf32, #tpu.memory_space<vmem>>)
        tpu.yield
      }) : () -> ()
      %dma_start3A = arith.constant 0 : i32
      %dma_start3A_27 = arith.constant 0 : i32
      %dma_start3A_28 = arith.constant 0 : i32
      %dma_start3A_29 = tpu.memref_slice %arg12[%dma_start3A_27, %dma_start3A_28] : memref<512x32xf32, #tpu.memory_space<vmem>> -> memref<128x32xf32, #tpu.memory_space<vmem>>
      %dma_start3A_30 = arith.constant 0 : i32
      %dma_start3A_31 = tpu.memref_slice %arg9[%dma_start3A, %dma_start3A_30] : memref<4x128xi32, #tpu.memory_space<vmem>> -> memref<1x128xi32, #tpu.memory_space<vmem>>
      %dma_start3A_32 = tpu.memref_squeeze %dma_start3A_31 : memref<1x128xi32, #tpu.memory_space<vmem>> -> memref<128xi32, #tpu.memory_space<vmem>>
      %dma_start3A_33 = arith.constant 0 : i32
      %dma_start3A_34 = arith.constant 0 : i32
      %dma_start3A_35 = tpu.memref_slice %arg2[%dma_start3A_33, %dma_start3A_34] : memref<100000x32xf32, #tpu.memory_space<hbm>> -> memref<100000x32xf32, #tpu.memory_space<hbm>>
      tpu.enqueue_indirect_dma source(%dma_start3A_35 : memref<100000x32xf32, #tpu.memory_space<hbm>>) target(%dma_start3A_29 : memref<128x32xf32, #tpu.memory_space<vmem>>) offsets(%dma_start3A_32 : memref<128xi32, #tpu.memory_space<vmem>>) semaphore(%arg13 : memref<!tpu.dma_semaphore, #tpu.memory_space<semaphore_mem>>)
      %dma_start3A_36 = arith.constant 1 : i32
      %dma_start3A_37 = arith.constant 128 : i32
      %dma_start3A_38 = arith.constant 0 : i32
      %dma_start3A_39 = tpu.memref_slice %arg12[%dma_start3A_37, %dma_start3A_38] : memref<512x32xf32, #tpu.memory_space<vmem>> -> memref<128x32xf32, #tpu.memory_space<vmem>>
      %dma_start3A_40 = arith.constant 0 : i32
      %dma_start3A_41 = tpu.memref_slice %arg9[%dma_start3A_36, %dma_start3A_40] : memref<4x128xi32, #tpu.memory_space<vmem>> -> memref<1x128xi32, #tpu.memory_space<vmem>>
      %dma_start3A_42 = tpu.memref_squeeze %dma_start3A_41 : memref<1x128xi32, #tpu.memory_space<vmem>> -> memref<128xi32, #tpu.memory_space<vmem>>
      %dma_start3A_43 = arith.constant 0 : i32
      %dma_start3A_44 = arith.constant 0 : i32
      %dma_start3A_45 = tpu.memref_slice %arg2[%dma_start3A_43, %dma_start3A_44] : memref<100000x32xf32, #tpu.memory_space<hbm>> -> memref<100000x32xf32, #tpu.memory_space<hbm>>
      tpu.enqueue_indirect_dma source(%dma_start3A_45 : memref<100000x32xf32, #tpu.memory_space<hbm>>) target(%dma_start3A_39 : memref<128x32xf32, #tpu.memory_space<vmem>>) offsets(%dma_start3A_42 : memref<128xi32, #tpu.memory_space<vmem>>) semaphore(%arg13 : memref<!tpu.dma_semaphore, #tpu.memory_space<semaphore_mem>>)
      %dma_start3A_46 = arith.constant 2 : i32
      %dma_start3A_47 = arith.constant 256 : i32
      %dma_start3A_48 = arith.constant 0 : i32
      %dma_start3A_49 = tpu.memref_slice %arg12[%dma_start3A_47, %dma_start3A_48] : memref<512x32xf32, #tpu.memory_space<vmem>> -> memref<128x32xf32, #tpu.memory_space<vmem>>
      %dma_start3A_50 = arith.constant 0 : i32
      %dma_start3A_51 = tpu.memref_slice %arg9[%dma_start3A_46, %dma_start3A_50] : memref<4x128xi32, #tpu.memory_space<vmem>> -> memref<1x128xi32, #tpu.memory_space<vmem>>
      %dma_start3A_52 = tpu.memref_squeeze %dma_start3A_51 : memref<1x128xi32, #tpu.memory_space<vmem>> -> memref<128xi32, #tpu.memory_space<vmem>>
      %dma_start3A_53 = arith.constant 0 : i32
      %dma_start3A_54 = arith.constant 0 : i32
      %dma_start3A_55 = tpu.memref_slice %arg2[%dma_start3A_53, %dma_start3A_54] : memref<100000x32xf32, #tpu.memory_space<hbm>> -> memref<100000x32xf32, #tpu.memory_space<hbm>>
      tpu.enqueue_indirect_dma source(%dma_start3A_55 : memref<100000x32xf32, #tpu.memory_space<hbm>>) target(%dma_start3A_49 : memref<128x32xf32, #tpu.memory_space<vmem>>) offsets(%dma_start3A_52 : memref<128xi32, #tpu.memory_space<vmem>>) semaphore(%arg13 : memref<!tpu.dma_semaphore, #tpu.memory_space<semaphore_mem>>)
      %dma_start3A_56 = arith.constant 3 : i32
      %dma_start3A_57 = arith.constant 384 : i32
      %dma_start3A_58 = arith.constant 0 : i32
      %dma_start3A_59 = tpu.memref_slice %arg12[%dma_start3A_57, %dma_start3A_58] : memref<512x32xf32, #tpu.memory_space<vmem>> -> memref<128x32xf32, #tpu.memory_space<vmem>>
      %dma_start3A_60 = arith.constant 0 : i32
      %dma_start3A_61 = tpu.memref_slice %arg9[%dma_start3A_56, %dma_start3A_60] : memref<4x128xi32, #tpu.memory_space<vmem>> -> memref<1x128xi32, #tpu.memory_space<vmem>>
      %dma_start3A_62 = tpu.memref_squeeze %dma_start3A_61 : memref<1x128xi32, #tpu.memory_space<vmem>> -> memref<128xi32, #tpu.memory_space<vmem>>
      %dma_start3A_63 = arith.constant 0 : i32
      %dma_start3A_64 = arith.constant 0 : i32
      %dma_start3A_65 = tpu.memref_slice %arg2[%dma_start3A_63, %dma_start3A_64] : memref<100000x32xf32, #tpu.memory_space<hbm>> -> memref<100000x32xf32, #tpu.memory_space<hbm>>
      tpu.enqueue_indirect_dma source(%dma_start3A_65 : memref<100000x32xf32, #tpu.memory_space<hbm>>) target(%dma_start3A_59 : memref<128x32xf32, #tpu.memory_space<vmem>>) offsets(%dma_start3A_62 : memref<128xi32, #tpu.memory_space<vmem>>) semaphore(%arg13 : memref<!tpu.dma_semaphore, #tpu.memory_space<semaphore_mem>>)
      %dma_wait3A = arith.constant 0 : i32
      %dma_wait3A_66 = arith.constant 0 : i32
      %dma_wait3A_67 = arith.constant 0 : i32
      %dma_wait3A_68 = tpu.memref_slice %arg12[%dma_wait3A_66, %dma_wait3A_67] : memref<512x32xf32, #tpu.memory_space<vmem>> -> memref<128x32xf32, #tpu.memory_space<vmem>>
      %dma_wait3A_69 = arith.constant 0 : i32
      %dma_wait3A_70 = tpu.memref_slice %arg9[%dma_wait3A, %dma_wait3A_69] : memref<4x128xi32, #tpu.memory_space<vmem>> -> memref<1x128xi32, #tpu.memory_space<vmem>>
      %dma_wait3A_71 = tpu.memref_squeeze %dma_wait3A_70 : memref<1x128xi32, #tpu.memory_space<vmem>> -> memref<128xi32, #tpu.memory_space<vmem>>
      %dma_wait3A_72 = arith.constant 0 : i32
      %dma_wait3A_73 = arith.constant 0 : i32
      %dma_wait3A_74 = tpu.memref_slice %arg2[%dma_wait3A_72, %dma_wait3A_73] : memref<100000x32xf32, #tpu.memory_space<hbm>> -> memref<100000x32xf32, #tpu.memory_space<hbm>>
      tpu.wait_indirect_dma semaphore(%arg13 : memref<!tpu.dma_semaphore, #tpu.memory_space<semaphore_mem>>) src(%dma_wait3A_74 : memref<100000x32xf32, #tpu.memory_space<hbm>>) dst(%dma_wait3A_68 : memref<128x32xf32, #tpu.memory_space<vmem>>)
      %dma_wait3A_75 = arith.constant 1 : i32
      %dma_wait3A_76 = arith.constant 128 : i32
      %dma_wait3A_77 = arith.constant 0 : i32
      %dma_wait3A_78 = tpu.memref_slice %arg12[%dma_wait3A_76, %dma_wait3A_77] : memref<512x32xf32, #tpu.memory_space<vmem>> -> memref<128x32xf32, #tpu.memory_space<vmem>>
      %dma_wait3A_79 = arith.constant 0 : i32
      %dma_wait3A_80 = tpu.memref_slice %arg9[%dma_wait3A_75, %dma_wait3A_79] : memref<4x128xi32, #tpu.memory_space<vmem>> -> memref<1x128xi32, #tpu.memory_space<vmem>>
      %dma_wait3A_81 = tpu.memref_squeeze %dma_wait3A_80 : memref<1x128xi32, #tpu.memory_space<vmem>> -> memref<128xi32, #tpu.memory_space<vmem>>
      %dma_wait3A_82 = arith.constant 0 : i32
      %dma_wait3A_83 = arith.constant 0 : i32
      %dma_wait3A_84 = tpu.memref_slice %arg2[%dma_wait3A_82, %dma_wait3A_83] : memref<100000x32xf32, #tpu.memory_space<hbm>> -> memref<100000x32xf32, #tpu.memory_space<hbm>>
      tpu.wait_indirect_dma semaphore(%arg13 : memref<!tpu.dma_semaphore, #tpu.memory_space<semaphore_mem>>) src(%dma_wait3A_84 : memref<100000x32xf32, #tpu.memory_space<hbm>>) dst(%dma_wait3A_78 : memref<128x32xf32, #tpu.memory_space<vmem>>)
      %dma_wait3A_85 = arith.constant 2 : i32
      %dma_wait3A_86 = arith.constant 256 : i32
      %dma_wait3A_87 = arith.constant 0 : i32
      %dma_wait3A_88 = tpu.memref_slice %arg12[%dma_wait3A_86, %dma_wait3A_87] : memref<512x32xf32, #tpu.memory_space<vmem>> -> memref<128x32xf32, #tpu.memory_space<vmem>>
      %dma_wait3A_89 = arith.constant 0 : i32
      %dma_wait3A_90 = tpu.memref_slice %arg9[%dma_wait3A_85, %dma_wait3A_89] : memref<4x128xi32, #tpu.memory_space<vmem>> -> memref<1x128xi32, #tpu.memory_space<vmem>>
      %dma_wait3A_91 = tpu.memref_squeeze %dma_wait3A_90 : memref<1x128xi32, #tpu.memory_space<vmem>> -> memref<128xi32, #tpu.memory_space<vmem>>
      %dma_wait3A_92 = arith.constant 0 : i32
      %dma_wait3A_93 = arith.constant 0 : i32
      %dma_wait3A_94 = tpu.memref_slice %arg2[%dma_wait3A_92, %dma_wait3A_93] : memref<100000x32xf32, #tpu.memory_space<hbm>> -> memref<100000x32xf32, #tpu.memory_space<hbm>>
      tpu.wait_indirect_dma semaphore(%arg13 : memref<!tpu.dma_semaphore, #tpu.memory_space<semaphore_mem>>) src(%dma_wait3A_94 : memref<100000x32xf32, #tpu.memory_space<hbm>>) dst(%dma_wait3A_88 : memref<128x32xf32, #tpu.memory_space<vmem>>)
      %dma_wait3A_95 = arith.constant 3 : i32
      %dma_wait3A_96 = arith.constant 384 : i32
      %dma_wait3A_97 = arith.constant 0 : i32
      %dma_wait3A_98 = tpu.memref_slice %arg12[%dma_wait3A_96, %dma_wait3A_97] : memref<512x32xf32, #tpu.memory_space<vmem>> -> memref<128x32xf32, #tpu.memory_space<vmem>>
      %dma_wait3A_99 = arith.constant 0 : i32
      %dma_wait3A_100 = tpu.memref_slice %arg9[%dma_wait3A_95, %dma_wait3A_99] : memref<4x128xi32, #tpu.memory_space<vmem>> -> memref<1x128xi32, #tpu.memory_space<vmem>>
      %dma_wait3A_101 = tpu.memref_squeeze %dma_wait3A_100 : memref<1x128xi32, #tpu.memory_space<vmem>> -> memref<128xi32, #tpu.memory_space<vmem>>
      %dma_wait3A_102 = arith.constant 0 : i32
      %dma_wait3A_103 = arith.constant 0 : i32
      %dma_wait3A_104 = tpu.memref_slice %arg2[%dma_wait3A_102, %dma_wait3A_103] : memref<100000x32xf32, #tpu.memory_space<hbm>> -> memref<100000x32xf32, #tpu.memory_space<hbm>>
      tpu.wait_indirect_dma semaphore(%arg13 : memref<!tpu.dma_semaphore, #tpu.memory_space<semaphore_mem>>) src(%dma_wait3A_104 : memref<100000x32xf32, #tpu.memory_space<hbm>>) dst(%dma_wait3A_98 : memref<128x32xf32, #tpu.memory_space<vmem>>)
      %scan3A_105 = arith.constant 0 : i32
      %scan3A_106 = arith.constant 0 : i32
      %scan3A_107 = arith.constant 128 : i32
      %scan3A_108 = arith.addi %scan3A_106, %scan3A_107 : i32
      %scan3A_109 = arith.constant 1 : i32
      scf.for %scan3A_114 = %scan3A_106 to %scan3A_108 step %scan3A_109  : i32 {
        %mul3A_115 = arith.constant 4 : i32
        %mul3A_116 = arith.muli %scan3A_114, %mul3A_115 : i32
        %add3A_117 = arith.constant 0 : i32
        %add3A_118 = arith.addi %mul3A_116, %add3A_117 : i32
        %broadcast_in_dim3A = vector.broadcast %add3A_118 : i32 to vector<16xi32>
        %gather3A = tpu.vector_load_idx %arg11[%broadcast_in_dim3A] : memref<512xf32, #tpu.memory_space<vmem>>[vector<16xi32>], vector<16xf32>,
        %gather3A_119 = tpu.vector_load_idx %arg12[%broadcast_in_dim3A, %iota3A] : memref<512x32xf32, #tpu.memory_space<vmem>>[vector<16xi32>, vector<16xi32>], vector<16xf32>,
        %add3A_120 = arith.constant 16 : i32
        %add3A_121 = vector.broadcast %add3A_120 : i32 to vector<16xi32>
        %add3A_122 = arith.addi %iota3A, %add3A_121 : vector<16xi32>
        %gather3A_123 = tpu.vector_load_idx %arg12[%broadcast_in_dim3A, %add3A_122] : memref<512x32xf32, #tpu.memory_space<vmem>>[vector<16xi32>, vector<16xi32>], vector<16xf32>,
        %mul3A_124 = arith.mulf %gather3A_119, %gather3A : vector<16xf32>
        tpu.vector_store_idx %arg12[%broadcast_in_dim3A, %iota3A], %mul3A_124 : memref<512x32xf32, #tpu.memory_space<vmem>>[vector<16xi32>, vector<16xi32>], vector<16xf32>,
        %add3A_125 = arith.constant 16 : i32
        %add3A_126 = vector.broadcast %add3A_125 : i32 to vector<16xi32>
        %add3A_127 = arith.addi %iota3A, %add3A_126 : vector<16xi32>
        %mul3A_128 = arith.mulf %gather3A_123, %gather3A : vector<16xf32>
        tpu.vector_store_idx %arg12[%broadcast_in_dim3A, %add3A_127], %mul3A_128 : memref<512x32xf32, #tpu.memory_space<vmem>>[vector<16xi32>, vector<16xi32>], vector<16xf32>,
        %mul3A_129 = arith.constant 4 : i32
        %mul3A_130 = arith.muli %scan3A_114, %mul3A_129 : i32
        %add3A_131 = arith.constant 1 : i32
        %add3A_132 = arith.addi %mul3A_130, %add3A_131 : i32
        %broadcast_in_dim3A_133 = vector.broadcast %add3A_132 : i32 to vector<16xi32>
        %gather3A_134 = tpu.vector_load_idx %arg11[%broadcast_in_dim3A_133] : memref<512xf32, #tpu.memory_space<vmem>>[vector<16xi32>], vector<16xf32>,
        %gather3A_135 = tpu.vector_load_idx %arg12[%broadcast_in_dim3A_133, %iota3A] : memref<512x32xf32, #tpu.memory_space<vmem>>[vector<16xi32>, vector<16xi32>], vector<16xf32>,
        %add3A_136 = arith.constant 16 : i32
        %add3A_137 = vector.broadcast %add3A_136 : i32 to vector<16xi32>
        %add3A_138 = arith.addi %iota3A, %add3A_137 : vector<16xi32>
        %gather3A_139 = tpu.vector_load_idx %arg12[%broadcast_in_dim3A_133, %add3A_138] : memref<512x32xf32, #tpu.memory_space<vmem>>[vector<16xi32>, vector<16xi32>], vector<16xf32>,
        %mul3A_140 = arith.mulf %gather3A_135, %gather3A_134 : vector<16xf32>
        tpu.vector_store_idx %arg12[%broadcast_in_dim3A_133, %iota3A], %mul3A_140 : memref<512x32xf32, #tpu.memory_space<vmem>>[vector<16xi32>, vector<16xi32>], vector<16xf32>,
        %add3A_141 = arith.constant 16 : i32
        %add3A_142 = vector.broadcast %add3A_141 : i32 to vector<16xi32>
        %add3A_143 = arith.addi %iota3A, %add3A_142 : vector<16xi32>
        %mul3A_144 = arith.mulf %gather3A_139, %gather3A_134 : vector<16xf32>
        tpu.vector_store_idx %arg12[%broadcast_in_dim3A_133, %add3A_143], %mul3A_144 : memref<512x32xf32, #tpu.memory_space<vmem>>[vector<16xi32>, vector<16xi32>], vector<16xf32>,
        %mul3A_145 = arith.constant 4 : i32
        %mul3A_146 = arith.muli %scan3A_114, %mul3A_145 : i32
        %add3A_147 = arith.constant 2 : i32
        %add3A_148 = arith.addi %mul3A_146, %add3A_147 : i32
        %broadcast_in_dim3A_149 = vector.broadcast %add3A_148 : i32 to vector<16xi32>
        %gather3A_150 = tpu.vector_load_idx %arg11[%broadcast_in_dim3A_149] : memref<512xf32, #tpu.memory_space<vmem>>[vector<16xi32>], vector<16xf32>,
        %gather3A_151 = tpu.vector_load_idx %arg12[%broadcast_in_dim3A_149, %iota3A] : memref<512x32xf32, #tpu.memory_space<vmem>>[vector<16xi32>, vector<16xi32>], vector<16xf32>,
        %add3A_152 = arith.constant 16 : i32
        %add3A_153 = vector.broadcast %add3A_152 : i32 to vector<16xi32>
        %add3A_154 = arith.addi %iota3A, %add3A_153 : vector<16xi32>
        %gather3A_155 = tpu.vector_load_idx %arg12[%broadcast_in_dim3A_149, %add3A_154] : memref<512x32xf32, #tpu.memory_space<vmem>>[vector<16xi32>, vector<16xi32>], vector<16xf32>,
        %mul3A_156 = arith.mulf %gather3A_151, %gather3A_150 : vector<16xf32>
        tpu.vector_store_idx %arg12[%broadcast_in_dim3A_149, %iota3A], %mul3A_156 : memref<512x32xf32, #tpu.memory_space<vmem>>[vector<16xi32>, vector<16xi32>], vector<16xf32>,
        %add3A_157 = arith.constant 16 : i32
        %add3A_158 = vector.broadcast %add3A_157 : i32 to vector<16xi32>
        %add3A_159 = arith.addi %iota3A, %add3A_158 : vector<16xi32>
        %mul3A_160 = arith.mulf %gather3A_155, %gather3A_150 : vector<16xf32>
        tpu.vector_store_idx %arg12[%broadcast_in_dim3A_149, %add3A_159], %mul3A_160 : memref<512x32xf32, #tpu.memory_space<vmem>>[vector<16xi32>, vector<16xi32>], vector<16xf32>,
        %mul3A_161 = arith.constant 4 : i32
        %mul3A_162 = arith.muli %scan3A_114, %mul3A_161 : i32
        %add3A_163 = arith.constant 3 : i32
        %add3A_164 = arith.addi %mul3A_162, %add3A_163 : i32
        %broadcast_in_dim3A_165 = vector.broadcast %add3A_164 : i32 to vector<16xi32>
        %gather3A_166 = tpu.vector_load_idx %arg11[%broadcast_in_dim3A_165] : memref<512xf32, #tpu.memory_space<vmem>>[vector<16xi32>], vector<16xf32>,
        %gather3A_167 = tpu.vector_load_idx %arg12[%broadcast_in_dim3A_165, %iota3A] : memref<512x32xf32, #tpu.memory_space<vmem>>[vector<16xi32>, vector<16xi32>], vector<16xf32>,
        %add3A_168 = arith.constant 16 : i32
        %add3A_169 = vector.broadcast %add3A_168 : i32 to vector<16xi32>
        %add3A_170 = arith.addi %iota3A, %add3A_169 : vector<16xi32>
        %gather3A_171 = tpu.vector_load_idx %arg12[%broadcast_in_dim3A_165, %add3A_170] : memref<512x32xf32, #tpu.memory_space<vmem>>[vector<16xi32>, vector<16xi32>], vector<16xf32>,
        %mul3A_172 = arith.mulf %gather3A_167, %gather3A_166 : vector<16xf32>
        tpu.vector_store_idx %arg12[%broadcast_in_dim3A_165, %iota3A], %mul3A_172 : memref<512x32xf32, #tpu.memory_space<vmem>>[vector<16xi32>, vector<16xi32>], vector<16xf32>,
        %add3A_173 = arith.constant 16 : i32
        %add3A_174 = vector.broadcast %add3A_173 : i32 to vector<16xi32>
        %add3A_175 = arith.addi %iota3A, %add3A_174 : vector<16xi32>
        %mul3A_176 = arith.mulf %gather3A_171, %gather3A_166 : vector<16xf32>
        tpu.vector_store_idx %arg12[%broadcast_in_dim3A_165, %add3A_175], %mul3A_176 : memref<512x32xf32, #tpu.memory_space<vmem>>[vector<16xi32>, vector<16xi32>], vector<16xf32>,
      }
      %scan3A_110 = arith.constant 128 : i32
      %run_scoped3A = arith.constant 0 : i32
      "tpu.region"() ({
        %run_scoped3A_114 = tpu.sem_alloc : memref<!tpu.dma_semaphore, #tpu.memory_space<semaphore_mem>>
        %dma_start3A_115 = arith.constant 0 : i32
        %dma_start3A_116 = arith.constant 0 : i32
        %dma_start3A_117 = tpu.memref_slice %arg12[%dma_start3A_115, %dma_start3A_116] : memref<512x32xf32, #tpu.memory_space<vmem>> -> memref<128x32xf32, #tpu.memory_space<vmem>>
        %dma_start3A_118 = arith.constant 0 : i32
        %dma_start3A_119 = tpu.memref_slice %arg10[%run_scoped3A, %dma_start3A_118] : memref<4x128xi32, #tpu.memory_space<vmem>> -> memref<1x128xi32, #tpu.memory_space<vmem>>
        %dma_start3A_120 = tpu.memref_squeeze %dma_start3A_119 : memref<1x128xi32, #tpu.memory_space<vmem>> -> memref<128xi32, #tpu.memory_space<vmem>>
        %dma_start3A_121 = arith.constant 0 : i32
        %dma_start3A_122 = arith.constant 0 : i32
        %dma_start3A_123 = tpu.memref_slice %arg8[%dma_start3A_121, %dma_start3A_122] : memref<50048x32xf32, #tpu.memory_space<vmem_shared>> -> memref<50048x32xf32, #tpu.memory_space<vmem_shared>>
        tpu.enqueue_indirect_dma source(%dma_start3A_117 : memref<128x32xf32, #tpu.memory_space<vmem>>) target(%dma_start3A_123 : memref<50048x32xf32, #tpu.memory_space<vmem_shared>>) offsets(%dma_start3A_120 : memref<128xi32, #tpu.memory_space<vmem>>) semaphore(%run_scoped3A_114 : memref<!tpu.dma_semaphore, #tpu.memory_space<semaphore_mem>>) {add = true}
        %dma_wait3A_124 = arith.constant 0 : i32
        %dma_wait3A_125 = arith.constant 0 : i32
        %dma_wait3A_126 = tpu.memref_slice %arg12[%dma_wait3A_124, %dma_wait3A_125] : memref<512x32xf32, #tpu.memory_space<vmem>> -> memref<128x32xf32, #tpu.memory_space<vmem>>
        %dma_wait3A_127 = arith.constant 0 : i32
        %dma_wait3A_128 = tpu.memref_slice %arg10[%run_scoped3A, %dma_wait3A_127] : memref<4x128xi32, #tpu.memory_space<vmem>> -> memref<1x128xi32, #tpu.memory_space<vmem>>
        %dma_wait3A_129 = tpu.memref_squeeze %dma_wait3A_128 : memref<1x128xi32, #tpu.memory_space<vmem>> -> memref<128xi32, #tpu.memory_space<vmem>>
        %dma_wait3A_130 = arith.constant 0 : i32
        %dma_wait3A_131 = arith.constant 0 : i32
        %dma_wait3A_132 = tpu.memref_slice %arg8[%dma_wait3A_130, %dma_wait3A_131] : memref<50048x32xf32, #tpu.memory_space<vmem_shared>> -> memref<50048x32xf32, #tpu.memory_space<vmem_shared>>
        tpu.wait_indirect_dma semaphore(%run_scoped3A_114 : memref<!tpu.dma_semaphore, #tpu.memory_space<semaphore_mem>>) src(%dma_wait3A_126 : memref<128x32xf32, #tpu.memory_space<vmem>>) dst(%dma_wait3A_132 : memref<50048x32xf32, #tpu.memory_space<vmem_shared>>)
        tpu.yield
      }) : () -> ()
      %run_scoped3A_111 = arith.constant 1 : i32
      "tpu.region"() ({
        %run_scoped3A_114 = tpu.sem_alloc : memref<!tpu.dma_semaphore, #tpu.memory_space<semaphore_mem>>
        %dma_start3A_115 = arith.constant 128 : i32
        %dma_start3A_116 = arith.constant 0 : i32
        %dma_start3A_117 = tpu.memref_slice %arg12[%dma_start3A_115, %dma_start3A_116] : memref<512x32xf32, #tpu.memory_space<vmem>> -> memref<128x32xf32, #tpu.memory_space<vmem>>
        %dma_start3A_118 = arith.constant 0 : i32
        %dma_start3A_119 = tpu.memref_slice %arg10[%run_scoped3A_111, %dma_start3A_118] : memref<4x128xi32, #tpu.memory_space<vmem>> -> memref<1x128xi32, #tpu.memory_space<vmem>>
        %dma_start3A_120 = tpu.memref_squeeze %dma_start3A_119 : memref<1x128xi32, #tpu.memory_space<vmem>> -> memref<128xi32, #tpu.memory_space<vmem>>
        %dma_start3A_121 = arith.constant 0 : i32
        %dma_start3A_122 = arith.constant 0 : i32
        %dma_start3A_123 = tpu.memref_slice %arg8[%dma_start3A_121, %dma_start3A_122] : memref<50048x32xf32, #tpu.memory_space<vmem_shared>> -> memref<50048x32xf32, #tpu.memory_space<vmem_shared>>
        tpu.enqueue_indirect_dma source(%dma_start3A_117 : memref<128x32xf32, #tpu.memory_space<vmem>>) target(%dma_start3A_123 : memref<50048x32xf32, #tpu.memory_space<vmem_shared>>) offsets(%dma_start3A_120 : memref<128xi32, #tpu.memory_space<vmem>>) semaphore(%run_scoped3A_114 : memref<!tpu.dma_semaphore, #tpu.memory_space<semaphore_mem>>) {add = true}
        %dma_wait3A_124 = arith.constant 128 : i32
        %dma_wait3A_125 = arith.constant 0 : i32
        %dma_wait3A_126 = tpu.memref_slice %arg12[%dma_wait3A_124, %dma_wait3A_125] : memref<512x32xf32, #tpu.memory_space<vmem>> -> memref<128x32xf32, #tpu.memory_space<vmem>>
        %dma_wait3A_127 = arith.constant 0 : i32
        %dma_wait3A_128 = tpu.memref_slice %arg10[%run_scoped3A_111, %dma_wait3A_127] : memref<4x128xi32, #tpu.memory_space<vmem>> -> memref<1x128xi32, #tpu.memory_space<vmem>>
        %dma_wait3A_129 = tpu.memref_squeeze %dma_wait3A_128 : memref<1x128xi32, #tpu.memory_space<vmem>> -> memref<128xi32, #tpu.memory_space<vmem>>
        %dma_wait3A_130 = arith.constant 0 : i32
        %dma_wait3A_131 = arith.constant 0 : i32
        %dma_wait3A_132 = tpu.memref_slice %arg8[%dma_wait3A_130, %dma_wait3A_131] : memref<50048x32xf32, #tpu.memory_space<vmem_shared>> -> memref<50048x32xf32, #tpu.memory_space<vmem_shared>>
        tpu.wait_indirect_dma semaphore(%run_scoped3A_114 : memref<!tpu.dma_semaphore, #tpu.memory_space<semaphore_mem>>) src(%dma_wait3A_126 : memref<128x32xf32, #tpu.memory_space<vmem>>) dst(%dma_wait3A_132 : memref<50048x32xf32, #tpu.memory_space<vmem_shared>>)
        tpu.yield
      }) : () -> ()
      %run_scoped3A_112 = arith.constant 2 : i32
      "tpu.region"() ({
        %run_scoped3A_114 = tpu.sem_alloc : memref<!tpu.dma_semaphore, #tpu.memory_space<semaphore_mem>>
        %dma_start3A_115 = arith.constant 256 : i32
        %dma_start3A_116 = arith.constant 0 : i32
        %dma_start3A_117 = tpu.memref_slice %arg12[%dma_start3A_115, %dma_start3A_116] : memref<512x32xf32, #tpu.memory_space<vmem>> -> memref<128x32xf32, #tpu.memory_space<vmem>>
        %dma_start3A_118 = arith.constant 0 : i32
        %dma_start3A_119 = tpu.memref_slice %arg10[%run_scoped3A_112, %dma_start3A_118] : memref<4x128xi32, #tpu.memory_space<vmem>> -> memref<1x128xi32, #tpu.memory_space<vmem>>
        %dma_start3A_120 = tpu.memref_squeeze %dma_start3A_119 : memref<1x128xi32, #tpu.memory_space<vmem>> -> memref<128xi32, #tpu.memory_space<vmem>>
        %dma_start3A_121 = arith.constant 0 : i32
        %dma_start3A_122 = arith.constant 0 : i32
        %dma_start3A_123 = tpu.memref_slice %arg8[%dma_start3A_121, %dma_start3A_122] : memref<50048x32xf32, #tpu.memory_space<vmem_shared>> -> memref<50048x32xf32, #tpu.memory_space<vmem_shared>>
        tpu.enqueue_indirect_dma source(%dma_start3A_117 : memref<128x32xf32, #tpu.memory_space<vmem>>) target(%dma_start3A_123 : memref<50048x32xf32, #tpu.memory_space<vmem_shared>>) offsets(%dma_start3A_120 : memref<128xi32, #tpu.memory_space<vmem>>) semaphore(%run_scoped3A_114 : memref<!tpu.dma_semaphore, #tpu.memory_space<semaphore_mem>>) {add = true}
        %dma_wait3A_124 = arith.constant 256 : i32
        %dma_wait3A_125 = arith.constant 0 : i32
        %dma_wait3A_126 = tpu.memref_slice %arg12[%dma_wait3A_124, %dma_wait3A_125] : memref<512x32xf32, #tpu.memory_space<vmem>> -> memref<128x32xf32, #tpu.memory_space<vmem>>
        %dma_wait3A_127 = arith.constant 0 : i32
        %dma_wait3A_128 = tpu.memref_slice %arg10[%run_scoped3A_112, %dma_wait3A_127] : memref<4x128xi32, #tpu.memory_space<vmem>> -> memref<1x128xi32, #tpu.memory_space<vmem>>
        %dma_wait3A_129 = tpu.memref_squeeze %dma_wait3A_128 : memref<1x128xi32, #tpu.memory_space<vmem>> -> memref<128xi32, #tpu.memory_space<vmem>>
        %dma_wait3A_130 = arith.constant 0 : i32
        %dma_wait3A_131 = arith.constant 0 : i32
        %dma_wait3A_132 = tpu.memref_slice %arg8[%dma_wait3A_130, %dma_wait3A_131] : memref<50048x32xf32, #tpu.memory_space<vmem_shared>> -> memref<50048x32xf32, #tpu.memory_space<vmem_shared>>
        tpu.wait_indirect_dma semaphore(%run_scoped3A_114 : memref<!tpu.dma_semaphore, #tpu.memory_space<semaphore_mem>>) src(%dma_wait3A_126 : memref<128x32xf32, #tpu.memory_space<vmem>>) dst(%dma_wait3A_132 : memref<50048x32xf32, #tpu.memory_space<vmem_shared>>)
        tpu.yield
      }) : () -> ()
      %run_scoped3A_113 = arith.constant 3 : i32
      "tpu.region"() ({
        %run_scoped3A_114 = tpu.sem_alloc : memref<!tpu.dma_semaphore, #tpu.memory_space<semaphore_mem>>
        %dma_start3A_115 = arith.constant 384 : i32
        %dma_start3A_116 = arith.constant 0 : i32
        %dma_start3A_117 = tpu.memref_slice %arg12[%dma_start3A_115, %dma_start3A_116] : memref<512x32xf32, #tpu.memory_space<vmem>> -> memref<128x32xf32, #tpu.memory_space<vmem>>
        %dma_start3A_118 = arith.constant 0 : i32
        %dma_start3A_119 = tpu.memref_slice %arg10[%run_scoped3A_113, %dma_start3A_118] : memref<4x128xi32, #tpu.memory_space<vmem>> -> memref<1x128xi32, #tpu.memory_space<vmem>>
        %dma_start3A_120 = tpu.memref_squeeze %dma_start3A_119 : memref<1x128xi32, #tpu.memory_space<vmem>> -> memref<128xi32, #tpu.memory_space<vmem>>
        %dma_start3A_121 = arith.constant 0 : i32
        %dma_start3A_122 = arith.constant 0 : i32
        %dma_start3A_123 = tpu.memref_slice %arg8[%dma_start3A_121, %dma_start3A_122] : memref<50048x32xf32, #tpu.memory_space<vmem_shared>> -> memref<50048x32xf32, #tpu.memory_space<vmem_shared>>
        tpu.enqueue_indirect_dma source(%dma_start3A_117 : memref<128x32xf32, #tpu.memory_space<vmem>>) target(%dma_start3A_123 : memref<50048x32xf32, #tpu.memory_space<vmem_shared>>) offsets(%dma_start3A_120 : memref<128xi32, #tpu.memory_space<vmem>>) semaphore(%run_scoped3A_114 : memref<!tpu.dma_semaphore, #tpu.memory_space<semaphore_mem>>) {add = true}
        %dma_wait3A_124 = arith.constant 384 : i32
        %dma_wait3A_125 = arith.constant 0 : i32
        %dma_wait3A_126 = tpu.memref_slice %arg12[%dma_wait3A_124, %dma_wait3A_125] : memref<512x32xf32, #tpu.memory_space<vmem>> -> memref<128x32xf32, #tpu.memory_space<vmem>>
        %dma_wait3A_127 = arith.constant 0 : i32
        %dma_wait3A_128 = tpu.memref_slice %arg10[%run_scoped3A_113, %dma_wait3A_127] : memref<4x128xi32, #tpu.memory_space<vmem>> -> memref<1x128xi32, #tpu.memory_space<vmem>>
        %dma_wait3A_129 = tpu.memref_squeeze %dma_wait3A_128 : memref<1x128xi32, #tpu.memory_space<vmem>> -> memref<128xi32, #tpu.memory_space<vmem>>
        %dma_wait3A_130 = arith.constant 0 : i32
        %dma_wait3A_131 = arith.constant 0 : i32
        %dma_wait3A_132 = tpu.memref_slice %arg8[%dma_wait3A_130, %dma_wait3A_131] : memref<50048x32xf32, #tpu.memory_space<vmem_shared>> -> memref<50048x32xf32, #tpu.memory_space<vmem_shared>>
        tpu.wait_indirect_dma semaphore(%run_scoped3A_114 : memref<!tpu.dma_semaphore, #tpu.memory_space<semaphore_mem>>) src(%dma_wait3A_126 : memref<128x32xf32, #tpu.memory_space<vmem>>) dst(%dma_wait3A_132 : memref<50048x32xf32, #tpu.memory_space<vmem_shared>>)
        tpu.yield
      }) : () -> ()
    }
    %scan3A_5 = arith.constant 100 : i32
    %barrier3A_6 = arith.constant 0 : index
    tpu.barrier barrier_id(%barrier3A_6)
    %mul3A_7 = arith.constant 3128 : i32
    %mul3A_8 = arith.muli %arg1, %mul3A_7 : i32
    %mul3A_9 = arith.constant 50048 : i32
    %mul3A_10 = arith.muli %arg0, %mul3A_9 : i32
    %mul3A_11 = arith.constant 3128 : i32
    %mul3A_12 = arith.muli %arg1, %mul3A_11 : i32
    %add3A = arith.addi %mul3A_10, %mul3A_12 : i32
    "tpu.region"() ({
      %run_scoped3A = tpu.sem_alloc : memref<!tpu.dma_semaphore, #tpu.memory_space<semaphore_mem>>
      %dma_start3A = arith.constant 0 : i32
      %dma_start3A_13 = tpu.memref_slice %arg7[%add3A, %dma_start3A] : memref<100096x32xf32, #tpu.memory_space<hbm>> -> memref<3128x32xf32, #tpu.memory_space<hbm>>
      %dma_start3A_14 = arith.constant 0 : i32
      %dma_start3A_15 = tpu.memref_slice %arg8[%mul3A_8, %dma_start3A_14] : memref<50048x32xf32, #tpu.memory_space<vmem_shared>> -> memref<3128x32xf32, #tpu.memory_space<vmem_shared>>
      tpu.enqueue_dma source(%dma_start3A_15 : memref<3128x32xf32, #tpu.memory_space<vmem_shared>>) target(%dma_start3A_13 : memref<3128x32xf32, #tpu.memory_space<hbm>>) target_semaphore(%run_scoped3A : memref<!tpu.dma_semaphore, #tpu.memory_space<semaphore_mem>>)
      %dma_wait3A = arith.constant 0 : i32
      %dma_wait3A_16 = tpu.memref_slice %arg7[%add3A, %dma_wait3A] : memref<100096x32xf32, #tpu.memory_space<hbm>> -> memref<3128x32xf32, #tpu.memory_space<hbm>>
      %dma_wait3A_17 = arith.constant 0 : i32
      %dma_wait3A_18 = tpu.memref_slice %arg8[%mul3A_8, %dma_wait3A_17] : memref<50048x32xf32, #tpu.memory_space<vmem_shared>> -> memref<3128x32xf32, #tpu.memory_space<vmem_shared>>
      tpu.wait_dma2 semaphore(%run_scoped3A : memref<!tpu.dma_semaphore, #tpu.memory_space<semaphore_mem>>) src(%dma_wait3A_18 : memref<3128x32xf32, #tpu.memory_space<vmem_shared>>) dst(%dma_wait3A_16 : memref<3128x32xf32, #tpu.memory_space<hbm>>)
      tpu.yield
    }) : () -> ()
    return
  }
}

#map = affine_map<(d0, d1) -> (0, 0)>
#map1 = affine_map<(d0, d1) -> (0)>
module attributes {stable_mosaic.version = 14 : i64} {
  func.func @_sc_body(%arg0: i32, %arg1: i32, %arg2: memref<100000x32xf32, #tpu.memory_space<hbm>>, %arg3: memref<12800x128xi32, #tpu.memory_space<hbm>>, %arg4: memref<6400x128xi32, #tpu.memory_space<hbm>>, %arg5: memref<819200xf32, #tpu.memory_space<hbm>>, %arg6: memref<3128x32xf32, #tpu.memory_space<hbm>>, %arg7: memref<100096x32xf32, #tpu.memory_space<hbm>>, %arg8: memref<50048x32xf32, #tpu.memory_space<vmem_shared>>, %arg9: memref<4x128xi32, #tpu.memory_space<vmem>>, %arg10: memref<4x128xi32, #tpu.memory_space<vmem>>, %arg11: memref<512xf32, #tpu.memory_space<vmem>>, %arg12: memref<512x32xf32, #tpu.memory_space<vmem>>, %arg13: memref<!tpu.dma_semaphore, #tpu.memory_space<semaphore_mem>>) attributes {dimension_semantics = [#tpu.dimension_semantics<core_parallel>, #tpu.dimension_semantics<subcore_parallel>], iteration_bounds = array<i64: 2, 16>, scalar_prefetch = 0 : i64, scratch_operands = 6 : i64, tpu.core_type = #tpu.core_type<sc_vector_subcore>, window_params = [{transform_indices = #map}, {transform_indices = #map}, {transform_indices = #map}, {transform_indices = #map1}, {transform_indices = #map}, {transform_indices = #map}]} {
    %mul3A = arith.constant 3128 : i32
    %mul3A_0 = arith.muli %arg1, %mul3A : i32
    "tpu.region"() ({
      %run_scoped3A = tpu.sem_alloc : memref<!tpu.dma_semaphore, #tpu.memory_space<semaphore_mem>>
      %dma_start3A = arith.constant 0 : i32
      %dma_start3A_13 = tpu.memref_slice %arg8[%mul3A_0, %dma_start3A] : memref<50048x32xf32, #tpu.memory_space<vmem_shared>> -> memref<3128x32xf32, #tpu.memory_space<vmem_shared>>
      tpu.enqueue_dma source(%arg6 : memref<3128x32xf32, #tpu.memory_space<hbm>>) target(%dma_start3A_13 : memref<3128x32xf32, #tpu.memory_space<vmem_shared>>) target_semaphore(%run_scoped3A : memref<!tpu.dma_semaphore, #tpu.memory_space<semaphore_mem>>)
      %dma_wait3A = arith.constant 0 : i32
      %dma_wait3A_14 = tpu.memref_slice %arg8[%mul3A_0, %dma_wait3A] : memref<50048x32xf32, #tpu.memory_space<vmem_shared>> -> memref<3128x32xf32, #tpu.memory_space<vmem_shared>>
      tpu.wait_dma2 semaphore(%run_scoped3A : memref<!tpu.dma_semaphore, #tpu.memory_space<semaphore_mem>>) src(%arg6 : memref<3128x32xf32, #tpu.memory_space<hbm>>) dst(%dma_wait3A_14 : memref<3128x32xf32, #tpu.memory_space<vmem_shared>>)
      tpu.yield
    }) : () -> ()
    %barrier3A = arith.constant 0 : index
    tpu.barrier barrier_id(%barrier3A)
    %iota3A = tpu.iota {dimensions = array<i32: 0>} : vector<16xi32>
    %scan3A = arith.constant 0 : i32
    %scan3A_1 = arith.constant 0 : i32
    %scan3A_2 = arith.constant 100 : i32
    %scan3A_3 = arith.addi %scan3A_1, %scan3A_2 : i32
    %scan3A_4 = arith.constant 1 : i32
    scf.for %scan3A_13 = %scan3A_1 to %scan3A_3 step %scan3A_4  : i32 {
      %mul3A_14 = arith.constant 51200 : i32
      %mul3A_15 = arith.muli %arg1, %mul3A_14 : i32
      %mul3A_16 = arith.constant 512 : i32
      %mul3A_17 = arith.muli %scan3A_13, %mul3A_16 : i32
      %add3A_18 = arith.addi %mul3A_15, %mul3A_17 : i32
      %mul3A_19 = arith.constant 400 : i32
      %mul3A_20 = arith.muli %arg1, %mul3A_19 : i32
      %mul3A_21 = arith.constant 4 : i32
      %mul3A_22 = arith.muli %scan3A_13, %mul3A_21 : i32
      %add3A_23 = arith.addi %mul3A_20, %mul3A_22 : i32
      %mul3A_24 = arith.constant 6400 : i32
      %mul3A_25 = arith.muli %arg0, %mul3A_24 : i32
      %add3A_26 = arith.addi %mul3A_25, %add3A_23 : i32
      "tpu.region"() ({
        %run_scoped3A_114 = tpu.sem_alloc : memref<!tpu.dma_semaphore, #tpu.memory_space<semaphore_mem>>
        %dma_start3A_115 = arith.constant 0 : i32
        %dma_start3A_116 = tpu.memref_slice %arg3[%add3A_26, %dma_start3A_115] : memref<12800x128xi32, #tpu.memory_space<hbm>> -> memref<4x128xi32, #tpu.memory_space<hbm>>
        %dma_start3A_117 = arith.constant 0 : i32
        %dma_start3A_118 = tpu.memref_slice %arg3[%add3A_26, %dma_start3A_117] : memref<12800x128xi32, #tpu.memory_space<hbm>> -> memref<4x128xi32, #tpu.memory_space<hbm>>
        tpu.enqueue_dma source(%dma_start3A_118 : memref<4x128xi32, #tpu.memory_space<hbm>>) target(%arg9 : memref<4x128xi32, #tpu.memory_space<vmem>>) target_semaphore(%run_scoped3A_114 : memref<!tpu.dma_semaphore, #tpu.memory_space<semaphore_mem>>)
        %dma_wait3A_119 = arith.constant 0 : i32
        %dma_wait3A_120 = tpu.memref_slice %arg3[%add3A_26, %dma_wait3A_119] : memref<12800x128xi32, #tpu.memory_space<hbm>> -> memref<4x128xi32, #tpu.memory_space<hbm>>
        %dma_wait3A_121 = arith.constant 0 : i32
        %dma_wait3A_122 = tpu.memref_slice %arg3[%add3A_26, %dma_wait3A_121] : memref<12800x128xi32, #tpu.memory_space<hbm>> -> memref<4x128xi32, #tpu.memory_space<hbm>>
        tpu.wait_dma2 semaphore(%run_scoped3A_114 : memref<!tpu.dma_semaphore, #tpu.memory_space<semaphore_mem>>) src(%dma_wait3A_122 : memref<4x128xi32, #tpu.memory_space<hbm>>) dst(%arg9 : memref<4x128xi32, #tpu.memory_space<vmem>>)
        tpu.yield
      }) : () -> ()
      "tpu.region"() ({
        %run_scoped3A_114 = tpu.sem_alloc : memref<!tpu.dma_semaphore, #tpu.memory_space<semaphore_mem>>
        %dma_start3A_115 = arith.constant 0 : i32
        %dma_start3A_116 = tpu.memref_slice %arg4[%add3A_23, %dma_start3A_115] : memref<6400x128xi32, #tpu.memory_space<hbm>> -> memref<4x128xi32, #tpu.memory_space<hbm>>
        %dma_start3A_117 = arith.constant 0 : i32
        %dma_start3A_118 = tpu.memref_slice %arg4[%add3A_23, %dma_start3A_117] : memref<6400x128xi32, #tpu.memory_space<hbm>> -> memref<4x128xi32, #tpu.memory_space<hbm>>
        tpu.enqueue_dma source(%dma_start3A_118 : memref<4x128xi32, #tpu.memory_space<hbm>>) target(%arg10 : memref<4x128xi32, #tpu.memory_space<vmem>>) target_semaphore(%run_scoped3A_114 : memref<!tpu.dma_semaphore, #tpu.memory_space<semaphore_mem>>)
        %dma_wait3A_119 = arith.constant 0 : i32
        %dma_wait3A_120 = tpu.memref_slice %arg4[%add3A_23, %dma_wait3A_119] : memref<6400x128xi32, #tpu.memory_space<hbm>> -> memref<4x128xi32, #tpu.memory_space<hbm>>
        %dma_wait3A_121 = arith.constant 0 : i32
        %dma_wait3A_122 = tpu.memref_slice %arg4[%add3A_23, %dma_wait3A_121] : memref<6400x128xi32, #tpu.memory_space<hbm>> -> memref<4x128xi32, #tpu.memory_space<hbm>>
        tpu.wait_dma2 semaphore(%run_scoped3A_114 : memref<!tpu.dma_semaphore, #tpu.memory_space<semaphore_mem>>) src(%dma_wait3A_122 : memref<4x128xi32, #tpu.memory_space<hbm>>) dst(%arg10 : memref<4x128xi32, #tpu.memory_space<vmem>>)
        tpu.yield
      }) : () -> ()
      "tpu.region"() ({
        %run_scoped3A_114 = tpu.sem_alloc : memref<!tpu.dma_semaphore, #tpu.memory_space<semaphore_mem>>
        %dma_start3A_115 = tpu.memref_slice %arg5[%add3A_18] : memref<819200xf32, #tpu.memory_space<hbm>> -> memref<512xf32, #tpu.memory_space<hbm>>
        %dma_start3A_116 = tpu.memref_slice %arg5[%add3A_18] : memref<819200xf32, #tpu.memory_space<hbm>> -> memref<512xf32, #tpu.memory_space<hbm>>
        tpu.enqueue_dma source(%dma_start3A_116 : memref<512xf32, #tpu.memory_space<hbm>>) target(%arg11 : memref<512xf32, #tpu.memory_space<vmem>>) target_semaphore(%run_scoped3A_114 : memref<!tpu.dma_semaphore, #tpu.memory_space<semaphore_mem>>)
        %dma_wait3A_117 = tpu.memref_slice %arg5[%add3A_18] : memref<819200xf32, #tpu.memory_space<hbm>> -> memref<512xf32, #tpu.memory_space<hbm>>
        %dma_wait3A_118 = tpu.memref_slice %arg5[%add3A_18] : memref<819200xf32, #tpu.memory_space<hbm>> -> memref<512xf32, #tpu.memory_space<hbm>>
        tpu.wait_dma2 semaphore(%run_scoped3A_114 : memref<!tpu.dma_semaphore, #tpu.memory_space<semaphore_mem>>) src(%dma_wait3A_118 : memref<512xf32, #tpu.memory_space<hbm>>) dst(%arg11 : memref<512xf32, #tpu.memory_space<vmem>>)
        tpu.yield
      }) : () -> ()
      %dma_start3A = arith.constant 0 : i32
      %dma_start3A_27 = arith.constant 0 : i32
      %dma_start3A_28 = arith.constant 0 : i32
      %dma_start3A_29 = tpu.memref_slice %arg12[%dma_start3A_27, %dma_start3A_28] : memref<512x32xf32, #tpu.memory_space<vmem>> -> memref<128x32xf32, #tpu.memory_space<vmem>>
      %dma_start3A_30 = arith.constant 0 : i32
      %dma_start3A_31 = tpu.memref_slice %arg9[%dma_start3A, %dma_start3A_30] : memref<4x128xi32, #tpu.memory_space<vmem>> -> memref<1x128xi32, #tpu.memory_space<vmem>>
      %dma_start3A_32 = tpu.memref_squeeze %dma_start3A_31 : memref<1x128xi32, #tpu.memory_space<vmem>> -> memref<128xi32, #tpu.memory_space<vmem>>
      %dma_start3A_33 = arith.constant 0 : i32
      %dma_start3A_34 = arith.constant 0 : i32
      %dma_start3A_35 = tpu.memref_slice %arg2[%dma_start3A_33, %dma_start3A_34] : memref<100000x32xf32, #tpu.memory_space<hbm>> -> memref<100000x32xf32, #tpu.memory_space<hbm>>
      tpu.enqueue_indirect_dma source(%dma_start3A_35 : memref<100000x32xf32, #tpu.memory_space<hbm>>) target(%dma_start3A_29 : memref<128x32xf32, #tpu.memory_space<vmem>>) offsets(%dma_start3A_32 : memref<128xi32, #tpu.memory_space<vmem>>) semaphore(%arg13 : memref<!tpu.dma_semaphore, #tpu.memory_space<semaphore_mem>>)
      %dma_start3A_36 = arith.constant 1 : i32
      %dma_start3A_37 = arith.constant 128 : i32
      %dma_start3A_38 = arith.constant 0 : i32
      %dma_start3A_39 = tpu.memref_slice %arg12[%dma_start3A_37, %dma_start3A_38] : memref<512x32xf32, #tpu.memory_space<vmem>> -> memref<128x32xf32, #tpu.memory_space<vmem>>
      %dma_start3A_40 = arith.constant 0 : i32
      %dma_start3A_41 = tpu.memref_slice %arg9[%dma_start3A_36, %dma_start3A_40] : memref<4x128xi32, #tpu.memory_space<vmem>> -> memref<1x128xi32, #tpu.memory_space<vmem>>
      %dma_start3A_42 = tpu.memref_squeeze %dma_start3A_41 : memref<1x128xi32, #tpu.memory_space<vmem>> -> memref<128xi32, #tpu.memory_space<vmem>>
      %dma_start3A_43 = arith.constant 0 : i32
      %dma_start3A_44 = arith.constant 0 : i32
      %dma_start3A_45 = tpu.memref_slice %arg2[%dma_start3A_43, %dma_start3A_44] : memref<100000x32xf32, #tpu.memory_space<hbm>> -> memref<100000x32xf32, #tpu.memory_space<hbm>>
      tpu.enqueue_indirect_dma source(%dma_start3A_45 : memref<100000x32xf32, #tpu.memory_space<hbm>>) target(%dma_start3A_39 : memref<128x32xf32, #tpu.memory_space<vmem>>) offsets(%dma_start3A_42 : memref<128xi32, #tpu.memory_space<vmem>>) semaphore(%arg13 : memref<!tpu.dma_semaphore, #tpu.memory_space<semaphore_mem>>)
      %dma_start3A_46 = arith.constant 2 : i32
      %dma_start3A_47 = arith.constant 256 : i32
      %dma_start3A_48 = arith.constant 0 : i32
      %dma_start3A_49 = tpu.memref_slice %arg12[%dma_start3A_47, %dma_start3A_48] : memref<512x32xf32, #tpu.memory_space<vmem>> -> memref<128x32xf32, #tpu.memory_space<vmem>>
      %dma_start3A_50 = arith.constant 0 : i32
      %dma_start3A_51 = tpu.memref_slice %arg9[%dma_start3A_46, %dma_start3A_50] : memref<4x128xi32, #tpu.memory_space<vmem>> -> memref<1x128xi32, #tpu.memory_space<vmem>>
      %dma_start3A_52 = tpu.memref_squeeze %dma_start3A_51 : memref<1x128xi32, #tpu.memory_space<vmem>> -> memref<128xi32, #tpu.memory_space<vmem>>
      %dma_start3A_53 = arith.constant 0 : i32
      %dma_start3A_54 = arith.constant 0 : i32
      %dma_start3A_55 = tpu.memref_slice %arg2[%dma_start3A_53, %dma_start3A_54] : memref<100000x32xf32, #tpu.memory_space<hbm>> -> memref<100000x32xf32, #tpu.memory_space<hbm>>
      tpu.enqueue_indirect_dma source(%dma_start3A_55 : memref<100000x32xf32, #tpu.memory_space<hbm>>) target(%dma_start3A_49 : memref<128x32xf32, #tpu.memory_space<vmem>>) offsets(%dma_start3A_52 : memref<128xi32, #tpu.memory_space<vmem>>) semaphore(%arg13 : memref<!tpu.dma_semaphore, #tpu.memory_space<semaphore_mem>>)
      %dma_start3A_56 = arith.constant 3 : i32
      %dma_start3A_57 = arith.constant 384 : i32
      %dma_start3A_58 = arith.constant 0 : i32
      %dma_start3A_59 = tpu.memref_slice %arg12[%dma_start3A_57, %dma_start3A_58] : memref<512x32xf32, #tpu.memory_space<vmem>> -> memref<128x32xf32, #tpu.memory_space<vmem>>
      %dma_start3A_60 = arith.constant 0 : i32
      %dma_start3A_61 = tpu.memref_slice %arg9[%dma_start3A_56, %dma_start3A_60] : memref<4x128xi32, #tpu.memory_space<vmem>> -> memref<1x128xi32, #tpu.memory_space<vmem>>
      %dma_start3A_62 = tpu.memref_squeeze %dma_start3A_61 : memref<1x128xi32, #tpu.memory_space<vmem>> -> memref<128xi32, #tpu.memory_space<vmem>>
      %dma_start3A_63 = arith.constant 0 : i32
      %dma_start3A_64 = arith.constant 0 : i32
      %dma_start3A_65 = tpu.memref_slice %arg2[%dma_start3A_63, %dma_start3A_64] : memref<100000x32xf32, #tpu.memory_space<hbm>> -> memref<100000x32xf32, #tpu.memory_space<hbm>>
      tpu.enqueue_indirect_dma source(%dma_start3A_65 : memref<100000x32xf32, #tpu.memory_space<hbm>>) target(%dma_start3A_59 : memref<128x32xf32, #tpu.memory_space<vmem>>) offsets(%dma_start3A_62 : memref<128xi32, #tpu.memory_space<vmem>>) semaphore(%arg13 : memref<!tpu.dma_semaphore, #tpu.memory_space<semaphore_mem>>)
      %dma_wait3A = arith.constant 0 : i32
      %dma_wait3A_66 = arith.constant 0 : i32
      %dma_wait3A_67 = arith.constant 0 : i32
      %dma_wait3A_68 = tpu.memref_slice %arg12[%dma_wait3A_66, %dma_wait3A_67] : memref<512x32xf32, #tpu.memory_space<vmem>> -> memref<128x32xf32, #tpu.memory_space<vmem>>
      %dma_wait3A_69 = arith.constant 0 : i32
      %dma_wait3A_70 = tpu.memref_slice %arg9[%dma_wait3A, %dma_wait3A_69] : memref<4x128xi32, #tpu.memory_space<vmem>> -> memref<1x128xi32, #tpu.memory_space<vmem>>
      %dma_wait3A_71 = tpu.memref_squeeze %dma_wait3A_70 : memref<1x128xi32, #tpu.memory_space<vmem>> -> memref<128xi32, #tpu.memory_space<vmem>>
      %dma_wait3A_72 = arith.constant 0 : i32
      %dma_wait3A_73 = arith.constant 0 : i32
      %dma_wait3A_74 = tpu.memref_slice %arg2[%dma_wait3A_72, %dma_wait3A_73] : memref<100000x32xf32, #tpu.memory_space<hbm>> -> memref<100000x32xf32, #tpu.memory_space<hbm>>
      tpu.wait_indirect_dma semaphore(%arg13 : memref<!tpu.dma_semaphore, #tpu.memory_space<semaphore_mem>>) src(%dma_wait3A_74 : memref<100000x32xf32, #tpu.memory_space<hbm>>) dst(%dma_wait3A_68 : memref<128x32xf32, #tpu.memory_space<vmem>>)
      %dma_wait3A_75 = arith.constant 1 : i32
      %dma_wait3A_76 = arith.constant 128 : i32
      %dma_wait3A_77 = arith.constant 0 : i32
      %dma_wait3A_78 = tpu.memref_slice %arg12[%dma_wait3A_76, %dma_wait3A_77] : memref<512x32xf32, #tpu.memory_space<vmem>> -> memref<128x32xf32, #tpu.memory_space<vmem>>
      %dma_wait3A_79 = arith.constant 0 : i32
      %dma_wait3A_80 = tpu.memref_slice %arg9[%dma_wait3A_75, %dma_wait3A_79] : memref<4x128xi32, #tpu.memory_space<vmem>> -> memref<1x128xi32, #tpu.memory_space<vmem>>
      %dma_wait3A_81 = tpu.memref_squeeze %dma_wait3A_80 : memref<1x128xi32, #tpu.memory_space<vmem>> -> memref<128xi32, #tpu.memory_space<vmem>>
      %dma_wait3A_82 = arith.constant 0 : i32
      %dma_wait3A_83 = arith.constant 0 : i32
      %dma_wait3A_84 = tpu.memref_slice %arg2[%dma_wait3A_82, %dma_wait3A_83] : memref<100000x32xf32, #tpu.memory_space<hbm>> -> memref<100000x32xf32, #tpu.memory_space<hbm>>
      tpu.wait_indirect_dma semaphore(%arg13 : memref<!tpu.dma_semaphore, #tpu.memory_space<semaphore_mem>>) src(%dma_wait3A_84 : memref<100000x32xf32, #tpu.memory_space<hbm>>) dst(%dma_wait3A_78 : memref<128x32xf32, #tpu.memory_space<vmem>>)
      %dma_wait3A_85 = arith.constant 2 : i32
      %dma_wait3A_86 = arith.constant 256 : i32
      %dma_wait3A_87 = arith.constant 0 : i32
      %dma_wait3A_88 = tpu.memref_slice %arg12[%dma_wait3A_86, %dma_wait3A_87] : memref<512x32xf32, #tpu.memory_space<vmem>> -> memref<128x32xf32, #tpu.memory_space<vmem>>
      %dma_wait3A_89 = arith.constant 0 : i32
      %dma_wait3A_90 = tpu.memref_slice %arg9[%dma_wait3A_85, %dma_wait3A_89] : memref<4x128xi32, #tpu.memory_space<vmem>> -> memref<1x128xi32, #tpu.memory_space<vmem>>
      %dma_wait3A_91 = tpu.memref_squeeze %dma_wait3A_90 : memref<1x128xi32, #tpu.memory_space<vmem>> -> memref<128xi32, #tpu.memory_space<vmem>>
      %dma_wait3A_92 = arith.constant 0 : i32
      %dma_wait3A_93 = arith.constant 0 : i32
      %dma_wait3A_94 = tpu.memref_slice %arg2[%dma_wait3A_92, %dma_wait3A_93] : memref<100000x32xf32, #tpu.memory_space<hbm>> -> memref<100000x32xf32, #tpu.memory_space<hbm>>
      tpu.wait_indirect_dma semaphore(%arg13 : memref<!tpu.dma_semaphore, #tpu.memory_space<semaphore_mem>>) src(%dma_wait3A_94 : memref<100000x32xf32, #tpu.memory_space<hbm>>) dst(%dma_wait3A_88 : memref<128x32xf32, #tpu.memory_space<vmem>>)
      %dma_wait3A_95 = arith.constant 3 : i32
      %dma_wait3A_96 = arith.constant 384 : i32
      %dma_wait3A_97 = arith.constant 0 : i32
      %dma_wait3A_98 = tpu.memref_slice %arg12[%dma_wait3A_96, %dma_wait3A_97] : memref<512x32xf32, #tpu.memory_space<vmem>> -> memref<128x32xf32, #tpu.memory_space<vmem>>
      %dma_wait3A_99 = arith.constant 0 : i32
      %dma_wait3A_100 = tpu.memref_slice %arg9[%dma_wait3A_95, %dma_wait3A_99] : memref<4x128xi32, #tpu.memory_space<vmem>> -> memref<1x128xi32, #tpu.memory_space<vmem>>
      %dma_wait3A_101 = tpu.memref_squeeze %dma_wait3A_100 : memref<1x128xi32, #tpu.memory_space<vmem>> -> memref<128xi32, #tpu.memory_space<vmem>>
      %dma_wait3A_102 = arith.constant 0 : i32
      %dma_wait3A_103 = arith.constant 0 : i32
      %dma_wait3A_104 = tpu.memref_slice %arg2[%dma_wait3A_102, %dma_wait3A_103] : memref<100000x32xf32, #tpu.memory_space<hbm>> -> memref<100000x32xf32, #tpu.memory_space<hbm>>
      tpu.wait_indirect_dma semaphore(%arg13 : memref<!tpu.dma_semaphore, #tpu.memory_space<semaphore_mem>>) src(%dma_wait3A_104 : memref<100000x32xf32, #tpu.memory_space<hbm>>) dst(%dma_wait3A_98 : memref<128x32xf32, #tpu.memory_space<vmem>>)
      %scan3A_105 = arith.constant 0 : i32
      %scan3A_106 = arith.constant 0 : i32
      %scan3A_107 = arith.constant 128 : i32
      %scan3A_108 = arith.addi %scan3A_106, %scan3A_107 : i32
      %scan3A_109 = arith.constant 1 : i32
      scf.for %scan3A_114 = %scan3A_106 to %scan3A_108 step %scan3A_109  : i32 {
        %mul3A_115 = arith.constant 4 : i32
        %mul3A_116 = arith.muli %scan3A_114, %mul3A_115 : i32
        %add3A_117 = arith.constant 0 : i32
        %add3A_118 = arith.addi %mul3A_116, %add3A_117 : i32
        %broadcast_in_dim3A = vector.broadcast %add3A_118 : i32 to vector<16xi32>
        %gather3A = tpu.vector_load_idx %arg11[%broadcast_in_dim3A] : memref<512xf32, #tpu.memory_space<vmem>>[vector<16xi32>], vector<16xf32>,
        %gather3A_119 = tpu.vector_load_idx %arg12[%broadcast_in_dim3A, %iota3A] : memref<512x32xf32, #tpu.memory_space<vmem>>[vector<16xi32>, vector<16xi32>], vector<16xf32>,
        %add3A_120 = arith.constant 16 : i32
        %add3A_121 = vector.broadcast %add3A_120 : i32 to vector<16xi32>
        %add3A_122 = arith.addi %iota3A, %add3A_121 : vector<16xi32>
        %gather3A_123 = tpu.vector_load_idx %arg12[%broadcast_in_dim3A, %add3A_122] : memref<512x32xf32, #tpu.memory_space<vmem>>[vector<16xi32>, vector<16xi32>], vector<16xf32>,
        %mul3A_124 = arith.mulf %gather3A_119, %gather3A : vector<16xf32>
        tpu.vector_store_idx %arg12[%broadcast_in_dim3A, %iota3A], %mul3A_124 : memref<512x32xf32, #tpu.memory_space<vmem>>[vector<16xi32>, vector<16xi32>], vector<16xf32>,
        %add3A_125 = arith.constant 16 : i32
        %add3A_126 = vector.broadcast %add3A_125 : i32 to vector<16xi32>
        %add3A_127 = arith.addi %iota3A, %add3A_126 : vector<16xi32>
        %mul3A_128 = arith.mulf %gather3A_123, %gather3A : vector<16xf32>
        tpu.vector_store_idx %arg12[%broadcast_in_dim3A, %add3A_127], %mul3A_128 : memref<512x32xf32, #tpu.memory_space<vmem>>[vector<16xi32>, vector<16xi32>], vector<16xf32>,
        %mul3A_129 = arith.constant 4 : i32
        %mul3A_130 = arith.muli %scan3A_114, %mul3A_129 : i32
        %add3A_131 = arith.constant 1 : i32
        %add3A_132 = arith.addi %mul3A_130, %add3A_131 : i32
        %broadcast_in_dim3A_133 = vector.broadcast %add3A_132 : i32 to vector<16xi32>
        %gather3A_134 = tpu.vector_load_idx %arg11[%broadcast_in_dim3A_133] : memref<512xf32, #tpu.memory_space<vmem>>[vector<16xi32>], vector<16xf32>,
        %gather3A_135 = tpu.vector_load_idx %arg12[%broadcast_in_dim3A_133, %iota3A] : memref<512x32xf32, #tpu.memory_space<vmem>>[vector<16xi32>, vector<16xi32>], vector<16xf32>,
        %add3A_136 = arith.constant 16 : i32
        %add3A_137 = vector.broadcast %add3A_136 : i32 to vector<16xi32>
        %add3A_138 = arith.addi %iota3A, %add3A_137 : vector<16xi32>
        %gather3A_139 = tpu.vector_load_idx %arg12[%broadcast_in_dim3A_133, %add3A_138] : memref<512x32xf32, #tpu.memory_space<vmem>>[vector<16xi32>, vector<16xi32>], vector<16xf32>,
        %mul3A_140 = arith.mulf %gather3A_135, %gather3A_134 : vector<16xf32>
        tpu.vector_store_idx %arg12[%broadcast_in_dim3A_133, %iota3A], %mul3A_140 : memref<512x32xf32, #tpu.memory_space<vmem>>[vector<16xi32>, vector<16xi32>], vector<16xf32>,
        %add3A_141 = arith.constant 16 : i32
        %add3A_142 = vector.broadcast %add3A_141 : i32 to vector<16xi32>
        %add3A_143 = arith.addi %iota3A, %add3A_142 : vector<16xi32>
        %mul3A_144 = arith.mulf %gather3A_139, %gather3A_134 : vector<16xf32>
        tpu.vector_store_idx %arg12[%broadcast_in_dim3A_133, %add3A_143], %mul3A_144 : memref<512x32xf32, #tpu.memory_space<vmem>>[vector<16xi32>, vector<16xi32>], vector<16xf32>,
        %mul3A_145 = arith.constant 4 : i32
        %mul3A_146 = arith.muli %scan3A_114, %mul3A_145 : i32
        %add3A_147 = arith.constant 2 : i32
        %add3A_148 = arith.addi %mul3A_146, %add3A_147 : i32
        %broadcast_in_dim3A_149 = vector.broadcast %add3A_148 : i32 to vector<16xi32>
        %gather3A_150 = tpu.vector_load_idx %arg11[%broadcast_in_dim3A_149] : memref<512xf32, #tpu.memory_space<vmem>>[vector<16xi32>], vector<16xf32>,
        %gather3A_151 = tpu.vector_load_idx %arg12[%broadcast_in_dim3A_149, %iota3A] : memref<512x32xf32, #tpu.memory_space<vmem>>[vector<16xi32>, vector<16xi32>], vector<16xf32>,
        %add3A_152 = arith.constant 16 : i32
        %add3A_153 = vector.broadcast %add3A_152 : i32 to vector<16xi32>
        %add3A_154 = arith.addi %iota3A, %add3A_153 : vector<16xi32>
        %gather3A_155 = tpu.vector_load_idx %arg12[%broadcast_in_dim3A_149, %add3A_154] : memref<512x32xf32, #tpu.memory_space<vmem>>[vector<16xi32>, vector<16xi32>], vector<16xf32>,
        %mul3A_156 = arith.mulf %gather3A_151, %gather3A_150 : vector<16xf32>
        tpu.vector_store_idx %arg12[%broadcast_in_dim3A_149, %iota3A], %mul3A_156 : memref<512x32xf32, #tpu.memory_space<vmem>>[vector<16xi32>, vector<16xi32>], vector<16xf32>,
        %add3A_157 = arith.constant 16 : i32
        %add3A_158 = vector.broadcast %add3A_157 : i32 to vector<16xi32>
        %add3A_159 = arith.addi %iota3A, %add3A_158 : vector<16xi32>
        %mul3A_160 = arith.mulf %gather3A_155, %gather3A_150 : vector<16xf32>
        tpu.vector_store_idx %arg12[%broadcast_in_dim3A_149, %add3A_159], %mul3A_160 : memref<512x32xf32, #tpu.memory_space<vmem>>[vector<16xi32>, vector<16xi32>], vector<16xf32>,
        %mul3A_161 = arith.constant 4 : i32
        %mul3A_162 = arith.muli %scan3A_114, %mul3A_161 : i32
        %add3A_163 = arith.constant 3 : i32
        %add3A_164 = arith.addi %mul3A_162, %add3A_163 : i32
        %broadcast_in_dim3A_165 = vector.broadcast %add3A_164 : i32 to vector<16xi32>
        %gather3A_166 = tpu.vector_load_idx %arg11[%broadcast_in_dim3A_165] : memref<512xf32, #tpu.memory_space<vmem>>[vector<16xi32>], vector<16xf32>,
        %gather3A_167 = tpu.vector_load_idx %arg12[%broadcast_in_dim3A_165, %iota3A] : memref<512x32xf32, #tpu.memory_space<vmem>>[vector<16xi32>, vector<16xi32>], vector<16xf32>,
        %add3A_168 = arith.constant 16 : i32
        %add3A_169 = vector.broadcast %add3A_168 : i32 to vector<16xi32>
        %add3A_170 = arith.addi %iota3A, %add3A_169 : vector<16xi32>
        %gather3A_171 = tpu.vector_load_idx %arg12[%broadcast_in_dim3A_165, %add3A_170] : memref<512x32xf32, #tpu.memory_space<vmem>>[vector<16xi32>, vector<16xi32>], vector<16xf32>,
        %mul3A_172 = arith.mulf %gather3A_167, %gather3A_166 : vector<16xf32>
        tpu.vector_store_idx %arg12[%broadcast_in_dim3A_165, %iota3A], %mul3A_172 : memref<512x32xf32, #tpu.memory_space<vmem>>[vector<16xi32>, vector<16xi32>], vector<16xf32>,
        %add3A_173 = arith.constant 16 : i32
        %add3A_174 = vector.broadcast %add3A_173 : i32 to vector<16xi32>
        %add3A_175 = arith.addi %iota3A, %add3A_174 : vector<16xi32>
        %mul3A_176 = arith.mulf %gather3A_171, %gather3A_166 : vector<16xf32>
        tpu.vector_store_idx %arg12[%broadcast_in_dim3A_165, %add3A_175], %mul3A_176 : memref<512x32xf32, #tpu.memory_space<vmem>>[vector<16xi32>, vector<16xi32>], vector<16xf32>,
      }
      %scan3A_110 = arith.constant 128 : i32
      %run_scoped3A = arith.constant 0 : i32
      "tpu.region"() ({
        %run_scoped3A_114 = tpu.sem_alloc : memref<!tpu.dma_semaphore, #tpu.memory_space<semaphore_mem>>
        %dma_start3A_115 = arith.constant 0 : i32
        %dma_start3A_116 = arith.constant 0 : i32
        %dma_start3A_117 = tpu.memref_slice %arg12[%dma_start3A_115, %dma_start3A_116] : memref<512x32xf32, #tpu.memory_space<vmem>> -> memref<128x32xf32, #tpu.memory_space<vmem>>
        %dma_start3A_118 = arith.constant 0 : i32
        %dma_start3A_119 = tpu.memref_slice %arg10[%run_scoped3A, %dma_start3A_118] : memref<4x128xi32, #tpu.memory_space<vmem>> -> memref<1x128xi32, #tpu.memory_space<vmem>>
        %dma_start3A_120 = tpu.memref_squeeze %dma_start3A_119 : memref<1x128xi32, #tpu.memory_space<vmem>> -> memref<128xi32, #tpu.memory_space<vmem>>
        %dma_start3A_121 = arith.constant 0 : i32
        %dma_start3A_122 = arith.constant 0 : i32
        %dma_start3A_123 = tpu.memref_slice %arg8[%dma_start3A_121, %dma_start3A_122] : memref<50048x32xf32, #tpu.memory_space<vmem_shared>> -> memref<50048x32xf32, #tpu.memory_space<vmem_shared>>
        tpu.enqueue_indirect_dma source(%dma_start3A_117 : memref<128x32xf32, #tpu.memory_space<vmem>>) target(%dma_start3A_123 : memref<50048x32xf32, #tpu.memory_space<vmem_shared>>) offsets(%dma_start3A_120 : memref<128xi32, #tpu.memory_space<vmem>>) semaphore(%run_scoped3A_114 : memref<!tpu.dma_semaphore, #tpu.memory_space<semaphore_mem>>) {add = true}
        %dma_wait3A_124 = arith.constant 0 : i32
        %dma_wait3A_125 = arith.constant 0 : i32
        %dma_wait3A_126 = tpu.memref_slice %arg12[%dma_wait3A_124, %dma_wait3A_125] : memref<512x32xf32, #tpu.memory_space<vmem>> -> memref<128x32xf32, #tpu.memory_space<vmem>>
        %dma_wait3A_127 = arith.constant 0 : i32
        %dma_wait3A_128 = tpu.memref_slice %arg10[%run_scoped3A, %dma_wait3A_127] : memref<4x128xi32, #tpu.memory_space<vmem>> -> memref<1x128xi32, #tpu.memory_space<vmem>>
        %dma_wait3A_129 = tpu.memref_squeeze %dma_wait3A_128 : memref<1x128xi32, #tpu.memory_space<vmem>> -> memref<128xi32, #tpu.memory_space<vmem>>
        %dma_wait3A_130 = arith.constant 0 : i32
        %dma_wait3A_131 = arith.constant 0 : i32
        %dma_wait3A_132 = tpu.memref_slice %arg8[%dma_wait3A_130, %dma_wait3A_131] : memref<50048x32xf32, #tpu.memory_space<vmem_shared>> -> memref<50048x32xf32, #tpu.memory_space<vmem_shared>>
        tpu.wait_indirect_dma semaphore(%run_scoped3A_114 : memref<!tpu.dma_semaphore, #tpu.memory_space<semaphore_mem>>) src(%dma_wait3A_126 : memref<128x32xf32, #tpu.memory_space<vmem>>) dst(%dma_wait3A_132 : memref<50048x32xf32, #tpu.memory_space<vmem_shared>>)
        tpu.yield
      }) : () -> ()
      %run_scoped3A_111 = arith.constant 1 : i32
      "tpu.region"() ({
        %run_scoped3A_114 = tpu.sem_alloc : memref<!tpu.dma_semaphore, #tpu.memory_space<semaphore_mem>>
        %dma_start3A_115 = arith.constant 128 : i32
        %dma_start3A_116 = arith.constant 0 : i32
        %dma_start3A_117 = tpu.memref_slice %arg12[%dma_start3A_115, %dma_start3A_116] : memref<512x32xf32, #tpu.memory_space<vmem>> -> memref<128x32xf32, #tpu.memory_space<vmem>>
        %dma_start3A_118 = arith.constant 0 : i32
        %dma_start3A_119 = tpu.memref_slice %arg10[%run_scoped3A_111, %dma_start3A_118] : memref<4x128xi32, #tpu.memory_space<vmem>> -> memref<1x128xi32, #tpu.memory_space<vmem>>
        %dma_start3A_120 = tpu.memref_squeeze %dma_start3A_119 : memref<1x128xi32, #tpu.memory_space<vmem>> -> memref<128xi32, #tpu.memory_space<vmem>>
        %dma_start3A_121 = arith.constant 0 : i32
        %dma_start3A_122 = arith.constant 0 : i32
        %dma_start3A_123 = tpu.memref_slice %arg8[%dma_start3A_121, %dma_start3A_122] : memref<50048x32xf32, #tpu.memory_space<vmem_shared>> -> memref<50048x32xf32, #tpu.memory_space<vmem_shared>>
        tpu.enqueue_indirect_dma source(%dma_start3A_117 : memref<128x32xf32, #tpu.memory_space<vmem>>) target(%dma_start3A_123 : memref<50048x32xf32, #tpu.memory_space<vmem_shared>>) offsets(%dma_start3A_120 : memref<128xi32, #tpu.memory_space<vmem>>) semaphore(%run_scoped3A_114 : memref<!tpu.dma_semaphore, #tpu.memory_space<semaphore_mem>>) {add = true}
        %dma_wait3A_124 = arith.constant 128 : i32
        %dma_wait3A_125 = arith.constant 0 : i32
        %dma_wait3A_126 = tpu.memref_slice %arg12[%dma_wait3A_124, %dma_wait3A_125] : memref<512x32xf32, #tpu.memory_space<vmem>> -> memref<128x32xf32, #tpu.memory_space<vmem>>
        %dma_wait3A_127 = arith.constant 0 : i32
        %dma_wait3A_128 = tpu.memref_slice %arg10[%run_scoped3A_111, %dma_wait3A_127] : memref<4x128xi32, #tpu.memory_space<vmem>> -> memref<1x128xi32, #tpu.memory_space<vmem>>
        %dma_wait3A_129 = tpu.memref_squeeze %dma_wait3A_128 : memref<1x128xi32, #tpu.memory_space<vmem>> -> memref<128xi32, #tpu.memory_space<vmem>>
        %dma_wait3A_130 = arith.constant 0 : i32
        %dma_wait3A_131 = arith.constant 0 : i32
        %dma_wait3A_132 = tpu.memref_slice %arg8[%dma_wait3A_130, %dma_wait3A_131] : memref<50048x32xf32, #tpu.memory_space<vmem_shared>> -> memref<50048x32xf32, #tpu.memory_space<vmem_shared>>
        tpu.wait_indirect_dma semaphore(%run_scoped3A_114 : memref<!tpu.dma_semaphore, #tpu.memory_space<semaphore_mem>>) src(%dma_wait3A_126 : memref<128x32xf32, #tpu.memory_space<vmem>>) dst(%dma_wait3A_132 : memref<50048x32xf32, #tpu.memory_space<vmem_shared>>)
        tpu.yield
      }) : () -> ()
      %run_scoped3A_112 = arith.constant 2 : i32
      "tpu.region"() ({
        %run_scoped3A_114 = tpu.sem_alloc : memref<!tpu.dma_semaphore, #tpu.memory_space<semaphore_mem>>
        %dma_start3A_115 = arith.constant 256 : i32
        %dma_start3A_116 = arith.constant 0 : i32
        %dma_start3A_117 = tpu.memref_slice %arg12[%dma_start3A_115, %dma_start3A_116] : memref<512x32xf32, #tpu.memory_space<vmem>> -> memref<128x32xf32, #tpu.memory_space<vmem>>
        %dma_start3A_118 = arith.constant 0 : i32
        %dma_start3A_119 = tpu.memref_slice %arg10[%run_scoped3A_112, %dma_start3A_118] : memref<4x128xi32, #tpu.memory_space<vmem>> -> memref<1x128xi32, #tpu.memory_space<vmem>>
        %dma_start3A_120 = tpu.memref_squeeze %dma_start3A_119 : memref<1x128xi32, #tpu.memory_space<vmem>> -> memref<128xi32, #tpu.memory_space<vmem>>
        %dma_start3A_121 = arith.constant 0 : i32
        %dma_start3A_122 = arith.constant 0 : i32
        %dma_start3A_123 = tpu.memref_slice %arg8[%dma_start3A_121, %dma_start3A_122] : memref<50048x32xf32, #tpu.memory_space<vmem_shared>> -> memref<50048x32xf32, #tpu.memory_space<vmem_shared>>
        tpu.enqueue_indirect_dma source(%dma_start3A_117 : memref<128x32xf32, #tpu.memory_space<vmem>>) target(%dma_start3A_123 : memref<50048x32xf32, #tpu.memory_space<vmem_shared>>) offsets(%dma_start3A_120 : memref<128xi32, #tpu.memory_space<vmem>>) semaphore(%run_scoped3A_114 : memref<!tpu.dma_semaphore, #tpu.memory_space<semaphore_mem>>) {add = true}
        %dma_wait3A_124 = arith.constant 256 : i32
        %dma_wait3A_125 = arith.constant 0 : i32
        %dma_wait3A_126 = tpu.memref_slice %arg12[%dma_wait3A_124, %dma_wait3A_125] : memref<512x32xf32, #tpu.memory_space<vmem>> -> memref<128x32xf32, #tpu.memory_space<vmem>>
        %dma_wait3A_127 = arith.constant 0 : i32
        %dma_wait3A_128 = tpu.memref_slice %arg10[%run_scoped3A_112, %dma_wait3A_127] : memref<4x128xi32, #tpu.memory_space<vmem>> -> memref<1x128xi32, #tpu.memory_space<vmem>>
        %dma_wait3A_129 = tpu.memref_squeeze %dma_wait3A_128 : memref<1x128xi32, #tpu.memory_space<vmem>> -> memref<128xi32, #tpu.memory_space<vmem>>
        %dma_wait3A_130 = arith.constant 0 : i32
        %dma_wait3A_131 = arith.constant 0 : i32
        %dma_wait3A_132 = tpu.memref_slice %arg8[%dma_wait3A_130, %dma_wait3A_131] : memref<50048x32xf32, #tpu.memory_space<vmem_shared>> -> memref<50048x32xf32, #tpu.memory_space<vmem_shared>>
        tpu.wait_indirect_dma semaphore(%run_scoped3A_114 : memref<!tpu.dma_semaphore, #tpu.memory_space<semaphore_mem>>) src(%dma_wait3A_126 : memref<128x32xf32, #tpu.memory_space<vmem>>) dst(%dma_wait3A_132 : memref<50048x32xf32, #tpu.memory_space<vmem_shared>>)
        tpu.yield
      }) : () -> ()
      %run_scoped3A_113 = arith.constant 3 : i32
      "tpu.region"() ({
        %run_scoped3A_114 = tpu.sem_alloc : memref<!tpu.dma_semaphore, #tpu.memory_space<semaphore_mem>>
        %dma_start3A_115 = arith.constant 384 : i32
        %dma_start3A_116 = arith.constant 0 : i32
        %dma_start3A_117 = tpu.memref_slice %arg12[%dma_start3A_115, %dma_start3A_116] : memref<512x32xf32, #tpu.memory_space<vmem>> -> memref<128x32xf32, #tpu.memory_space<vmem>>
        %dma_start3A_118 = arith.constant 0 : i32
        %dma_start3A_119 = tpu.memref_slice %arg10[%run_scoped3A_113, %dma_start3A_118] : memref<4x128xi32, #tpu.memory_space<vmem>> -> memref<1x128xi32, #tpu.memory_space<vmem>>
        %dma_start3A_120 = tpu.memref_squeeze %dma_start3A_119 : memref<1x128xi32, #tpu.memory_space<vmem>> -> memref<128xi32, #tpu.memory_space<vmem>>
        %dma_start3A_121 = arith.constant 0 : i32
        %dma_start3A_122 = arith.constant 0 : i32
        %dma_start3A_123 = tpu.memref_slice %arg8[%dma_start3A_121, %dma_start3A_122] : memref<50048x32xf32, #tpu.memory_space<vmem_shared>> -> memref<50048x32xf32, #tpu.memory_space<vmem_shared>>
        tpu.enqueue_indirect_dma source(%dma_start3A_117 : memref<128x32xf32, #tpu.memory_space<vmem>>) target(%dma_start3A_123 : memref<50048x32xf32, #tpu.memory_space<vmem_shared>>) offsets(%dma_start3A_120 : memref<128xi32, #tpu.memory_space<vmem>>) semaphore(%run_scoped3A_114 : memref<!tpu.dma_semaphore, #tpu.memory_space<semaphore_mem>>) {add = true}
        %dma_wait3A_124 = arith.constant 384 : i32
        %dma_wait3A_125 = arith.constant 0 : i32
        %dma_wait3A_126 = tpu.memref_slice %arg12[%dma_wait3A_124, %dma_wait3A_125] : memref<512x32xf32, #tpu.memory_space<vmem>> -> memref<128x32xf32, #tpu.memory_space<vmem>>
        %dma_wait3A_127 = arith.constant 0 : i32
        %dma_wait3A_128 = tpu.memref_slice %arg10[%run_scoped3A_113, %dma_wait3A_127] : memref<4x128xi32, #tpu.memory_space<vmem>> -> memref<1x128xi32, #tpu.memory_space<vmem>>
        %dma_wait3A_129 = tpu.memref_squeeze %dma_wait3A_128 : memref<1x128xi32, #tpu.memory_space<vmem>> -> memref<128xi32, #tpu.memory_space<vmem>>
        %dma_wait3A_130 = arith.constant 0 : i32
        %dma_wait3A_131 = arith.constant 0 : i32
        %dma_wait3A_132 = tpu.memref_slice %arg8[%dma_wait3A_130, %dma_wait3A_131] : memref<50048x32xf32, #tpu.memory_space<vmem_shared>> -> memref<50048x32xf32, #tpu.memory_space<vmem_shared>>
        tpu.wait_indirect_dma semaphore(%run_scoped3A_114 : memref<!tpu.dma_semaphore, #tpu.memory_space<semaphore_mem>>) src(%dma_wait3A_126 : memref<128x32xf32, #tpu.memory_space<vmem>>) dst(%dma_wait3A_132 : memref<50048x32xf32, #tpu.memory_space<vmem_shared>>)
        tpu.yield
      }) : () -> ()
    }
    %scan3A_5 = arith.constant 100 : i32
    %barrier3A_6 = arith.constant 0 : index
    tpu.barrier barrier_id(%barrier3A_6)
    %mul3A_7 = arith.constant 3128 : i32
    %mul3A_8 = arith.muli %arg1, %mul3A_7 : i32
    %mul3A_9 = arith.constant 50048 : i32
    %mul3A_10 = arith.muli %arg0, %mul3A_9 : i32
    %mul3A_11 = arith.constant 3128 : i32
    %mul3A_12 = arith.muli %arg1, %mul3A_11 : i32
    %add3A = arith.addi %mul3A_10, %mul3A_12 : i32
    "tpu.region"() ({
      %run_scoped3A = tpu.sem_alloc : memref<!tpu.dma_semaphore, #tpu.memory_space<semaphore_mem>>
      %dma_start3A = arith.constant 0 : i32
      %dma_start3A_13 = tpu.memref_slice %arg7[%add3A, %dma_start3A] : memref<100096x32xf32, #tpu.memory_space<hbm>> -> memref<3128x32xf32, #tpu.memory_space<hbm>>
      %dma_start3A_14 = arith.constant 0 : i32
      %dma_start3A_15 = tpu.memref_slice %arg8[%mul3A_8, %dma_start3A_14] : memref<50048x32xf32, #tpu.memory_space<vmem_shared>> -> memref<3128x32xf32, #tpu.memory_space<vmem_shared>>
      tpu.enqueue_dma source(%dma_start3A_15 : memref<3128x32xf32, #tpu.memory_space<vmem_shared>>) target(%dma_start3A_13 : memref<3128x32xf32, #tpu.memory_space<hbm>>) target_semaphore(%run_scoped3A : memref<!tpu.dma_semaphore, #tpu.memory_space<semaphore_mem>>)
      %dma_wait3A = arith.constant 0 : i32
      %dma_wait3A_16 = tpu.memref_slice %arg7[%add3A, %dma_wait3A] : memref<100096x32xf32, #tpu.memory_space<hbm>> -> memref<3128x32xf32, #tpu.memory_space<hbm>>
      %dma_wait3A_17 = arith.constant 0 : i32
      %dma_wait3A_18 = tpu.memref_slice %arg8[%mul3A_8, %dma_wait3A_17] : memref<50048x32xf32, #tpu.memory_space<vmem_shared>> -> memref<3128x32xf32, #tpu.memory_space<vmem_shared>>
      tpu.wait_dma2 semaphore(%run_scoped3A : memref<!tpu.dma_semaphore, #tpu.memory_space<semaphore_mem>>) src(%dma_wait3A_18 : memref<3128x32xf32, #tpu.memory_space<vmem_shared>>) dst(%dma_wait3A_16 : memref<3128x32xf32, #tpu.memory_space<hbm>>)
      tpu.yield
    }) : () -> ()
    return
  }
}

module attributes {stable_mosaic.version = 14 : i64} {
  func.func @_gru_body(%arg0: i32, %arg1: memref<512x384xf32, #tpu.memory_space<vmem>>, %arg2: memref<512x16xf32, #tpu.memory_space<vmem>>, %arg3: memref<16x192xf32, #tpu.memory_space<vmem>>, %arg4: memref<64x192xf32, #tpu.memory_space<vmem>>, %arg5: memref<1x192xf32, #tpu.memory_space<vmem>>, %arg6: memref<1x192xf32, #tpu.memory_space<vmem>>, %arg7: memref<64x64xf32, #tpu.memory_space<vmem>>, %arg8: memref<16x64xf32, #tpu.memory_space<vmem>>, %arg9: memref<2x512x32xf32, #tpu.memory_space<vmem>>) attributes {dimension_semantics = [#tpu.dimension_semantics<arbitrary>], iteration_bounds = array<i64: 98>, scalar_prefetch = 0 : i64, scratch_operands = 0 : i64, tpu.core_type = #tpu.core_type<tc>, window_params = [{transform_indices = @transform_0, window_bounds = array<i64: 512, 384>}, {transform_indices = @transform_1, window_bounds = array<i64: 512, 16>}, {pipeline_mode = #tpu.pipeline_mode<synchronous>, transform_indices = @transform_2, window_bounds = array<i64: 16, 192>}, {pipeline_mode = #tpu.pipeline_mode<synchronous>, transform_indices = @transform_3, window_bounds = array<i64: 64, 192>}, {pipeline_mode = #tpu.pipeline_mode<synchronous>, transform_indices = @transform_4, window_bounds = array<i64: 1, 192>}, {pipeline_mode = #tpu.pipeline_mode<synchronous>, transform_indices = @transform_5, window_bounds = array<i64: 1, 192>}, {pipeline_mode = #tpu.pipeline_mode<synchronous>, transform_indices = @transform_6, window_bounds = array<i64: 64, 64>}, {pipeline_mode = #tpu.pipeline_mode<synchronous>, transform_indices = @transform_7, window_bounds = array<i64: 16, 64>}, {transform_indices = @transform_8, window_bounds = array<i64: 2, 512, 32>}]} {
    %get3A = arith.constant 0 : index
    %get3A_0 = arith.constant 0 : index
    %get3A_1 = vector.load %arg3[%get3A, %get3A_0] : memref<16x192xf32, #tpu.memory_space<vmem>>, vector<16x192xf32>
    %get3A_2 = arith.constant 0 : index
    %get3A_3 = arith.constant 0 : index
    %get3A_4 = vector.load %arg4[%get3A_2, %get3A_3] : memref<64x192xf32, #tpu.memory_space<vmem>>, vector<64x192xf32>
    %get3A_5 = arith.constant 0 : index
    %get3A_6 = arith.constant 0 : index
    %get3A_7 = vector.load %arg5[%get3A_5, %get3A_6] : memref<1x192xf32, #tpu.memory_space<vmem>>, vector<1x192xf32>
    %get3A_8 = arith.constant 0 : index
    %get3A_9 = arith.constant 0 : index
    %get3A_10 = vector.load %arg6[%get3A_8, %get3A_9] : memref<1x192xf32, #tpu.memory_space<vmem>>, vector<1x192xf32>
    %broadcast_in_dim3A = arith.constant 0.000000e+00 : f32
    %broadcast_in_dim3A_11 = vector.broadcast %broadcast_in_dim3A : f32 to vector<512x64xf32>
    %get3A_12 = arith.constant 0 : index
    %get3A_13 = arith.constant 0 : index
    %get3A_14 = vector.load %arg1[%get3A_12, %get3A_13] : memref<512x384xf32, #tpu.memory_space<vmem>>, vector<512x16xf32>
    %dot_general3A = arith.constant dense<0.000000e+00> : vector<512x192xf32>
    %dot_general3A_15 = tpu.matmul %get3A_14, %get3A_1, %dot_general3A {dimension_numbers = #tpu.dot_dimension_numbers<[1], [0], [0], [1], [0, 0, 1, 1], [], []>, transpose_lhs_hint = false} : vector<512x16xf32>, vector<16x192xf32>, vector<512x192xf32> -> vector<512x192xf32>
    %add3A = vector.broadcast %get3A_7 : vector<1x192xf32> to vector<512x192xf32>
    %add3A_16 = arith.addf %dot_general3A_15, %add3A : vector<512x192xf32>
    %dot_general3A_17 = arith.constant dense<0.000000e+00> : vector<512x192xf32>
    %dot_general3A_18 = tpu.matmul %broadcast_in_dim3A_11, %get3A_4, %dot_general3A_17 {dimension_numbers = #tpu.dot_dimension_numbers<[1], [0], [0], [1], [0, 0, 1, 1], [], []>, transpose_lhs_hint = false} : vector<512x64xf32>, vector<64x192xf32>, vector<512x192xf32> -> vector<512x192xf32>
    %add3A_19 = vector.broadcast %get3A_10 : vector<1x192xf32> to vector<512x192xf32>
    %add3A_20 = arith.addf %dot_general3A_18, %add3A_19 : vector<512x192xf32>
    %slice3A = vector.extract_strided_slice %add3A_16 {offsets = [0, 0], sizes = [512, 64], strides = [1, 1]} : vector<512x192xf32> to vector<512x64xf32>
    %slice3A_21 = vector.extract_strided_slice %add3A_20 {offsets = [0, 0], sizes = [512, 64], strides = [1, 1]} : vector<512x192xf32> to vector<512x64xf32>
    %add3A_22 = arith.addf %slice3A, %slice3A_21 : vector<512x64xf32>
    %logistic3A = arith.negf %add3A_22 : vector<512x64xf32>
    %logistic3A_23 = math.exp %logistic3A : vector<512x64xf32>
    %logistic3A_24 = arith.constant 1.000000e+00 : f32
    %logistic3A_25 = vector.broadcast %logistic3A_24 : f32 to vector<512x64xf32>
    %logistic3A_26 = arith.addf %logistic3A_25, %logistic3A_23 : vector<512x64xf32>
    %logistic3A_27 = arith.divf %logistic3A_25, %logistic3A_26 : vector<512x64xf32>
    %slice3A_28 = vector.extract_strided_slice %add3A_16 {offsets = [0, 64], sizes = [512, 64], strides = [1, 1]} : vector<512x192xf32> to vector<512x64xf32>
    %slice3A_29 = vector.extract_strided_slice %add3A_20 {offsets = [0, 64], sizes = [512, 64], strides = [1, 1]} : vector<512x192xf32> to vector<512x64xf32>
    %add3A_30 = arith.addf %slice3A_28, %slice3A_29 : vector<512x64xf32>
    %logistic3A_31 = arith.negf %add3A_30 : vector<512x64xf32>
    %logistic3A_32 = math.exp %logistic3A_31 : vector<512x64xf32>
    %logistic3A_33 = arith.constant 1.000000e+00 : f32
    %logistic3A_34 = vector.broadcast %logistic3A_33 : f32 to vector<512x64xf32>
    %logistic3A_35 = arith.addf %logistic3A_34, %logistic3A_32 : vector<512x64xf32>
    %logistic3A_36 = arith.divf %logistic3A_34, %logistic3A_35 : vector<512x64xf32>
    %slice3A_37 = vector.extract_strided_slice %add3A_16 {offsets = [0, 128], sizes = [512, 64], strides = [1, 1]} : vector<512x192xf32> to vector<512x64xf32>
    %slice3A_38 = vector.extract_strided_slice %add3A_20 {offsets = [0, 128], sizes = [512, 64], strides = [1, 1]} : vector<512x192xf32> to vector<512x64xf32>
    %mul3A = arith.mulf %logistic3A_27, %slice3A_38 : vector<512x64xf32>
    %add3A_39 = arith.addf %slice3A_37, %mul3A : vector<512x64xf32>
    %tanh3A = math.tanh %add3A_39 : vector<512x64xf32>
    %sub3A = arith.constant 1.000000e+00 : f32
    %sub3A_40 = vector.broadcast %sub3A : f32 to vector<512x64xf32>
    %sub3A_41 = arith.subf %sub3A_40, %logistic3A_36 : vector<512x64xf32>
    %mul3A_42 = arith.mulf %sub3A_41, %tanh3A : vector<512x64xf32>
    %mul3A_43 = arith.mulf %logistic3A_36, %broadcast_in_dim3A_11 : vector<512x64xf32>
    %add3A_44 = arith.addf %mul3A_42, %mul3A_43 : vector<512x64xf32>
    %get3A_45 = arith.constant 0 : index
    %get3A_46 = arith.constant 16 : index
    %get3A_47 = vector.load %arg1[%get3A_45, %get3A_46] : memref<512x384xf32, #tpu.memory_space<vmem>>, vector<512x16xf32>
    %dot_general3A_48 = arith.constant dense<0.000000e+00> : vector<512x192xf32>
    %dot_general3A_49 = tpu.matmul %get3A_47, %get3A_1, %dot_general3A_48 {dimension_numbers = #tpu.dot_dimension_numbers<[1], [0], [0], [1], [0, 0, 1, 1], [], []>, transpose_lhs_hint = false} : vector<512x16xf32>, vector<16x192xf32>, vector<512x192xf32> -> vector<512x192xf32>
    %add3A_50 = vector.broadcast %get3A_7 : vector<1x192xf32> to vector<512x192xf32>
    %add3A_51 = arith.addf %dot_general3A_49, %add3A_50 : vector<512x192xf32>
    %dot_general3A_52 = arith.constant dense<0.000000e+00> : vector<512x192xf32>
    %dot_general3A_53 = tpu.matmul %add3A_44, %get3A_4, %dot_general3A_52 {dimension_numbers = #tpu.dot_dimension_numbers<[1], [0], [0], [1], [0, 0, 1, 1], [], []>, transpose_lhs_hint = false} : vector<512x64xf32>, vector<64x192xf32>, vector<512x192xf32> -> vector<512x192xf32>
    %add3A_54 = vector.broadcast %get3A_10 : vector<1x192xf32> to vector<512x192xf32>
    %add3A_55 = arith.addf %dot_general3A_53, %add3A_54 : vector<512x192xf32>
    %slice3A_56 = vector.extract_strided_slice %add3A_51 {offsets = [0, 0], sizes = [512, 64], strides = [1, 1]} : vector<512x192xf32> to vector<512x64xf32>
    %slice3A_57 = vector.extract_strided_slice %add3A_55 {offsets = [0, 0], sizes = [512, 64], strides = [1, 1]} : vector<512x192xf32> to vector<512x64xf32>
    %add3A_58 = arith.addf %slice3A_56, %slice3A_57 : vector<512x64xf32>
    %logistic3A_59 = arith.negf %add3A_58 : vector<512x64xf32>
    %logistic3A_60 = math.exp %logistic3A_59 : vector<512x64xf32>
    %logistic3A_61 = arith.constant 1.000000e+00 : f32
    %logistic3A_62 = vector.broadcast %logistic3A_61 : f32 to vector<512x64xf32>
    %logistic3A_63 = arith.addf %logistic3A_62, %logistic3A_60 : vector<512x64xf32>
    %logistic3A_64 = arith.divf %logistic3A_62, %logistic3A_63 : vector<512x64xf32>
    %slice3A_65 = vector.extract_strided_slice %add3A_51 {offsets = [0, 64], sizes = [512, 64], strides = [1, 1]} : vector<512x192xf32> to vector<512x64xf32>
    %slice3A_66 = vector.extract_strided_slice %add3A_55 {offsets = [0, 64], sizes = [512, 64], strides = [1, 1]} : vector<512x192xf32> to vector<512x64xf32>
    %add3A_67 = arith.addf %slice3A_65, %slice3A_66 : vector<512x64xf32>
    %logistic3A_68 = arith.negf %add3A_67 : vector<512x64xf32>
    %logistic3A_69 = math.exp %logistic3A_68 : vector<512x64xf32>
    %logistic3A_70 = arith.constant 1.000000e+00 : f32
    %logistic3A_71 = vector.broadcast %logistic3A_70 : f32 to vector<512x64xf32>
    %logistic3A_72 = arith.addf %logistic3A_71, %logistic3A_69 : vector<512x64xf32>
    %logistic3A_73 = arith.divf %logistic3A_71, %logistic3A_72 : vector<512x64xf32>
    %slice3A_74 = vector.extract_strided_slice %add3A_51 {offsets = [0, 128], sizes = [512, 64], strides = [1, 1]} : vector<512x192xf32> to vector<512x64xf32>
    %slice3A_75 = vector.extract_strided_slice %add3A_55 {offsets = [0, 128], sizes = [512, 64], strides = [1, 1]} : vector<512x192xf32> to vector<512x64xf32>
    %mul3A_76 = arith.mulf %logistic3A_64, %slice3A_75 : vector<512x64xf32>
    %add3A_77 = arith.addf %slice3A_74, %mul3A_76 : vector<512x64xf32>
    %tanh3A_78 = math.tanh %add3A_77 : vector<512x64xf32>
    %sub3A_79 = arith.constant 1.000000e+00 : f32
    %sub3A_80 = vector.broadcast %sub3A_79 : f32 to vector<512x64xf32>
    %sub3A_81 = arith.subf %sub3A_80, %logistic3A_73 : vector<512x64xf32>
    %mul3A_82 = arith.mulf %sub3A_81, %tanh3A_78 : vector<512x64xf32>
    %mul3A_83 = arith.mulf %logistic3A_73, %add3A_44 : vector<512x64xf32>
    %add3A_84 = arith.addf %mul3A_82, %mul3A_83 : vector<512x64xf32>
    %get3A_85 = arith.constant 0 : index
    %get3A_86 = arith.constant 32 : index
    %get3A_87 = vector.load %arg1[%get3A_85, %get3A_86] : memref<512x384xf32, #tpu.memory_space<vmem>>, vector<512x16xf32>
    %dot_general3A_88 = arith.constant dense<0.000000e+00> : vector<512x192xf32>
    %dot_general3A_89 = tpu.matmul %get3A_87, %get3A_1, %dot_general3A_88 {dimension_numbers = #tpu.dot_dimension_numbers<[1], [0], [0], [1], [0, 0, 1, 1], [], []>, transpose_lhs_hint = false} : vector<512x16xf32>, vector<16x192xf32>, vector<512x192xf32> -> vector<512x192xf32>
    %add3A_90 = vector.broadcast %get3A_7 : vector<1x192xf32> to vector<512x192xf32>
    %add3A_91 = arith.addf %dot_general3A_89, %add3A_90 : vector<512x192xf32>
    %dot_general3A_92 = arith.constant dense<0.000000e+00> : vector<512x192xf32>
    %dot_general3A_93 = tpu.matmul %add3A_84, %get3A_4, %dot_general3A_92 {dimension_numbers = #tpu.dot_dimension_numbers<[1], [0], [0], [1], [0, 0, 1, 1], [], []>, transpose_lhs_hint = false} : vector<512x64xf32>, vector<64x192xf32>, vector<512x192xf32> -> vector<512x192xf32>
    %add3A_94 = vector.broadcast %get3A_10 : vector<1x192xf32> to vector<512x192xf32>
    %add3A_95 = arith.addf %dot_general3A_93, %add3A_94 : vector<512x192xf32>
    %slice3A_96 = vector.extract_strided_slice %add3A_91 {offsets = [0, 0], sizes = [512, 64], strides = [1, 1]} : vector<512x192xf32> to vector<512x64xf32>
    %slice3A_97 = vector.extract_strided_slice %add3A_95 {offsets = [0, 0], sizes = [512, 64], strides = [1, 1]} : vector<512x192xf32> to vector<512x64xf32>
    %add3A_98 = arith.addf %slice3A_96, %slice3A_97 : vector<512x64xf32>
    %logistic3A_99 = arith.negf %add3A_98 : vector<512x64xf32>
    %logistic3A_100 = math.exp %logistic3A_99 : vector<512x64xf32>
    %logistic3A_101 = arith.constant 1.000000e+00 : f32
    %logistic3A_102 = vector.broadcast %logistic3A_101 : f32 to vector<512x64xf32>
    %logistic3A_103 = arith.addf %logistic3A_102, %logistic3A_100 : vector<512x64xf32>
    %logistic3A_104 = arith.divf %logistic3A_102, %logistic3A_103 : vector<512x64xf32>
    %slice3A_105 = vector.extract_strided_slice %add3A_91 {offsets = [0, 64], sizes = [512, 64], strides = [1, 1]} : vector<512x192xf32> to vector<512x64xf32>
    %slice3A_106 = vector.extract_strided_slice %add3A_95 {offsets = [0, 64], sizes = [512, 64], strides = [1, 1]} : vector<512x192xf32> to vector<512x64xf32>
    %add3A_107 = arith.addf %slice3A_105, %slice3A_106 : vector<512x64xf32>
    %logistic3A_108 = arith.negf %add3A_107 : vector<512x64xf32>
    %logistic3A_109 = math.exp %logistic3A_108 : vector<512x64xf32>
    %logistic3A_110 = arith.constant 1.000000e+00 : f32
    %logistic3A_111 = vector.broadcast %logistic3A_110 : f32 to vector<512x64xf32>
    %logistic3A_112 = arith.addf %logistic3A_111, %logistic3A_109 : vector<512x64xf32>
    %logistic3A_113 = arith.divf %logistic3A_111, %logistic3A_112 : vector<512x64xf32>
    %slice3A_114 = vector.extract_strided_slice %add3A_91 {offsets = [0, 128], sizes = [512, 64], strides = [1, 1]} : vector<512x192xf32> to vector<512x64xf32>
    %slice3A_115 = vector.extract_strided_slice %add3A_95 {offsets = [0, 128], sizes = [512, 64], strides = [1, 1]} : vector<512x192xf32> to vector<512x64xf32>
    %mul3A_116 = arith.mulf %logistic3A_104, %slice3A_115 : vector<512x64xf32>
    %add3A_117 = arith.addf %slice3A_114, %mul3A_116 : vector<512x64xf32>
    %tanh3A_118 = math.tanh %add3A_117 : vector<512x64xf32>
    %sub3A_119 = arith.constant 1.000000e+00 : f32
    %sub3A_120 = vector.broadcast %sub3A_119 : f32 to vector<512x64xf32>
    %sub3A_121 = arith.subf %sub3A_120, %logistic3A_113 : vector<512x64xf32>
    %mul3A_122 = arith.mulf %sub3A_121, %tanh3A_118 : vector<512x64xf32>
    %mul3A_123 = arith.mulf %logistic3A_113, %add3A_84 : vector<512x64xf32>
    %add3A_124 = arith.addf %mul3A_122, %mul3A_123 : vector<512x64xf32>
    %get3A_125 = arith.constant 0 : index
    %get3A_126 = arith.constant 48 : index
    %get3A_127 = vector.load %arg1[%get3A_125, %get3A_126] : memref<512x384xf32, #tpu.memory_space<vmem>>, vector<512x16xf32>
    %dot_general3A_128 = arith.constant dense<0.000000e+00> : vector<512x192xf32>
    %dot_general3A_129 = tpu.matmul %get3A_127, %get3A_1, %dot_general3A_128 {dimension_numbers = #tpu.dot_dimension_numbers<[1], [0], [0], [1], [0, 0, 1, 1], [], []>, transpose_lhs_hint = false} : vector<512x16xf32>, vector<16x192xf32>, vector<512x192xf32> -> vector<512x192xf32>
    %add3A_130 = vector.broadcast %get3A_7 : vector<1x192xf32> to vector<512x192xf32>
    %add3A_131 = arith.addf %dot_general3A_129, %add3A_130 : vector<512x192xf32>
    %dot_general3A_132 = arith.constant dense<0.000000e+00> : vector<512x192xf32>
    %dot_general3A_133 = tpu.matmul %add3A_124, %get3A_4, %dot_general3A_132 {dimension_numbers = #tpu.dot_dimension_numbers<[1], [0], [0], [1], [0, 0, 1, 1], [], []>, transpose_lhs_hint = false} : vector<512x64xf32>, vector<64x192xf32>, vector<512x192xf32> -> vector<512x192xf32>
    %add3A_134 = vector.broadcast %get3A_10 : vector<1x192xf32> to vector<512x192xf32>
    %add3A_135 = arith.addf %dot_general3A_133, %add3A_134 : vector<512x192xf32>
    %slice3A_136 = vector.extract_strided_slice %add3A_131 {offsets = [0, 0], sizes = [512, 64], strides = [1, 1]} : vector<512x192xf32> to vector<512x64xf32>
    %slice3A_137 = vector.extract_strided_slice %add3A_135 {offsets = [0, 0], sizes = [512, 64], strides = [1, 1]} : vector<512x192xf32> to vector<512x64xf32>
    %add3A_138 = arith.addf %slice3A_136, %slice3A_137 : vector<512x64xf32>
    %logistic3A_139 = arith.negf %add3A_138 : vector<512x64xf32>
    %logistic3A_140 = math.exp %logistic3A_139 : vector<512x64xf32>
    %logistic3A_141 = arith.constant 1.000000e+00 : f32
    %logistic3A_142 = vector.broadcast %logistic3A_141 : f32 to vector<512x64xf32>
    %logistic3A_143 = arith.addf %logistic3A_142, %logistic3A_140 : vector<512x64xf32>
    %logistic3A_144 = arith.divf %logistic3A_142, %logistic3A_143 : vector<512x64xf32>
    %slice3A_145 = vector.extract_strided_slice %add3A_131 {offsets = [0, 64], sizes = [512, 64], strides = [1, 1]} : vector<512x192xf32> to vector<512x64xf32>
    %slice3A_146 = vector.extract_strided_slice %add3A_135 {offsets = [0, 64], sizes = [512, 64], strides = [1, 1]} : vector<512x192xf32> to vector<512x64xf32>
    %add3A_147 = arith.addf %slice3A_145, %slice3A_146 : vector<512x64xf32>
    %logistic3A_148 = arith.negf %add3A_147 : vector<512x64xf32>
    %logistic3A_149 = math.exp %logistic3A_148 : vector<512x64xf32>
    %logistic3A_150 = arith.constant 1.000000e+00 : f32
    %logistic3A_151 = vector.broadcast %logistic3A_150 : f32 to vector<512x64xf32>
    %logistic3A_152 = arith.addf %logistic3A_151, %logistic3A_149 : vector<512x64xf32>
    %logistic3A_153 = arith.divf %logistic3A_151, %logistic3A_152 : vector<512x64xf32>
    %slice3A_154 = vector.extract_strided_slice %add3A_131 {offsets = [0, 128], sizes = [512, 64], strides = [1, 1]} : vector<512x192xf32> to vector<512x64xf32>
    %slice3A_155 = vector.extract_strided_slice %add3A_135 {offsets = [0, 128], sizes = [512, 64], strides = [1, 1]} : vector<512x192xf32> to vector<512x64xf32>
    %mul3A_156 = arith.mulf %logistic3A_144, %slice3A_155 : vector<512x64xf32>
    %add3A_157 = arith.addf %slice3A_154, %mul3A_156 : vector<512x64xf32>
    %tanh3A_158 = math.tanh %add3A_157 : vector<512x64xf32>
    %sub3A_159 = arith.constant 1.000000e+00 : f32
    %sub3A_160 = vector.broadcast %sub3A_159 : f32 to vector<512x64xf32>
    %sub3A_161 = arith.subf %sub3A_160, %logistic3A_153 : vector<512x64xf32>
    %mul3A_162 = arith.mulf %sub3A_161, %tanh3A_158 : vector<512x64xf32>
    %mul3A_163 = arith.mulf %logistic3A_153, %add3A_124 : vector<512x64xf32>
    %add3A_164 = arith.addf %mul3A_162, %mul3A_163 : vector<512x64xf32>
    %get3A_165 = arith.constant 0 : index
    %get3A_166 = arith.constant 64 : index
    %get3A_167 = vector.load %arg1[%get3A_165, %get3A_166] : memref<512x384xf32, #tpu.memory_space<vmem>>, vector<512x16xf32>
    %dot_general3A_168 = arith.constant dense<0.000000e+00> : vector<512x192xf32>
    %dot_general3A_169 = tpu.matmul %get3A_167, %get3A_1, %dot_general3A_168 {dimension_numbers = #tpu.dot_dimension_numbers<[1], [0], [0], [1], [0, 0, 1, 1], [], []>, transpose_lhs_hint = false} : vector<512x16xf32>, vector<16x192xf32>, vector<512x192xf32> -> vector<512x192xf32>
    %add3A_170 = vector.broadcast %get3A_7 : vector<1x192xf32> to vector<512x192xf32>
    %add3A_171 = arith.addf %dot_general3A_169, %add3A_170 : vector<512x192xf32>
    %dot_general3A_172 = arith.constant dense<0.000000e+00> : vector<512x192xf32>
    %dot_general3A_173 = tpu.matmul %add3A_164, %get3A_4, %dot_general3A_172 {dimension_numbers = #tpu.dot_dimension_numbers<[1], [0], [0], [1], [0, 0, 1, 1], [], []>, transpose_lhs_hint = false} : vector<512x64xf32>, vector<64x192xf32>, vector<512x192xf32> -> vector<512x192xf32>
    %add3A_174 = vector.broadcast %get3A_10 : vector<1x192xf32> to vector<512x192xf32>
    %add3A_175 = arith.addf %dot_general3A_173, %add3A_174 : vector<512x192xf32>
    %slice3A_176 = vector.extract_strided_slice %add3A_171 {offsets = [0, 0], sizes = [512, 64], strides = [1, 1]} : vector<512x192xf32> to vector<512x64xf32>
    %slice3A_177 = vector.extract_strided_slice %add3A_175 {offsets = [0, 0], sizes = [512, 64], strides = [1, 1]} : vector<512x192xf32> to vector<512x64xf32>
    %add3A_178 = arith.addf %slice3A_176, %slice3A_177 : vector<512x64xf32>
    %logistic3A_179 = arith.negf %add3A_178 : vector<512x64xf32>
    %logistic3A_180 = math.exp %logistic3A_179 : vector<512x64xf32>
    %logistic3A_181 = arith.constant 1.000000e+00 : f32
    %logistic3A_182 = vector.broadcast %logistic3A_181 : f32 to vector<512x64xf32>
    %logistic3A_183 = arith.addf %logistic3A_182, %logistic3A_180 : vector<512x64xf32>
    %logistic3A_184 = arith.divf %logistic3A_182, %logistic3A_183 : vector<512x64xf32>
    %slice3A_185 = vector.extract_strided_slice %add3A_171 {offsets = [0, 64], sizes = [512, 64], strides = [1, 1]} : vector<512x192xf32> to vector<512x64xf32>
    %slice3A_186 = vector.extract_strided_slice %add3A_175 {offsets = [0, 64], sizes = [512, 64], strides = [1, 1]} : vector<512x192xf32> to vector<512x64xf32>
    %add3A_187 = arith.addf %slice3A_185, %slice3A_186 : vector<512x64xf32>
    %logistic3A_188 = arith.negf %add3A_187 : vector<512x64xf32>
    %logistic3A_189 = math.exp %logistic3A_188 : vector<512x64xf32>
    %logistic3A_190 = arith.constant 1.000000e+00 : f32
    %logistic3A_191 = vector.broadcast %logistic3A_190 : f32 to vector<512x64xf32>
    %logistic3A_192 = arith.addf %logistic3A_191, %logistic3A_189 : vector<512x64xf32>
    %logistic3A_193 = arith.divf %logistic3A_191, %logistic3A_192 : vector<512x64xf32>
    %slice3A_194 = vector.extract_strided_slice %add3A_171 {offsets = [0, 128], sizes = [512, 64], strides = [1, 1]} : vector<512x192xf32> to vector<512x64xf32>
    %slice3A_195 = vector.extract_strided_slice %add3A_175 {offsets = [0, 128], sizes = [512, 64], strides = [1, 1]} : vector<512x192xf32> to vector<512x64xf32>
    %mul3A_196 = arith.mulf %logistic3A_184, %slice3A_195 : vector<512x64xf32>
    %add3A_197 = arith.addf %slice3A_194, %mul3A_196 : vector<512x64xf32>
    %tanh3A_198 = math.tanh %add3A_197 : vector<512x64xf32>
    %sub3A_199 = arith.constant 1.000000e+00 : f32
    %sub3A_200 = vector.broadcast %sub3A_199 : f32 to vector<512x64xf32>
    %sub3A_201 = arith.subf %sub3A_200, %logistic3A_193 : vector<512x64xf32>
    %mul3A_202 = arith.mulf %sub3A_201, %tanh3A_198 : vector<512x64xf32>
    %mul3A_203 = arith.mulf %logistic3A_193, %add3A_164 : vector<512x64xf32>
    %add3A_204 = arith.addf %mul3A_202, %mul3A_203 : vector<512x64xf32>
    %get3A_205 = arith.constant 0 : index
    %get3A_206 = arith.constant 80 : index
    %get3A_207 = vector.load %arg1[%get3A_205, %get3A_206] : memref<512x384xf32, #tpu.memory_space<vmem>>, vector<512x16xf32>
    %dot_general3A_208 = arith.constant dense<0.000000e+00> : vector<512x192xf32>
    %dot_general3A_209 = tpu.matmul %get3A_207, %get3A_1, %dot_general3A_208 {dimension_numbers = #tpu.dot_dimension_numbers<[1], [0], [0], [1], [0, 0, 1, 1], [], []>, transpose_lhs_hint = false} : vector<512x16xf32>, vector<16x192xf32>, vector<512x192xf32> -> vector<512x192xf32>
    %add3A_210 = vector.broadcast %get3A_7 : vector<1x192xf32> to vector<512x192xf32>
    %add3A_211 = arith.addf %dot_general3A_209, %add3A_210 : vector<512x192xf32>
    %dot_general3A_212 = arith.constant dense<0.000000e+00> : vector<512x192xf32>
    %dot_general3A_213 = tpu.matmul %add3A_204, %get3A_4, %dot_general3A_212 {dimension_numbers = #tpu.dot_dimension_numbers<[1], [0], [0], [1], [0, 0, 1, 1], [], []>, transpose_lhs_hint = false} : vector<512x64xf32>, vector<64x192xf32>, vector<512x192xf32> -> vector<512x192xf32>
    %add3A_214 = vector.broadcast %get3A_10 : vector<1x192xf32> to vector<512x192xf32>
    %add3A_215 = arith.addf %dot_general3A_213, %add3A_214 : vector<512x192xf32>
    %slice3A_216 = vector.extract_strided_slice %add3A_211 {offsets = [0, 0], sizes = [512, 64], strides = [1, 1]} : vector<512x192xf32> to vector<512x64xf32>
    %slice3A_217 = vector.extract_strided_slice %add3A_215 {offsets = [0, 0], sizes = [512, 64], strides = [1, 1]} : vector<512x192xf32> to vector<512x64xf32>
    %add3A_218 = arith.addf %slice3A_216, %slice3A_217 : vector<512x64xf32>
    %logistic3A_219 = arith.negf %add3A_218 : vector<512x64xf32>
    %logistic3A_220 = math.exp %logistic3A_219 : vector<512x64xf32>
    %logistic3A_221 = arith.constant 1.000000e+00 : f32
    %logistic3A_222 = vector.broadcast %logistic3A_221 : f32 to vector<512x64xf32>
    %logistic3A_223 = arith.addf %logistic3A_222, %logistic3A_220 : vector<512x64xf32>
    %logistic3A_224 = arith.divf %logistic3A_222, %logistic3A_223 : vector<512x64xf32>
    %slice3A_225 = vector.extract_strided_slice %add3A_211 {offsets = [0, 64], sizes = [512, 64], strides = [1, 1]} : vector<512x192xf32> to vector<512x64xf32>
    %slice3A_226 = vector.extract_strided_slice %add3A_215 {offsets = [0, 64], sizes = [512, 64], strides = [1, 1]} : vector<512x192xf32> to vector<512x64xf32>
    %add3A_227 = arith.addf %slice3A_225, %slice3A_226 : vector<512x64xf32>
    %logistic3A_228 = arith.negf %add3A_227 : vector<512x64xf32>
    %logistic3A_229 = math.exp %logistic3A_228 : vector<512x64xf32>
    %logistic3A_230 = arith.constant 1.000000e+00 : f32
    %logistic3A_231 = vector.broadcast %logistic3A_230 : f32 to vector<512x64xf32>
    %logistic3A_232 = arith.addf %logistic3A_231, %logistic3A_229 : vector<512x64xf32>
    %logistic3A_233 = arith.divf %logistic3A_231, %logistic3A_232 : vector<512x64xf32>
    %slice3A_234 = vector.extract_strided_slice %add3A_211 {offsets = [0, 128], sizes = [512, 64], strides = [1, 1]} : vector<512x192xf32> to vector<512x64xf32>
    %slice3A_235 = vector.extract_strided_slice %add3A_215 {offsets = [0, 128], sizes = [512, 64], strides = [1, 1]} : vector<512x192xf32> to vector<512x64xf32>
    %mul3A_236 = arith.mulf %logistic3A_224, %slice3A_235 : vector<512x64xf32>
    %add3A_237 = arith.addf %slice3A_234, %mul3A_236 : vector<512x64xf32>
    %tanh3A_238 = math.tanh %add3A_237 : vector<512x64xf32>
    %sub3A_239 = arith.constant 1.000000e+00 : f32
    %sub3A_240 = vector.broadcast %sub3A_239 : f32 to vector<512x64xf32>
    %sub3A_241 = arith.subf %sub3A_240, %logistic3A_233 : vector<512x64xf32>
    %mul3A_242 = arith.mulf %sub3A_241, %tanh3A_238 : vector<512x64xf32>
    %mul3A_243 = arith.mulf %logistic3A_233, %add3A_204 : vector<512x64xf32>
    %add3A_244 = arith.addf %mul3A_242, %mul3A_243 : vector<512x64xf32>
    %get3A_245 = arith.constant 0 : index
    %get3A_246 = arith.constant 96 : index
    %get3A_247 = vector.load %arg1[%get3A_245, %get3A_246] : memref<512x384xf32, #tpu.memory_space<vmem>>, vector<512x16xf32>
    %dot_general3A_248 = arith.constant dense<0.000000e+00> : vector<512x192xf32>
    %dot_general3A_249 = tpu.matmul %get3A_247, %get3A_1, %dot_general3A_248 {dimension_numbers = #tpu.dot_dimension_numbers<[1], [0], [0], [1], [0, 0, 1, 1], [], []>, transpose_lhs_hint = false} : vector<512x16xf32>, vector<16x192xf32>, vector<512x192xf32> -> vector<512x192xf32>
    %add3A_250 = vector.broadcast %get3A_7 : vector<1x192xf32> to vector<512x192xf32>
    %add3A_251 = arith.addf %dot_general3A_249, %add3A_250 : vector<512x192xf32>
    %dot_general3A_252 = arith.constant dense<0.000000e+00> : vector<512x192xf32>
    %dot_general3A_253 = tpu.matmul %add3A_244, %get3A_4, %dot_general3A_252 {dimension_numbers = #tpu.dot_dimension_numbers<[1], [0], [0], [1], [0, 0, 1, 1], [], []>, transpose_lhs_hint = false} : vector<512x64xf32>, vector<64x192xf32>, vector<512x192xf32> -> vector<512x192xf32>
    %add3A_254 = vector.broadcast %get3A_10 : vector<1x192xf32> to vector<512x192xf32>
    %add3A_255 = arith.addf %dot_general3A_253, %add3A_254 : vector<512x192xf32>
    %slice3A_256 = vector.extract_strided_slice %add3A_251 {offsets = [0, 0], sizes = [512, 64], strides = [1, 1]} : vector<512x192xf32> to vector<512x64xf32>
    %slice3A_257 = vector.extract_strided_slice %add3A_255 {offsets = [0, 0], sizes = [512, 64], strides = [1, 1]} : vector<512x192xf32> to vector<512x64xf32>
    %add3A_258 = arith.addf %slice3A_256, %slice3A_257 : vector<512x64xf32>
    %logistic3A_259 = arith.negf %add3A_258 : vector<512x64xf32>
    %logistic3A_260 = math.exp %logistic3A_259 : vector<512x64xf32>
    %logistic3A_261 = arith.constant 1.000000e+00 : f32
    %logistic3A_262 = vector.broadcast %logistic3A_261 : f32 to vector<512x64xf32>
    %logistic3A_263 = arith.addf %logistic3A_262, %logistic3A_260 : vector<512x64xf32>
    %logistic3A_264 = arith.divf %logistic3A_262, %logistic3A_263 : vector<512x64xf32>
    %slice3A_265 = vector.extract_strided_slice %add3A_251 {offsets = [0, 64], sizes = [512, 64], strides = [1, 1]} : vector<512x192xf32> to vector<512x64xf32>
    %slice3A_266 = vector.extract_strided_slice %add3A_255 {offsets = [0, 64], sizes = [512, 64], strides = [1, 1]} : vector<512x192xf32> to vector<512x64xf32>
    %add3A_267 = arith.addf %slice3A_265, %slice3A_266 : vector<512x64xf32>
    %logistic3A_268 = arith.negf %add3A_267 : vector<512x64xf32>
    %logistic3A_269 = math.exp %logistic3A_268 : vector<512x64xf32>
    %logistic3A_270 = arith.constant 1.000000e+00 : f32
    %logistic3A_271 = vector.broadcast %logistic3A_270 : f32 to vector<512x64xf32>
    %logistic3A_272 = arith.addf %logistic3A_271, %logistic3A_269 : vector<512x64xf32>
    %logistic3A_273 = arith.divf %logistic3A_271, %logistic3A_272 : vector<512x64xf32>
    %slice3A_274 = vector.extract_strided_slice %add3A_251 {offsets = [0, 128], sizes = [512, 64], strides = [1, 1]} : vector<512x192xf32> to vector<512x64xf32>
    %slice3A_275 = vector.extract_strided_slice %add3A_255 {offsets = [0, 128], sizes = [512, 64], strides = [1, 1]} : vector<512x192xf32> to vector<512x64xf32>
    %mul3A_276 = arith.mulf %logistic3A_264, %slice3A_275 : vector<512x64xf32>
    %add3A_277 = arith.addf %slice3A_274, %mul3A_276 : vector<512x64xf32>
    %tanh3A_278 = math.tanh %add3A_277 : vector<512x64xf32>
    %sub3A_279 = arith.constant 1.000000e+00 : f32
    %sub3A_280 = vector.broadcast %sub3A_279 : f32 to vector<512x64xf32>
    %sub3A_281 = arith.subf %sub3A_280, %logistic3A_273 : vector<512x64xf32>
    %mul3A_282 = arith.mulf %sub3A_281, %tanh3A_278 : vector<512x64xf32>
    %mul3A_283 = arith.mulf %logistic3A_273, %add3A_244 : vector<512x64xf32>
    %add3A_284 = arith.addf %mul3A_282, %mul3A_283 : vector<512x64xf32>
    %get3A_285 = arith.constant 0 : index
    %get3A_286 = arith.constant 112 : index
    %get3A_287 = vector.load %arg1[%get3A_285, %get3A_286] : memref<512x384xf32, #tpu.memory_space<vmem>>, vector<512x16xf32>
    %dot_general3A_288 = arith.constant dense<0.000000e+00> : vector<512x192xf32>
    %dot_general3A_289 = tpu.matmul %get3A_287, %get3A_1, %dot_general3A_288 {dimension_numbers = #tpu.dot_dimension_numbers<[1], [0], [0], [1], [0, 0, 1, 1], [], []>, transpose_lhs_hint = false} : vector<512x16xf32>, vector<16x192xf32>, vector<512x192xf32> -> vector<512x192xf32>
    %add3A_290 = vector.broadcast %get3A_7 : vector<1x192xf32> to vector<512x192xf32>
    %add3A_291 = arith.addf %dot_general3A_289, %add3A_290 : vector<512x192xf32>
    %dot_general3A_292 = arith.constant dense<0.000000e+00> : vector<512x192xf32>
    %dot_general3A_293 = tpu.matmul %add3A_284, %get3A_4, %dot_general3A_292 {dimension_numbers = #tpu.dot_dimension_numbers<[1], [0], [0], [1], [0, 0, 1, 1], [], []>, transpose_lhs_hint = false} : vector<512x64xf32>, vector<64x192xf32>, vector<512x192xf32> -> vector<512x192xf32>
    %add3A_294 = vector.broadcast %get3A_10 : vector<1x192xf32> to vector<512x192xf32>
    %add3A_295 = arith.addf %dot_general3A_293, %add3A_294 : vector<512x192xf32>
    %slice3A_296 = vector.extract_strided_slice %add3A_291 {offsets = [0, 0], sizes = [512, 64], strides = [1, 1]} : vector<512x192xf32> to vector<512x64xf32>
    %slice3A_297 = vector.extract_strided_slice %add3A_295 {offsets = [0, 0], sizes = [512, 64], strides = [1, 1]} : vector<512x192xf32> to vector<512x64xf32>
    %add3A_298 = arith.addf %slice3A_296, %slice3A_297 : vector<512x64xf32>
    %logistic3A_299 = arith.negf %add3A_298 : vector<512x64xf32>
    %logistic3A_300 = math.exp %logistic3A_299 : vector<512x64xf32>
    %logistic3A_301 = arith.constant 1.000000e+00 : f32
    %logistic3A_302 = vector.broadcast %logistic3A_301 : f32 to vector<512x64xf32>
    %logistic3A_303 = arith.addf %logistic3A_302, %logistic3A_300 : vector<512x64xf32>
    %logistic3A_304 = arith.divf %logistic3A_302, %logistic3A_303 : vector<512x64xf32>
    %slice3A_305 = vector.extract_strided_slice %add3A_291 {offsets = [0, 64], sizes = [512, 64], strides = [1, 1]} : vector<512x192xf32> to vector<512x64xf32>
    %slice3A_306 = vector.extract_strided_slice %add3A_295 {offsets = [0, 64], sizes = [512, 64], strides = [1, 1]} : vector<512x192xf32> to vector<512x64xf32>
    %add3A_307 = arith.addf %slice3A_305, %slice3A_306 : vector<512x64xf32>
    %logistic3A_308 = arith.negf %add3A_307 : vector<512x64xf32>
    %logistic3A_309 = math.exp %logistic3A_308 : vector<512x64xf32>
    %logistic3A_310 = arith.constant 1.000000e+00 : f32
    %logistic3A_311 = vector.broadcast %logistic3A_310 : f32 to vector<512x64xf32>
    %logistic3A_312 = arith.addf %logistic3A_311, %logistic3A_309 : vector<512x64xf32>
    %logistic3A_313 = arith.divf %logistic3A_311, %logistic3A_312 : vector<512x64xf32>
    %slice3A_314 = vector.extract_strided_slice %add3A_291 {offsets = [0, 128], sizes = [512, 64], strides = [1, 1]} : vector<512x192xf32> to vector<512x64xf32>
    %slice3A_315 = vector.extract_strided_slice %add3A_295 {offsets = [0, 128], sizes = [512, 64], strides = [1, 1]} : vector<512x192xf32> to vector<512x64xf32>
    %mul3A_316 = arith.mulf %logistic3A_304, %slice3A_315 : vector<512x64xf32>
    %add3A_317 = arith.addf %slice3A_314, %mul3A_316 : vector<512x64xf32>
    %tanh3A_318 = math.tanh %add3A_317 : vector<512x64xf32>
    %sub3A_319 = arith.constant 1.000000e+00 : f32
    %sub3A_320 = vector.broadcast %sub3A_319 : f32 to vector<512x64xf32>
    %sub3A_321 = arith.subf %sub3A_320, %logistic3A_313 : vector<512x64xf32>
    %mul3A_322 = arith.mulf %sub3A_321, %tanh3A_318 : vector<512x64xf32>
    %mul3A_323 = arith.mulf %logistic3A_313, %add3A_284 : vector<512x64xf32>
    %add3A_324 = arith.addf %mul3A_322, %mul3A_323 : vector<512x64xf32>
    %get3A_325 = arith.constant 0 : index
    %get3A_326 = arith.constant 128 : index
    %get3A_327 = vector.load %arg1[%get3A_325, %get3A_326] : memref<512x384xf32, #tpu.memory_space<vmem>>, vector<512x16xf32>
    %dot_general3A_328 = arith.constant dense<0.000000e+00> : vector<512x192xf32>
    %dot_general3A_329 = tpu.matmul %get3A_327, %get3A_1, %dot_general3A_328 {dimension_numbers = #tpu.dot_dimension_numbers<[1], [0], [0], [1], [0, 0, 1, 1], [], []>, transpose_lhs_hint = false} : vector<512x16xf32>, vector<16x192xf32>, vector<512x192xf32> -> vector<512x192xf32>
    %add3A_330 = vector.broadcast %get3A_7 : vector<1x192xf32> to vector<512x192xf32>
    %add3A_331 = arith.addf %dot_general3A_329, %add3A_330 : vector<512x192xf32>
    %dot_general3A_332 = arith.constant dense<0.000000e+00> : vector<512x192xf32>
    %dot_general3A_333 = tpu.matmul %add3A_324, %get3A_4, %dot_general3A_332 {dimension_numbers = #tpu.dot_dimension_numbers<[1], [0], [0], [1], [0, 0, 1, 1], [], []>, transpose_lhs_hint = false} : vector<512x64xf32>, vector<64x192xf32>, vector<512x192xf32> -> vector<512x192xf32>
    %add3A_334 = vector.broadcast %get3A_10 : vector<1x192xf32> to vector<512x192xf32>
    %add3A_335 = arith.addf %dot_general3A_333, %add3A_334 : vector<512x192xf32>
    %slice3A_336 = vector.extract_strided_slice %add3A_331 {offsets = [0, 0], sizes = [512, 64], strides = [1, 1]} : vector<512x192xf32> to vector<512x64xf32>
    %slice3A_337 = vector.extract_strided_slice %add3A_335 {offsets = [0, 0], sizes = [512, 64], strides = [1, 1]} : vector<512x192xf32> to vector<512x64xf32>
    %add3A_338 = arith.addf %slice3A_336, %slice3A_337 : vector<512x64xf32>
    %logistic3A_339 = arith.negf %add3A_338 : vector<512x64xf32>
    %logistic3A_340 = math.exp %logistic3A_339 : vector<512x64xf32>
    %logistic3A_341 = arith.constant 1.000000e+00 : f32
    %logistic3A_342 = vector.broadcast %logistic3A_341 : f32 to vector<512x64xf32>
    %logistic3A_343 = arith.addf %logistic3A_342, %logistic3A_340 : vector<512x64xf32>
    %logistic3A_344 = arith.divf %logistic3A_342, %logistic3A_343 : vector<512x64xf32>
    %slice3A_345 = vector.extract_strided_slice %add3A_331 {offsets = [0, 64], sizes = [512, 64], strides = [1, 1]} : vector<512x192xf32> to vector<512x64xf32>
    %slice3A_346 = vector.extract_strided_slice %add3A_335 {offsets = [0, 64], sizes = [512, 64], strides = [1, 1]} : vector<512x192xf32> to vector<512x64xf32>
    %add3A_347 = arith.addf %slice3A_345, %slice3A_346 : vector<512x64xf32>
    %logistic3A_348 = arith.negf %add3A_347 : vector<512x64xf32>
    %logistic3A_349 = math.exp %logistic3A_348 : vector<512x64xf32>
    %logistic3A_350 = arith.constant 1.000000e+00 : f32
    %logistic3A_351 = vector.broadcast %logistic3A_350 : f32 to vector<512x64xf32>
    %logistic3A_352 = arith.addf %logistic3A_351, %logistic3A_349 : vector<512x64xf32>
    %logistic3A_353 = arith.divf %logistic3A_351, %logistic3A_352 : vector<512x64xf32>
    %slice3A_354 = vector.extract_strided_slice %add3A_331 {offsets = [0, 128], sizes = [512, 64], strides = [1, 1]} : vector<512x192xf32> to vector<512x64xf32>
    %slice3A_355 = vector.extract_strided_slice %add3A_335 {offsets = [0, 128], sizes = [512, 64], strides = [1, 1]} : vector<512x192xf32> to vector<512x64xf32>
    %mul3A_356 = arith.mulf %logistic3A_344, %slice3A_355 : vector<512x64xf32>
    %add3A_357 = arith.addf %slice3A_354, %mul3A_356 : vector<512x64xf32>
    %tanh3A_358 = math.tanh %add3A_357 : vector<512x64xf32>
    %sub3A_359 = arith.constant 1.000000e+00 : f32
    %sub3A_360 = vector.broadcast %sub3A_359 : f32 to vector<512x64xf32>
    %sub3A_361 = arith.subf %sub3A_360, %logistic3A_353 : vector<512x64xf32>
    %mul3A_362 = arith.mulf %sub3A_361, %tanh3A_358 : vector<512x64xf32>
    %mul3A_363 = arith.mulf %logistic3A_353, %add3A_324 : vector<512x64xf32>
    %add3A_364 = arith.addf %mul3A_362, %mul3A_363 : vector<512x64xf32>
    %get3A_365 = arith.constant 0 : index
    %get3A_366 = arith.constant 144 : index
    %get3A_367 = vector.load %arg1[%get3A_365, %get3A_366] : memref<512x384xf32, #tpu.memory_space<vmem>>, vector<512x16xf32>
    %dot_general3A_368 = arith.constant dense<0.000000e+00> : vector<512x192xf32>
    %dot_general3A_369 = tpu.matmul %get3A_367, %get3A_1, %dot_general3A_368 {dimension_numbers = #tpu.dot_dimension_numbers<[1], [0], [0], [1], [0, 0, 1, 1], [], []>, transpose_lhs_hint = false} : vector<512x16xf32>, vector<16x192xf32>, vector<512x192xf32> -> vector<512x192xf32>
    %add3A_370 = vector.broadcast %get3A_7 : vector<1x192xf32> to vector<512x192xf32>
    %add3A_371 = arith.addf %dot_general3A_369, %add3A_370 : vector<512x192xf32>
    %dot_general3A_372 = arith.constant dense<0.000000e+00> : vector<512x192xf32>
    %dot_general3A_373 = tpu.matmul %add3A_364, %get3A_4, %dot_general3A_372 {dimension_numbers = #tpu.dot_dimension_numbers<[1], [0], [0], [1], [0, 0, 1, 1], [], []>, transpose_lhs_hint = false} : vector<512x64xf32>, vector<64x192xf32>, vector<512x192xf32> -> vector<512x192xf32>
    %add3A_374 = vector.broadcast %get3A_10 : vector<1x192xf32> to vector<512x192xf32>
    %add3A_375 = arith.addf %dot_general3A_373, %add3A_374 : vector<512x192xf32>
    %slice3A_376 = vector.extract_strided_slice %add3A_371 {offsets = [0, 0], sizes = [512, 64], strides = [1, 1]} : vector<512x192xf32> to vector<512x64xf32>
    %slice3A_377 = vector.extract_strided_slice %add3A_375 {offsets = [0, 0], sizes = [512, 64], strides = [1, 1]} : vector<512x192xf32> to vector<512x64xf32>
    %add3A_378 = arith.addf %slice3A_376, %slice3A_377 : vector<512x64xf32>
    %logistic3A_379 = arith.negf %add3A_378 : vector<512x64xf32>
    %logistic3A_380 = math.exp %logistic3A_379 : vector<512x64xf32>
    %logistic3A_381 = arith.constant 1.000000e+00 : f32
    %logistic3A_382 = vector.broadcast %logistic3A_381 : f32 to vector<512x64xf32>
    %logistic3A_383 = arith.addf %logistic3A_382, %logistic3A_380 : vector<512x64xf32>
    %logistic3A_384 = arith.divf %logistic3A_382, %logistic3A_383 : vector<512x64xf32>
    %slice3A_385 = vector.extract_strided_slice %add3A_371 {offsets = [0, 64], sizes = [512, 64], strides = [1, 1]} : vector<512x192xf32> to vector<512x64xf32>
    %slice3A_386 = vector.extract_strided_slice %add3A_375 {offsets = [0, 64], sizes = [512, 64], strides = [1, 1]} : vector<512x192xf32> to vector<512x64xf32>
    %add3A_387 = arith.addf %slice3A_385, %slice3A_386 : vector<512x64xf32>
    %logistic3A_388 = arith.negf %add3A_387 : vector<512x64xf32>
    %logistic3A_389 = math.exp %logistic3A_388 : vector<512x64xf32>
    %logistic3A_390 = arith.constant 1.000000e+00 : f32
    %logistic3A_391 = vector.broadcast %logistic3A_390 : f32 to vector<512x64xf32>
    %logistic3A_392 = arith.addf %logistic3A_391, %logistic3A_389 : vector<512x64xf32>
    %logistic3A_393 = arith.divf %logistic3A_391, %logistic3A_392 : vector<512x64xf32>
    %slice3A_394 = vector.extract_strided_slice %add3A_371 {offsets = [0, 128], sizes = [512, 64], strides = [1, 1]} : vector<512x192xf32> to vector<512x64xf32>
    %slice3A_395 = vector.extract_strided_slice %add3A_375 {offsets = [0, 128], sizes = [512, 64], strides = [1, 1]} : vector<512x192xf32> to vector<512x64xf32>
    %mul3A_396 = arith.mulf %logistic3A_384, %slice3A_395 : vector<512x64xf32>
    %add3A_397 = arith.addf %slice3A_394, %mul3A_396 : vector<512x64xf32>
    %tanh3A_398 = math.tanh %add3A_397 : vector<512x64xf32>
    %sub3A_399 = arith.constant 1.000000e+00 : f32
    %sub3A_400 = vector.broadcast %sub3A_399 : f32 to vector<512x64xf32>
    %sub3A_401 = arith.subf %sub3A_400, %logistic3A_393 : vector<512x64xf32>
    %mul3A_402 = arith.mulf %sub3A_401, %tanh3A_398 : vector<512x64xf32>
    %mul3A_403 = arith.mulf %logistic3A_393, %add3A_364 : vector<512x64xf32>
    %add3A_404 = arith.addf %mul3A_402, %mul3A_403 : vector<512x64xf32>
    %get3A_405 = arith.constant 0 : index
    %get3A_406 = arith.constant 160 : index
    %get3A_407 = vector.load %arg1[%get3A_405, %get3A_406] : memref<512x384xf32, #tpu.memory_space<vmem>>, vector<512x16xf32>
    %dot_general3A_408 = arith.constant dense<0.000000e+00> : vector<512x192xf32>
    %dot_general3A_409 = tpu.matmul %get3A_407, %get3A_1, %dot_general3A_408 {dimension_numbers = #tpu.dot_dimension_numbers<[1], [0], [0], [1], [0, 0, 1, 1], [], []>, transpose_lhs_hint = false} : vector<512x16xf32>, vector<16x192xf32>, vector<512x192xf32> -> vector<512x192xf32>
    %add3A_410 = vector.broadcast %get3A_7 : vector<1x192xf32> to vector<512x192xf32>
    %add3A_411 = arith.addf %dot_general3A_409, %add3A_410 : vector<512x192xf32>
    %dot_general3A_412 = arith.constant dense<0.000000e+00> : vector<512x192xf32>
    %dot_general3A_413 = tpu.matmul %add3A_404, %get3A_4, %dot_general3A_412 {dimension_numbers = #tpu.dot_dimension_numbers<[1], [0], [0], [1], [0, 0, 1, 1], [], []>, transpose_lhs_hint = false} : vector<512x64xf32>, vector<64x192xf32>, vector<512x192xf32> -> vector<512x192xf32>
    %add3A_414 = vector.broadcast %get3A_10 : vector<1x192xf32> to vector<512x192xf32>
    %add3A_415 = arith.addf %dot_general3A_413, %add3A_414 : vector<512x192xf32>
    %slice3A_416 = vector.extract_strided_slice %add3A_411 {offsets = [0, 0], sizes = [512, 64], strides = [1, 1]} : vector<512x192xf32> to vector<512x64xf32>
    %slice3A_417 = vector.extract_strided_slice %add3A_415 {offsets = [0, 0], sizes = [512, 64], strides = [1, 1]} : vector<512x192xf32> to vector<512x64xf32>
    %add3A_418 = arith.addf %slice3A_416, %slice3A_417 : vector<512x64xf32>
    %logistic3A_419 = arith.negf %add3A_418 : vector<512x64xf32>
    %logistic3A_420 = math.exp %logistic3A_419 : vector<512x64xf32>
    %logistic3A_421 = arith.constant 1.000000e+00 : f32
    %logistic3A_422 = vector.broadcast %logistic3A_421 : f32 to vector<512x64xf32>
    %logistic3A_423 = arith.addf %logistic3A_422, %logistic3A_420 : vector<512x64xf32>
    %logistic3A_424 = arith.divf %logistic3A_422, %logistic3A_423 : vector<512x64xf32>
    %slice3A_425 = vector.extract_strided_slice %add3A_411 {offsets = [0, 64], sizes = [512, 64], strides = [1, 1]} : vector<512x192xf32> to vector<512x64xf32>
    %slice3A_426 = vector.extract_strided_slice %add3A_415 {offsets = [0, 64], sizes = [512, 64], strides = [1, 1]} : vector<512x192xf32> to vector<512x64xf32>
    %add3A_427 = arith.addf %slice3A_425, %slice3A_426 : vector<512x64xf32>
    %logistic3A_428 = arith.negf %add3A_427 : vector<512x64xf32>
    %logistic3A_429 = math.exp %logistic3A_428 : vector<512x64xf32>
    %logistic3A_430 = arith.constant 1.000000e+00 : f32
    %logistic3A_431 = vector.broadcast %logistic3A_430 : f32 to vector<512x64xf32>
    %logistic3A_432 = arith.addf %logistic3A_431, %logistic3A_429 : vector<512x64xf32>
    %logistic3A_433 = arith.divf %logistic3A_431, %logistic3A_432 : vector<512x64xf32>
    %slice3A_434 = vector.extract_strided_slice %add3A_411 {offsets = [0, 128], sizes = [512, 64], strides = [1, 1]} : vector<512x192xf32> to vector<512x64xf32>
    %slice3A_435 = vector.extract_strided_slice %add3A_415 {offsets = [0, 128], sizes = [512, 64], strides = [1, 1]} : vector<512x192xf32> to vector<512x64xf32>
    %mul3A_436 = arith.mulf %logistic3A_424, %slice3A_435 : vector<512x64xf32>
    %add3A_437 = arith.addf %slice3A_434, %mul3A_436 : vector<512x64xf32>
    %tanh3A_438 = math.tanh %add3A_437 : vector<512x64xf32>
    %sub3A_439 = arith.constant 1.000000e+00 : f32
    %sub3A_440 = vector.broadcast %sub3A_439 : f32 to vector<512x64xf32>
    %sub3A_441 = arith.subf %sub3A_440, %logistic3A_433 : vector<512x64xf32>
    %mul3A_442 = arith.mulf %sub3A_441, %tanh3A_438 : vector<512x64xf32>
    %mul3A_443 = arith.mulf %logistic3A_433, %add3A_404 : vector<512x64xf32>
    %add3A_444 = arith.addf %mul3A_442, %mul3A_443 : vector<512x64xf32>
    %get3A_445 = arith.constant 0 : index
    %get3A_446 = arith.constant 176 : index
    %get3A_447 = vector.load %arg1[%get3A_445, %get3A_446] : memref<512x384xf32, #tpu.memory_space<vmem>>, vector<512x16xf32>
    %dot_general3A_448 = arith.constant dense<0.000000e+00> : vector<512x192xf32>
    %dot_general3A_449 = tpu.matmul %get3A_447, %get3A_1, %dot_general3A_448 {dimension_numbers = #tpu.dot_dimension_numbers<[1], [0], [0], [1], [0, 0, 1, 1], [], []>, transpose_lhs_hint = false} : vector<512x16xf32>, vector<16x192xf32>, vector<512x192xf32> -> vector<512x192xf32>
    %add3A_450 = vector.broadcast %get3A_7 : vector<1x192xf32> to vector<512x192xf32>
    %add3A_451 = arith.addf %dot_general3A_449, %add3A_450 : vector<512x192xf32>
    %dot_general3A_452 = arith.constant dense<0.000000e+00> : vector<512x192xf32>
    %dot_general3A_453 = tpu.matmul %add3A_444, %get3A_4, %dot_general3A_452 {dimension_numbers = #tpu.dot_dimension_numbers<[1], [0], [0], [1], [0, 0, 1, 1], [], []>, transpose_lhs_hint = false} : vector<512x64xf32>, vector<64x192xf32>, vector<512x192xf32> -> vector<512x192xf32>
    %add3A_454 = vector.broadcast %get3A_10 : vector<1x192xf32> to vector<512x192xf32>
    %add3A_455 = arith.addf %dot_general3A_453, %add3A_454 : vector<512x192xf32>
    %slice3A_456 = vector.extract_strided_slice %add3A_451 {offsets = [0, 0], sizes = [512, 64], strides = [1, 1]} : vector<512x192xf32> to vector<512x64xf32>
    %slice3A_457 = vector.extract_strided_slice %add3A_455 {offsets = [0, 0], sizes = [512, 64], strides = [1, 1]} : vector<512x192xf32> to vector<512x64xf32>
    %add3A_458 = arith.addf %slice3A_456, %slice3A_457 : vector<512x64xf32>
    %logistic3A_459 = arith.negf %add3A_458 : vector<512x64xf32>
    %logistic3A_460 = math.exp %logistic3A_459 : vector<512x64xf32>
    %logistic3A_461 = arith.constant 1.000000e+00 : f32
    %logistic3A_462 = vector.broadcast %logistic3A_461 : f32 to vector<512x64xf32>
    %logistic3A_463 = arith.addf %logistic3A_462, %logistic3A_460 : vector<512x64xf32>
    %logistic3A_464 = arith.divf %logistic3A_462, %logistic3A_463 : vector<512x64xf32>
    %slice3A_465 = vector.extract_strided_slice %add3A_451 {offsets = [0, 64], sizes = [512, 64], strides = [1, 1]} : vector<512x192xf32> to vector<512x64xf32>
    %slice3A_466 = vector.extract_strided_slice %add3A_455 {offsets = [0, 64], sizes = [512, 64], strides = [1, 1]} : vector<512x192xf32> to vector<512x64xf32>
    %add3A_467 = arith.addf %slice3A_465, %slice3A_466 : vector<512x64xf32>
    %logistic3A_468 = arith.negf %add3A_467 : vector<512x64xf32>
    %logistic3A_469 = math.exp %logistic3A_468 : vector<512x64xf32>
    %logistic3A_470 = arith.constant 1.000000e+00 : f32
    %logistic3A_471 = vector.broadcast %logistic3A_470 : f32 to vector<512x64xf32>
    %logistic3A_472 = arith.addf %logistic3A_471, %logistic3A_469 : vector<512x64xf32>
    %logistic3A_473 = arith.divf %logistic3A_471, %logistic3A_472 : vector<512x64xf32>
    %slice3A_474 = vector.extract_strided_slice %add3A_451 {offsets = [0, 128], sizes = [512, 64], strides = [1, 1]} : vector<512x192xf32> to vector<512x64xf32>
    %slice3A_475 = vector.extract_strided_slice %add3A_455 {offsets = [0, 128], sizes = [512, 64], strides = [1, 1]} : vector<512x192xf32> to vector<512x64xf32>
    %mul3A_476 = arith.mulf %logistic3A_464, %slice3A_475 : vector<512x64xf32>
    %add3A_477 = arith.addf %slice3A_474, %mul3A_476 : vector<512x64xf32>
    %tanh3A_478 = math.tanh %add3A_477 : vector<512x64xf32>
    %sub3A_479 = arith.constant 1.000000e+00 : f32
    %sub3A_480 = vector.broadcast %sub3A_479 : f32 to vector<512x64xf32>
    %sub3A_481 = arith.subf %sub3A_480, %logistic3A_473 : vector<512x64xf32>
    %mul3A_482 = arith.mulf %sub3A_481, %tanh3A_478 : vector<512x64xf32>
    %mul3A_483 = arith.mulf %logistic3A_473, %add3A_444 : vector<512x64xf32>
    %add3A_484 = arith.addf %mul3A_482, %mul3A_483 : vector<512x64xf32>
    %get3A_485 = arith.constant 0 : index
    %get3A_486 = arith.constant 192 : index
    %get3A_487 = vector.load %arg1[%get3A_485, %get3A_486] : memref<512x384xf32, #tpu.memory_space<vmem>>, vector<512x16xf32>
    %dot_general3A_488 = arith.constant dense<0.000000e+00> : vector<512x192xf32>
    %dot_general3A_489 = tpu.matmul %get3A_487, %get3A_1, %dot_general3A_488 {dimension_numbers = #tpu.dot_dimension_numbers<[1], [0], [0], [1], [0, 0, 1, 1], [], []>, transpose_lhs_hint = false} : vector<512x16xf32>, vector<16x192xf32>, vector<512x192xf32> -> vector<512x192xf32>
    %add3A_490 = vector.broadcast %get3A_7 : vector<1x192xf32> to vector<512x192xf32>
    %add3A_491 = arith.addf %dot_general3A_489, %add3A_490 : vector<512x192xf32>
    %dot_general3A_492 = arith.constant dense<0.000000e+00> : vector<512x192xf32>
    %dot_general3A_493 = tpu.matmul %add3A_484, %get3A_4, %dot_general3A_492 {dimension_numbers = #tpu.dot_dimension_numbers<[1], [0], [0], [1], [0, 0, 1, 1], [], []>, transpose_lhs_hint = false} : vector<512x64xf32>, vector<64x192xf32>, vector<512x192xf32> -> vector<512x192xf32>
    %add3A_494 = vector.broadcast %get3A_10 : vector<1x192xf32> to vector<512x192xf32>
    %add3A_495 = arith.addf %dot_general3A_493, %add3A_494 : vector<512x192xf32>
    %slice3A_496 = vector.extract_strided_slice %add3A_491 {offsets = [0, 0], sizes = [512, 64], strides = [1, 1]} : vector<512x192xf32> to vector<512x64xf32>
    %slice3A_497 = vector.extract_strided_slice %add3A_495 {offsets = [0, 0], sizes = [512, 64], strides = [1, 1]} : vector<512x192xf32> to vector<512x64xf32>
    %add3A_498 = arith.addf %slice3A_496, %slice3A_497 : vector<512x64xf32>
    %logistic3A_499 = arith.negf %add3A_498 : vector<512x64xf32>
    %logistic3A_500 = math.exp %logistic3A_499 : vector<512x64xf32>
    %logistic3A_501 = arith.constant 1.000000e+00 : f32
    %logistic3A_502 = vector.broadcast %logistic3A_501 : f32 to vector<512x64xf32>
    %logistic3A_503 = arith.addf %logistic3A_502, %logistic3A_500 : vector<512x64xf32>
    %logistic3A_504 = arith.divf %logistic3A_502, %logistic3A_503 : vector<512x64xf32>
    %slice3A_505 = vector.extract_strided_slice %add3A_491 {offsets = [0, 64], sizes = [512, 64], strides = [1, 1]} : vector<512x192xf32> to vector<512x64xf32>
    %slice3A_506 = vector.extract_strided_slice %add3A_495 {offsets = [0, 64], sizes = [512, 64], strides = [1, 1]} : vector<512x192xf32> to vector<512x64xf32>
    %add3A_507 = arith.addf %slice3A_505, %slice3A_506 : vector<512x64xf32>
    %logistic3A_508 = arith.negf %add3A_507 : vector<512x64xf32>
    %logistic3A_509 = math.exp %logistic3A_508 : vector<512x64xf32>
    %logistic3A_510 = arith.constant 1.000000e+00 : f32
    %logistic3A_511 = vector.broadcast %logistic3A_510 : f32 to vector<512x64xf32>
    %logistic3A_512 = arith.addf %logistic3A_511, %logistic3A_509 : vector<512x64xf32>
    %logistic3A_513 = arith.divf %logistic3A_511, %logistic3A_512 : vector<512x64xf32>
    %slice3A_514 = vector.extract_strided_slice %add3A_491 {offsets = [0, 128], sizes = [512, 64], strides = [1, 1]} : vector<512x192xf32> to vector<512x64xf32>
    %slice3A_515 = vector.extract_strided_slice %add3A_495 {offsets = [0, 128], sizes = [512, 64], strides = [1, 1]} : vector<512x192xf32> to vector<512x64xf32>
    %mul3A_516 = arith.mulf %logistic3A_504, %slice3A_515 : vector<512x64xf32>
    %add3A_517 = arith.addf %slice3A_514, %mul3A_516 : vector<512x64xf32>
    %tanh3A_518 = math.tanh %add3A_517 : vector<512x64xf32>
    %sub3A_519 = arith.constant 1.000000e+00 : f32
    %sub3A_520 = vector.broadcast %sub3A_519 : f32 to vector<512x64xf32>
    %sub3A_521 = arith.subf %sub3A_520, %logistic3A_513 : vector<512x64xf32>
    %mul3A_522 = arith.mulf %sub3A_521, %tanh3A_518 : vector<512x64xf32>
    %mul3A_523 = arith.mulf %logistic3A_513, %add3A_484 : vector<512x64xf32>
    %add3A_524 = arith.addf %mul3A_522, %mul3A_523 : vector<512x64xf32>
    %get3A_525 = arith.constant 0 : index
    %get3A_526 = arith.constant 208 : index
    %get3A_527 = vector.load %arg1[%get3A_525, %get3A_526] : memref<512x384xf32, #tpu.memory_space<vmem>>, vector<512x16xf32>
    %dot_general3A_528 = arith.constant dense<0.000000e+00> : vector<512x192xf32>
    %dot_general3A_529 = tpu.matmul %get3A_527, %get3A_1, %dot_general3A_528 {dimension_numbers = #tpu.dot_dimension_numbers<[1], [0], [0], [1], [0, 0, 1, 1], [], []>, transpose_lhs_hint = false} : vector<512x16xf32>, vector<16x192xf32>, vector<512x192xf32> -> vector<512x192xf32>
    %add3A_530 = vector.broadcast %get3A_7 : vector<1x192xf32> to vector<512x192xf32>
    %add3A_531 = arith.addf %dot_general3A_529, %add3A_530 : vector<512x192xf32>
    %dot_general3A_532 = arith.constant dense<0.000000e+00> : vector<512x192xf32>
    %dot_general3A_533 = tpu.matmul %add3A_524, %get3A_4, %dot_general3A_532 {dimension_numbers = #tpu.dot_dimension_numbers<[1], [0], [0], [1], [0, 0, 1, 1], [], []>, transpose_lhs_hint = false} : vector<512x64xf32>, vector<64x192xf32>, vector<512x192xf32> -> vector<512x192xf32>
    %add3A_534 = vector.broadcast %get3A_10 : vector<1x192xf32> to vector<512x192xf32>
    %add3A_535 = arith.addf %dot_general3A_533, %add3A_534 : vector<512x192xf32>
    %slice3A_536 = vector.extract_strided_slice %add3A_531 {offsets = [0, 0], sizes = [512, 64], strides = [1, 1]} : vector<512x192xf32> to vector<512x64xf32>
    %slice3A_537 = vector.extract_strided_slice %add3A_535 {offsets = [0, 0], sizes = [512, 64], strides = [1, 1]} : vector<512x192xf32> to vector<512x64xf32>
    %add3A_538 = arith.addf %slice3A_536, %slice3A_537 : vector<512x64xf32>
    %logistic3A_539 = arith.negf %add3A_538 : vector<512x64xf32>
    %logistic3A_540 = math.exp %logistic3A_539 : vector<512x64xf32>
    %logistic3A_541 = arith.constant 1.000000e+00 : f32
    %logistic3A_542 = vector.broadcast %logistic3A_541 : f32 to vector<512x64xf32>
    %logistic3A_543 = arith.addf %logistic3A_542, %logistic3A_540 : vector<512x64xf32>
    %logistic3A_544 = arith.divf %logistic3A_542, %logistic3A_543 : vector<512x64xf32>
    %slice3A_545 = vector.extract_strided_slice %add3A_531 {offsets = [0, 64], sizes = [512, 64], strides = [1, 1]} : vector<512x192xf32> to vector<512x64xf32>
    %slice3A_546 = vector.extract_strided_slice %add3A_535 {offsets = [0, 64], sizes = [512, 64], strides = [1, 1]} : vector<512x192xf32> to vector<512x64xf32>
    %add3A_547 = arith.addf %slice3A_545, %slice3A_546 : vector<512x64xf32>
    %logistic3A_548 = arith.negf %add3A_547 : vector<512x64xf32>
    %logistic3A_549 = math.exp %logistic3A_548 : vector<512x64xf32>
    %logistic3A_550 = arith.constant 1.000000e+00 : f32
    %logistic3A_551 = vector.broadcast %logistic3A_550 : f32 to vector<512x64xf32>
    %logistic3A_552 = arith.addf %logistic3A_551, %logistic3A_549 : vector<512x64xf32>
    %logistic3A_553 = arith.divf %logistic3A_551, %logistic3A_552 : vector<512x64xf32>
    %slice3A_554 = vector.extract_strided_slice %add3A_531 {offsets = [0, 128], sizes = [512, 64], strides = [1, 1]} : vector<512x192xf32> to vector<512x64xf32>
    %slice3A_555 = vector.extract_strided_slice %add3A_535 {offsets = [0, 128], sizes = [512, 64], strides = [1, 1]} : vector<512x192xf32> to vector<512x64xf32>
    %mul3A_556 = arith.mulf %logistic3A_544, %slice3A_555 : vector<512x64xf32>
    %add3A_557 = arith.addf %slice3A_554, %mul3A_556 : vector<512x64xf32>
    %tanh3A_558 = math.tanh %add3A_557 : vector<512x64xf32>
    %sub3A_559 = arith.constant 1.000000e+00 : f32
    %sub3A_560 = vector.broadcast %sub3A_559 : f32 to vector<512x64xf32>
    %sub3A_561 = arith.subf %sub3A_560, %logistic3A_553 : vector<512x64xf32>
    %mul3A_562 = arith.mulf %sub3A_561, %tanh3A_558 : vector<512x64xf32>
    %mul3A_563 = arith.mulf %logistic3A_553, %add3A_524 : vector<512x64xf32>
    %add3A_564 = arith.addf %mul3A_562, %mul3A_563 : vector<512x64xf32>
    %get3A_565 = arith.constant 0 : index
    %get3A_566 = arith.constant 224 : index
    %get3A_567 = vector.load %arg1[%get3A_565, %get3A_566] : memref<512x384xf32, #tpu.memory_space<vmem>>, vector<512x16xf32>
    %dot_general3A_568 = arith.constant dense<0.000000e+00> : vector<512x192xf32>
    %dot_general3A_569 = tpu.matmul %get3A_567, %get3A_1, %dot_general3A_568 {dimension_numbers = #tpu.dot_dimension_numbers<[1], [0], [0], [1], [0, 0, 1, 1], [], []>, transpose_lhs_hint = false} : vector<512x16xf32>, vector<16x192xf32>, vector<512x192xf32> -> vector<512x192xf32>
    %add3A_570 = vector.broadcast %get3A_7 : vector<1x192xf32> to vector<512x192xf32>
    %add3A_571 = arith.addf %dot_general3A_569, %add3A_570 : vector<512x192xf32>
    %dot_general3A_572 = arith.constant dense<0.000000e+00> : vector<512x192xf32>
    %dot_general3A_573 = tpu.matmul %add3A_564, %get3A_4, %dot_general3A_572 {dimension_numbers = #tpu.dot_dimension_numbers<[1], [0], [0], [1], [0, 0, 1, 1], [], []>, transpose_lhs_hint = false} : vector<512x64xf32>, vector<64x192xf32>, vector<512x192xf32> -> vector<512x192xf32>
    %add3A_574 = vector.broadcast %get3A_10 : vector<1x192xf32> to vector<512x192xf32>
    %add3A_575 = arith.addf %dot_general3A_573, %add3A_574 : vector<512x192xf32>
    %slice3A_576 = vector.extract_strided_slice %add3A_571 {offsets = [0, 0], sizes = [512, 64], strides = [1, 1]} : vector<512x192xf32> to vector<512x64xf32>
    %slice3A_577 = vector.extract_strided_slice %add3A_575 {offsets = [0, 0], sizes = [512, 64], strides = [1, 1]} : vector<512x192xf32> to vector<512x64xf32>
    %add3A_578 = arith.addf %slice3A_576, %slice3A_577 : vector<512x64xf32>
    %logistic3A_579 = arith.negf %add3A_578 : vector<512x64xf32>
    %logistic3A_580 = math.exp %logistic3A_579 : vector<512x64xf32>
    %logistic3A_581 = arith.constant 1.000000e+00 : f32
    %logistic3A_582 = vector.broadcast %logistic3A_581 : f32 to vector<512x64xf32>
    %logistic3A_583 = arith.addf %logistic3A_582, %logistic3A_580 : vector<512x64xf32>
    %logistic3A_584 = arith.divf %logistic3A_582, %logistic3A_583 : vector<512x64xf32>
    %slice3A_585 = vector.extract_strided_slice %add3A_571 {offsets = [0, 64], sizes = [512, 64], strides = [1, 1]} : vector<512x192xf32> to vector<512x64xf32>
    %slice3A_586 = vector.extract_strided_slice %add3A_575 {offsets = [0, 64], sizes = [512, 64], strides = [1, 1]} : vector<512x192xf32> to vector<512x64xf32>
    %add3A_587 = arith.addf %slice3A_585, %slice3A_586 : vector<512x64xf32>
    %logistic3A_588 = arith.negf %add3A_587 : vector<512x64xf32>
    %logistic3A_589 = math.exp %logistic3A_588 : vector<512x64xf32>
    %logistic3A_590 = arith.constant 1.000000e+00 : f32
    %logistic3A_591 = vector.broadcast %logistic3A_590 : f32 to vector<512x64xf32>
    %logistic3A_592 = arith.addf %logistic3A_591, %logistic3A_589 : vector<512x64xf32>
    %logistic3A_593 = arith.divf %logistic3A_591, %logistic3A_592 : vector<512x64xf32>
    %slice3A_594 = vector.extract_strided_slice %add3A_571 {offsets = [0, 128], sizes = [512, 64], strides = [1, 1]} : vector<512x192xf32> to vector<512x64xf32>
    %slice3A_595 = vector.extract_strided_slice %add3A_575 {offsets = [0, 128], sizes = [512, 64], strides = [1, 1]} : vector<512x192xf32> to vector<512x64xf32>
    %mul3A_596 = arith.mulf %logistic3A_584, %slice3A_595 : vector<512x64xf32>
    %add3A_597 = arith.addf %slice3A_594, %mul3A_596 : vector<512x64xf32>
    %tanh3A_598 = math.tanh %add3A_597 : vector<512x64xf32>
    %sub3A_599 = arith.constant 1.000000e+00 : f32
    %sub3A_600 = vector.broadcast %sub3A_599 : f32 to vector<512x64xf32>
    %sub3A_601 = arith.subf %sub3A_600, %logistic3A_593 : vector<512x64xf32>
    %mul3A_602 = arith.mulf %sub3A_601, %tanh3A_598 : vector<512x64xf32>
    %mul3A_603 = arith.mulf %logistic3A_593, %add3A_564 : vector<512x64xf32>
    %add3A_604 = arith.addf %mul3A_602, %mul3A_603 : vector<512x64xf32>
    %get3A_605 = arith.constant 0 : index
    %get3A_606 = arith.constant 240 : index
    %get3A_607 = vector.load %arg1[%get3A_605, %get3A_606] : memref<512x384xf32, #tpu.memory_space<vmem>>, vector<512x16xf32>
    %dot_general3A_608 = arith.constant dense<0.000000e+00> : vector<512x192xf32>
    %dot_general3A_609 = tpu.matmul %get3A_607, %get3A_1, %dot_general3A_608 {dimension_numbers = #tpu.dot_dimension_numbers<[1], [0], [0], [1], [0, 0, 1, 1], [], []>, transpose_lhs_hint = false} : vector<512x16xf32>, vector<16x192xf32>, vector<512x192xf32> -> vector<512x192xf32>
    %add3A_610 = vector.broadcast %get3A_7 : vector<1x192xf32> to vector<512x192xf32>
    %add3A_611 = arith.addf %dot_general3A_609, %add3A_610 : vector<512x192xf32>
    %dot_general3A_612 = arith.constant dense<0.000000e+00> : vector<512x192xf32>
    %dot_general3A_613 = tpu.matmul %add3A_604, %get3A_4, %dot_general3A_612 {dimension_numbers = #tpu.dot_dimension_numbers<[1], [0], [0], [1], [0, 0, 1, 1], [], []>, transpose_lhs_hint = false} : vector<512x64xf32>, vector<64x192xf32>, vector<512x192xf32> -> vector<512x192xf32>
    %add3A_614 = vector.broadcast %get3A_10 : vector<1x192xf32> to vector<512x192xf32>
    %add3A_615 = arith.addf %dot_general3A_613, %add3A_614 : vector<512x192xf32>
    %slice3A_616 = vector.extract_strided_slice %add3A_611 {offsets = [0, 0], sizes = [512, 64], strides = [1, 1]} : vector<512x192xf32> to vector<512x64xf32>
    %slice3A_617 = vector.extract_strided_slice %add3A_615 {offsets = [0, 0], sizes = [512, 64], strides = [1, 1]} : vector<512x192xf32> to vector<512x64xf32>
    %add3A_618 = arith.addf %slice3A_616, %slice3A_617 : vector<512x64xf32>
    %logistic3A_619 = arith.negf %add3A_618 : vector<512x64xf32>
    %logistic3A_620 = math.exp %logistic3A_619 : vector<512x64xf32>
    %logistic3A_621 = arith.constant 1.000000e+00 : f32
    %logistic3A_622 = vector.broadcast %logistic3A_621 : f32 to vector<512x64xf32>
    %logistic3A_623 = arith.addf %logistic3A_622, %logistic3A_620 : vector<512x64xf32>
    %logistic3A_624 = arith.divf %logistic3A_622, %logistic3A_623 : vector<512x64xf32>
    %slice3A_625 = vector.extract_strided_slice %add3A_611 {offsets = [0, 64], sizes = [512, 64], strides = [1, 1]} : vector<512x192xf32> to vector<512x64xf32>
    %slice3A_626 = vector.extract_strided_slice %add3A_615 {offsets = [0, 64], sizes = [512, 64], strides = [1, 1]} : vector<512x192xf32> to vector<512x64xf32>
    %add3A_627 = arith.addf %slice3A_625, %slice3A_626 : vector<512x64xf32>
    %logistic3A_628 = arith.negf %add3A_627 : vector<512x64xf32>
    %logistic3A_629 = math.exp %logistic3A_628 : vector<512x64xf32>
    %logistic3A_630 = arith.constant 1.000000e+00 : f32
    %logistic3A_631 = vector.broadcast %logistic3A_630 : f32 to vector<512x64xf32>
    %logistic3A_632 = arith.addf %logistic3A_631, %logistic3A_629 : vector<512x64xf32>
    %logistic3A_633 = arith.divf %logistic3A_631, %logistic3A_632 : vector<512x64xf32>
    %slice3A_634 = vector.extract_strided_slice %add3A_611 {offsets = [0, 128], sizes = [512, 64], strides = [1, 1]} : vector<512x192xf32> to vector<512x64xf32>
    %slice3A_635 = vector.extract_strided_slice %add3A_615 {offsets = [0, 128], sizes = [512, 64], strides = [1, 1]} : vector<512x192xf32> to vector<512x64xf32>
    %mul3A_636 = arith.mulf %logistic3A_624, %slice3A_635 : vector<512x64xf32>
    %add3A_637 = arith.addf %slice3A_634, %mul3A_636 : vector<512x64xf32>
    %tanh3A_638 = math.tanh %add3A_637 : vector<512x64xf32>
    %sub3A_639 = arith.constant 1.000000e+00 : f32
    %sub3A_640 = vector.broadcast %sub3A_639 : f32 to vector<512x64xf32>
    %sub3A_641 = arith.subf %sub3A_640, %logistic3A_633 : vector<512x64xf32>
    %mul3A_642 = arith.mulf %sub3A_641, %tanh3A_638 : vector<512x64xf32>
    %mul3A_643 = arith.mulf %logistic3A_633, %add3A_604 : vector<512x64xf32>
    %add3A_644 = arith.addf %mul3A_642, %mul3A_643 : vector<512x64xf32>
    %get3A_645 = arith.constant 0 : index
    %get3A_646 = arith.constant 256 : index
    %get3A_647 = vector.load %arg1[%get3A_645, %get3A_646] : memref<512x384xf32, #tpu.memory_space<vmem>>, vector<512x16xf32>
    %dot_general3A_648 = arith.constant dense<0.000000e+00> : vector<512x192xf32>
    %dot_general3A_649 = tpu.matmul %get3A_647, %get3A_1, %dot_general3A_648 {dimension_numbers = #tpu.dot_dimension_numbers<[1], [0], [0], [1], [0, 0, 1, 1], [], []>, transpose_lhs_hint = false} : vector<512x16xf32>, vector<16x192xf32>, vector<512x192xf32> -> vector<512x192xf32>
    %add3A_650 = vector.broadcast %get3A_7 : vector<1x192xf32> to vector<512x192xf32>
    %add3A_651 = arith.addf %dot_general3A_649, %add3A_650 : vector<512x192xf32>
    %dot_general3A_652 = arith.constant dense<0.000000e+00> : vector<512x192xf32>
    %dot_general3A_653 = tpu.matmul %add3A_644, %get3A_4, %dot_general3A_652 {dimension_numbers = #tpu.dot_dimension_numbers<[1], [0], [0], [1], [0, 0, 1, 1], [], []>, transpose_lhs_hint = false} : vector<512x64xf32>, vector<64x192xf32>, vector<512x192xf32> -> vector<512x192xf32>
    %add3A_654 = vector.broadcast %get3A_10 : vector<1x192xf32> to vector<512x192xf32>
    %add3A_655 = arith.addf %dot_general3A_653, %add3A_654 : vector<512x192xf32>
    %slice3A_656 = vector.extract_strided_slice %add3A_651 {offsets = [0, 0], sizes = [512, 64], strides = [1, 1]} : vector<512x192xf32> to vector<512x64xf32>
    %slice3A_657 = vector.extract_strided_slice %add3A_655 {offsets = [0, 0], sizes = [512, 64], strides = [1, 1]} : vector<512x192xf32> to vector<512x64xf32>
    %add3A_658 = arith.addf %slice3A_656, %slice3A_657 : vector<512x64xf32>
    %logistic3A_659 = arith.negf %add3A_658 : vector<512x64xf32>
    %logistic3A_660 = math.exp %logistic3A_659 : vector<512x64xf32>
    %logistic3A_661 = arith.constant 1.000000e+00 : f32
    %logistic3A_662 = vector.broadcast %logistic3A_661 : f32 to vector<512x64xf32>
    %logistic3A_663 = arith.addf %logistic3A_662, %logistic3A_660 : vector<512x64xf32>
    %logistic3A_664 = arith.divf %logistic3A_662, %logistic3A_663 : vector<512x64xf32>
    %slice3A_665 = vector.extract_strided_slice %add3A_651 {offsets = [0, 64], sizes = [512, 64], strides = [1, 1]} : vector<512x192xf32> to vector<512x64xf32>
    %slice3A_666 = vector.extract_strided_slice %add3A_655 {offsets = [0, 64], sizes = [512, 64], strides = [1, 1]} : vector<512x192xf32> to vector<512x64xf32>
    %add3A_667 = arith.addf %slice3A_665, %slice3A_666 : vector<512x64xf32>
    %logistic3A_668 = arith.negf %add3A_667 : vector<512x64xf32>
    %logistic3A_669 = math.exp %logistic3A_668 : vector<512x64xf32>
    %logistic3A_670 = arith.constant 1.000000e+00 : f32
    %logistic3A_671 = vector.broadcast %logistic3A_670 : f32 to vector<512x64xf32>
    %logistic3A_672 = arith.addf %logistic3A_671, %logistic3A_669 : vector<512x64xf32>
    %logistic3A_673 = arith.divf %logistic3A_671, %logistic3A_672 : vector<512x64xf32>
    %slice3A_674 = vector.extract_strided_slice %add3A_651 {offsets = [0, 128], sizes = [512, 64], strides = [1, 1]} : vector<512x192xf32> to vector<512x64xf32>
    %slice3A_675 = vector.extract_strided_slice %add3A_655 {offsets = [0, 128], sizes = [512, 64], strides = [1, 1]} : vector<512x192xf32> to vector<512x64xf32>
    %mul3A_676 = arith.mulf %logistic3A_664, %slice3A_675 : vector<512x64xf32>
    %add3A_677 = arith.addf %slice3A_674, %mul3A_676 : vector<512x64xf32>
    %tanh3A_678 = math.tanh %add3A_677 : vector<512x64xf32>
    %sub3A_679 = arith.constant 1.000000e+00 : f32
    %sub3A_680 = vector.broadcast %sub3A_679 : f32 to vector<512x64xf32>
    %sub3A_681 = arith.subf %sub3A_680, %logistic3A_673 : vector<512x64xf32>
    %mul3A_682 = arith.mulf %sub3A_681, %tanh3A_678 : vector<512x64xf32>
    %mul3A_683 = arith.mulf %logistic3A_673, %add3A_644 : vector<512x64xf32>
    %add3A_684 = arith.addf %mul3A_682, %mul3A_683 : vector<512x64xf32>
    %get3A_685 = arith.constant 0 : index
    %get3A_686 = arith.constant 272 : index
    %get3A_687 = vector.load %arg1[%get3A_685, %get3A_686] : memref<512x384xf32, #tpu.memory_space<vmem>>, vector<512x16xf32>
    %dot_general3A_688 = arith.constant dense<0.000000e+00> : vector<512x192xf32>
    %dot_general3A_689 = tpu.matmul %get3A_687, %get3A_1, %dot_general3A_688 {dimension_numbers = #tpu.dot_dimension_numbers<[1], [0], [0], [1], [0, 0, 1, 1], [], []>, transpose_lhs_hint = false} : vector<512x16xf32>, vector<16x192xf32>, vector<512x192xf32> -> vector<512x192xf32>
    %add3A_690 = vector.broadcast %get3A_7 : vector<1x192xf32> to vector<512x192xf32>
    %add3A_691 = arith.addf %dot_general3A_689, %add3A_690 : vector<512x192xf32>
    %dot_general3A_692 = arith.constant dense<0.000000e+00> : vector<512x192xf32>
    %dot_general3A_693 = tpu.matmul %add3A_684, %get3A_4, %dot_general3A_692 {dimension_numbers = #tpu.dot_dimension_numbers<[1], [0], [0], [1], [0, 0, 1, 1], [], []>, transpose_lhs_hint = false} : vector<512x64xf32>, vector<64x192xf32>, vector<512x192xf32> -> vector<512x192xf32>
    %add3A_694 = vector.broadcast %get3A_10 : vector<1x192xf32> to vector<512x192xf32>
    %add3A_695 = arith.addf %dot_general3A_693, %add3A_694 : vector<512x192xf32>
    %slice3A_696 = vector.extract_strided_slice %add3A_691 {offsets = [0, 0], sizes = [512, 64], strides = [1, 1]} : vector<512x192xf32> to vector<512x64xf32>
    %slice3A_697 = vector.extract_strided_slice %add3A_695 {offsets = [0, 0], sizes = [512, 64], strides = [1, 1]} : vector<512x192xf32> to vector<512x64xf32>
    %add3A_698 = arith.addf %slice3A_696, %slice3A_697 : vector<512x64xf32>
    %logistic3A_699 = arith.negf %add3A_698 : vector<512x64xf32>
    %logistic3A_700 = math.exp %logistic3A_699 : vector<512x64xf32>
    %logistic3A_701 = arith.constant 1.000000e+00 : f32
    %logistic3A_702 = vector.broadcast %logistic3A_701 : f32 to vector<512x64xf32>
    %logistic3A_703 = arith.addf %logistic3A_702, %logistic3A_700 : vector<512x64xf32>
    %logistic3A_704 = arith.divf %logistic3A_702, %logistic3A_703 : vector<512x64xf32>
    %slice3A_705 = vector.extract_strided_slice %add3A_691 {offsets = [0, 64], sizes = [512, 64], strides = [1, 1]} : vector<512x192xf32> to vector<512x64xf32>
    %slice3A_706 = vector.extract_strided_slice %add3A_695 {offsets = [0, 64], sizes = [512, 64], strides = [1, 1]} : vector<512x192xf32> to vector<512x64xf32>
    %add3A_707 = arith.addf %slice3A_705, %slice3A_706 : vector<512x64xf32>
    %logistic3A_708 = arith.negf %add3A_707 : vector<512x64xf32>
    %logistic3A_709 = math.exp %logistic3A_708 : vector<512x64xf32>
    %logistic3A_710 = arith.constant 1.000000e+00 : f32
    %logistic3A_711 = vector.broadcast %logistic3A_710 : f32 to vector<512x64xf32>
    %logistic3A_712 = arith.addf %logistic3A_711, %logistic3A_709 : vector<512x64xf32>
    %logistic3A_713 = arith.divf %logistic3A_711, %logistic3A_712 : vector<512x64xf32>
    %slice3A_714 = vector.extract_strided_slice %add3A_691 {offsets = [0, 128], sizes = [512, 64], strides = [1, 1]} : vector<512x192xf32> to vector<512x64xf32>
    %slice3A_715 = vector.extract_strided_slice %add3A_695 {offsets = [0, 128], sizes = [512, 64], strides = [1, 1]} : vector<512x192xf32> to vector<512x64xf32>
    %mul3A_716 = arith.mulf %logistic3A_704, %slice3A_715 : vector<512x64xf32>
    %add3A_717 = arith.addf %slice3A_714, %mul3A_716 : vector<512x64xf32>
    %tanh3A_718 = math.tanh %add3A_717 : vector<512x64xf32>
    %sub3A_719 = arith.constant 1.000000e+00 : f32
    %sub3A_720 = vector.broadcast %sub3A_719 : f32 to vector<512x64xf32>
    %sub3A_721 = arith.subf %sub3A_720, %logistic3A_713 : vector<512x64xf32>
    %mul3A_722 = arith.mulf %sub3A_721, %tanh3A_718 : vector<512x64xf32>
    %mul3A_723 = arith.mulf %logistic3A_713, %add3A_684 : vector<512x64xf32>
    %add3A_724 = arith.addf %mul3A_722, %mul3A_723 : vector<512x64xf32>
    %get3A_725 = arith.constant 0 : index
    %get3A_726 = arith.constant 288 : index
    %get3A_727 = vector.load %arg1[%get3A_725, %get3A_726] : memref<512x384xf32, #tpu.memory_space<vmem>>, vector<512x16xf32>
    %dot_general3A_728 = arith.constant dense<0.000000e+00> : vector<512x192xf32>
    %dot_general3A_729 = tpu.matmul %get3A_727, %get3A_1, %dot_general3A_728 {dimension_numbers = #tpu.dot_dimension_numbers<[1], [0], [0], [1], [0, 0, 1, 1], [], []>, transpose_lhs_hint = false} : vector<512x16xf32>, vector<16x192xf32>, vector<512x192xf32> -> vector<512x192xf32>
    %add3A_730 = vector.broadcast %get3A_7 : vector<1x192xf32> to vector<512x192xf32>
    %add3A_731 = arith.addf %dot_general3A_729, %add3A_730 : vector<512x192xf32>
    %dot_general3A_732 = arith.constant dense<0.000000e+00> : vector<512x192xf32>
    %dot_general3A_733 = tpu.matmul %add3A_724, %get3A_4, %dot_general3A_732 {dimension_numbers = #tpu.dot_dimension_numbers<[1], [0], [0], [1], [0, 0, 1, 1], [], []>, transpose_lhs_hint = false} : vector<512x64xf32>, vector<64x192xf32>, vector<512x192xf32> -> vector<512x192xf32>
    %add3A_734 = vector.broadcast %get3A_10 : vector<1x192xf32> to vector<512x192xf32>
    %add3A_735 = arith.addf %dot_general3A_733, %add3A_734 : vector<512x192xf32>
    %slice3A_736 = vector.extract_strided_slice %add3A_731 {offsets = [0, 0], sizes = [512, 64], strides = [1, 1]} : vector<512x192xf32> to vector<512x64xf32>
    %slice3A_737 = vector.extract_strided_slice %add3A_735 {offsets = [0, 0], sizes = [512, 64], strides = [1, 1]} : vector<512x192xf32> to vector<512x64xf32>
    %add3A_738 = arith.addf %slice3A_736, %slice3A_737 : vector<512x64xf32>
    %logistic3A_739 = arith.negf %add3A_738 : vector<512x64xf32>
    %logistic3A_740 = math.exp %logistic3A_739 : vector<512x64xf32>
    %logistic3A_741 = arith.constant 1.000000e+00 : f32
    %logistic3A_742 = vector.broadcast %logistic3A_741 : f32 to vector<512x64xf32>
    %logistic3A_743 = arith.addf %logistic3A_742, %logistic3A_740 : vector<512x64xf32>
    %logistic3A_744 = arith.divf %logistic3A_742, %logistic3A_743 : vector<512x64xf32>
    %slice3A_745 = vector.extract_strided_slice %add3A_731 {offsets = [0, 64], sizes = [512, 64], strides = [1, 1]} : vector<512x192xf32> to vector<512x64xf32>
    %slice3A_746 = vector.extract_strided_slice %add3A_735 {offsets = [0, 64], sizes = [512, 64], strides = [1, 1]} : vector<512x192xf32> to vector<512x64xf32>
    %add3A_747 = arith.addf %slice3A_745, %slice3A_746 : vector<512x64xf32>
    %logistic3A_748 = arith.negf %add3A_747 : vector<512x64xf32>
    %logistic3A_749 = math.exp %logistic3A_748 : vector<512x64xf32>
    %logistic3A_750 = arith.constant 1.000000e+00 : f32
    %logistic3A_751 = vector.broadcast %logistic3A_750 : f32 to vector<512x64xf32>
    %logistic3A_752 = arith.addf %logistic3A_751, %logistic3A_749 : vector<512x64xf32>
    %logistic3A_753 = arith.divf %logistic3A_751, %logistic3A_752 : vector<512x64xf32>
    %slice3A_754 = vector.extract_strided_slice %add3A_731 {offsets = [0, 128], sizes = [512, 64], strides = [1, 1]} : vector<512x192xf32> to vector<512x64xf32>
    %slice3A_755 = vector.extract_strided_slice %add3A_735 {offsets = [0, 128], sizes = [512, 64], strides = [1, 1]} : vector<512x192xf32> to vector<512x64xf32>
    %mul3A_756 = arith.mulf %logistic3A_744, %slice3A_755 : vector<512x64xf32>
    %add3A_757 = arith.addf %slice3A_754, %mul3A_756 : vector<512x64xf32>
    %tanh3A_758 = math.tanh %add3A_757 : vector<512x64xf32>
    %sub3A_759 = arith.constant 1.000000e+00 : f32
    %sub3A_760 = vector.broadcast %sub3A_759 : f32 to vector<512x64xf32>
    %sub3A_761 = arith.subf %sub3A_760, %logistic3A_753 : vector<512x64xf32>
    %mul3A_762 = arith.mulf %sub3A_761, %tanh3A_758 : vector<512x64xf32>
    %mul3A_763 = arith.mulf %logistic3A_753, %add3A_724 : vector<512x64xf32>
    %add3A_764 = arith.addf %mul3A_762, %mul3A_763 : vector<512x64xf32>
    %get3A_765 = arith.constant 0 : index
    %get3A_766 = arith.constant 304 : index
    %get3A_767 = vector.load %arg1[%get3A_765, %get3A_766] : memref<512x384xf32, #tpu.memory_space<vmem>>, vector<512x16xf32>
    %dot_general3A_768 = arith.constant dense<0.000000e+00> : vector<512x192xf32>
    %dot_general3A_769 = tpu.matmul %get3A_767, %get3A_1, %dot_general3A_768 {dimension_numbers = #tpu.dot_dimension_numbers<[1], [0], [0], [1], [0, 0, 1, 1], [], []>, transpose_lhs_hint = false} : vector<512x16xf32>, vector<16x192xf32>, vector<512x192xf32> -> vector<512x192xf32>
    %add3A_770 = vector.broadcast %get3A_7 : vector<1x192xf32> to vector<512x192xf32>
    %add3A_771 = arith.addf %dot_general3A_769, %add3A_770 : vector<512x192xf32>
    %dot_general3A_772 = arith.constant dense<0.000000e+00> : vector<512x192xf32>
    %dot_general3A_773 = tpu.matmul %add3A_764, %get3A_4, %dot_general3A_772 {dimension_numbers = #tpu.dot_dimension_numbers<[1], [0], [0], [1], [0, 0, 1, 1], [], []>, transpose_lhs_hint = false} : vector<512x64xf32>, vector<64x192xf32>, vector<512x192xf32> -> vector<512x192xf32>
    %add3A_774 = vector.broadcast %get3A_10 : vector<1x192xf32> to vector<512x192xf32>
    %add3A_775 = arith.addf %dot_general3A_773, %add3A_774 : vector<512x192xf32>
    %slice3A_776 = vector.extract_strided_slice %add3A_771 {offsets = [0, 0], sizes = [512, 64], strides = [1, 1]} : vector<512x192xf32> to vector<512x64xf32>
    %slice3A_777 = vector.extract_strided_slice %add3A_775 {offsets = [0, 0], sizes = [512, 64], strides = [1, 1]} : vector<512x192xf32> to vector<512x64xf32>
    %add3A_778 = arith.addf %slice3A_776, %slice3A_777 : vector<512x64xf32>
    %logistic3A_779 = arith.negf %add3A_778 : vector<512x64xf32>
    %logistic3A_780 = math.exp %logistic3A_779 : vector<512x64xf32>
    %logistic3A_781 = arith.constant 1.000000e+00 : f32
    %logistic3A_782 = vector.broadcast %logistic3A_781 : f32 to vector<512x64xf32>
    %logistic3A_783 = arith.addf %logistic3A_782, %logistic3A_780 : vector<512x64xf32>
    %logistic3A_784 = arith.divf %logistic3A_782, %logistic3A_783 : vector<512x64xf32>
    %slice3A_785 = vector.extract_strided_slice %add3A_771 {offsets = [0, 64], sizes = [512, 64], strides = [1, 1]} : vector<512x192xf32> to vector<512x64xf32>
    %slice3A_786 = vector.extract_strided_slice %add3A_775 {offsets = [0, 64], sizes = [512, 64], strides = [1, 1]} : vector<512x192xf32> to vector<512x64xf32>
    %add3A_787 = arith.addf %slice3A_785, %slice3A_786 : vector<512x64xf32>
    %logistic3A_788 = arith.negf %add3A_787 : vector<512x64xf32>
    %logistic3A_789 = math.exp %logistic3A_788 : vector<512x64xf32>
    %logistic3A_790 = arith.constant 1.000000e+00 : f32
    %logistic3A_791 = vector.broadcast %logistic3A_790 : f32 to vector<512x64xf32>
    %logistic3A_792 = arith.addf %logistic3A_791, %logistic3A_789 : vector<512x64xf32>
    %logistic3A_793 = arith.divf %logistic3A_791, %logistic3A_792 : vector<512x64xf32>
    %slice3A_794 = vector.extract_strided_slice %add3A_771 {offsets = [0, 128], sizes = [512, 64], strides = [1, 1]} : vector<512x192xf32> to vector<512x64xf32>
    %slice3A_795 = vector.extract_strided_slice %add3A_775 {offsets = [0, 128], sizes = [512, 64], strides = [1, 1]} : vector<512x192xf32> to vector<512x64xf32>
    %mul3A_796 = arith.mulf %logistic3A_784, %slice3A_795 : vector<512x64xf32>
    %add3A_797 = arith.addf %slice3A_794, %mul3A_796 : vector<512x64xf32>
    %tanh3A_798 = math.tanh %add3A_797 : vector<512x64xf32>
    %sub3A_799 = arith.constant 1.000000e+00 : f32
    %sub3A_800 = vector.broadcast %sub3A_799 : f32 to vector<512x64xf32>
    %sub3A_801 = arith.subf %sub3A_800, %logistic3A_793 : vector<512x64xf32>
    %mul3A_802 = arith.mulf %sub3A_801, %tanh3A_798 : vector<512x64xf32>
    %mul3A_803 = arith.mulf %logistic3A_793, %add3A_764 : vector<512x64xf32>
    %add3A_804 = arith.addf %mul3A_802, %mul3A_803 : vector<512x64xf32>
    %get3A_805 = arith.constant 0 : index
    %get3A_806 = arith.constant 320 : index
    %get3A_807 = vector.load %arg1[%get3A_805, %get3A_806] : memref<512x384xf32, #tpu.memory_space<vmem>>, vector<512x16xf32>
    %dot_general3A_808 = arith.constant dense<0.000000e+00> : vector<512x192xf32>
    %dot_general3A_809 = tpu.matmul %get3A_807, %get3A_1, %dot_general3A_808 {dimension_numbers = #tpu.dot_dimension_numbers<[1], [0], [0], [1], [0, 0, 1, 1], [], []>, transpose_lhs_hint = false} : vector<512x16xf32>, vector<16x192xf32>, vector<512x192xf32> -> vector<512x192xf32>
    %add3A_810 = vector.broadcast %get3A_7 : vector<1x192xf32> to vector<512x192xf32>
    %add3A_811 = arith.addf %dot_general3A_809, %add3A_810 : vector<512x192xf32>
    %dot_general3A_812 = arith.constant dense<0.000000e+00> : vector<512x192xf32>
    %dot_general3A_813 = tpu.matmul %add3A_804, %get3A_4, %dot_general3A_812 {dimension_numbers = #tpu.dot_dimension_numbers<[1], [0], [0], [1], [0, 0, 1, 1], [], []>, transpose_lhs_hint = false} : vector<512x64xf32>, vector<64x192xf32>, vector<512x192xf32> -> vector<512x192xf32>
    %add3A_814 = vector.broadcast %get3A_10 : vector<1x192xf32> to vector<512x192xf32>
    %add3A_815 = arith.addf %dot_general3A_813, %add3A_814 : vector<512x192xf32>
    %slice3A_816 = vector.extract_strided_slice %add3A_811 {offsets = [0, 0], sizes = [512, 64], strides = [1, 1]} : vector<512x192xf32> to vector<512x64xf32>
    %slice3A_817 = vector.extract_strided_slice %add3A_815 {offsets = [0, 0], sizes = [512, 64], strides = [1, 1]} : vector<512x192xf32> to vector<512x64xf32>
    %add3A_818 = arith.addf %slice3A_816, %slice3A_817 : vector<512x64xf32>
    %logistic3A_819 = arith.negf %add3A_818 : vector<512x64xf32>
    %logistic3A_820 = math.exp %logistic3A_819 : vector<512x64xf32>
    %logistic3A_821 = arith.constant 1.000000e+00 : f32
    %logistic3A_822 = vector.broadcast %logistic3A_821 : f32 to vector<512x64xf32>
    %logistic3A_823 = arith.addf %logistic3A_822, %logistic3A_820 : vector<512x64xf32>
    %logistic3A_824 = arith.divf %logistic3A_822, %logistic3A_823 : vector<512x64xf32>
    %slice3A_825 = vector.extract_strided_slice %add3A_811 {offsets = [0, 64], sizes = [512, 64], strides = [1, 1]} : vector<512x192xf32> to vector<512x64xf32>
    %slice3A_826 = vector.extract_strided_slice %add3A_815 {offsets = [0, 64], sizes = [512, 64], strides = [1, 1]} : vector<512x192xf32> to vector<512x64xf32>
    %add3A_827 = arith.addf %slice3A_825, %slice3A_826 : vector<512x64xf32>
    %logistic3A_828 = arith.negf %add3A_827 : vector<512x64xf32>
    %logistic3A_829 = math.exp %logistic3A_828 : vector<512x64xf32>
    %logistic3A_830 = arith.constant 1.000000e+00 : f32
    %logistic3A_831 = vector.broadcast %logistic3A_830 : f32 to vector<512x64xf32>
    %logistic3A_832 = arith.addf %logistic3A_831, %logistic3A_829 : vector<512x64xf32>
    %logistic3A_833 = arith.divf %logistic3A_831, %logistic3A_832 : vector<512x64xf32>
    %slice3A_834 = vector.extract_strided_slice %add3A_811 {offsets = [0, 128], sizes = [512, 64], strides = [1, 1]} : vector<512x192xf32> to vector<512x64xf32>
    %slice3A_835 = vector.extract_strided_slice %add3A_815 {offsets = [0, 128], sizes = [512, 64], strides = [1, 1]} : vector<512x192xf32> to vector<512x64xf32>
    %mul3A_836 = arith.mulf %logistic3A_824, %slice3A_835 : vector<512x64xf32>
    %add3A_837 = arith.addf %slice3A_834, %mul3A_836 : vector<512x64xf32>
    %tanh3A_838 = math.tanh %add3A_837 : vector<512x64xf32>
    %sub3A_839 = arith.constant 1.000000e+00 : f32
    %sub3A_840 = vector.broadcast %sub3A_839 : f32 to vector<512x64xf32>
    %sub3A_841 = arith.subf %sub3A_840, %logistic3A_833 : vector<512x64xf32>
    %mul3A_842 = arith.mulf %sub3A_841, %tanh3A_838 : vector<512x64xf32>
    %mul3A_843 = arith.mulf %logistic3A_833, %add3A_804 : vector<512x64xf32>
    %add3A_844 = arith.addf %mul3A_842, %mul3A_843 : vector<512x64xf32>
    %get3A_845 = arith.constant 0 : index
    %get3A_846 = arith.constant 336 : index
    %get3A_847 = vector.load %arg1[%get3A_845, %get3A_846] : memref<512x384xf32, #tpu.memory_space<vmem>>, vector<512x16xf32>
    %dot_general3A_848 = arith.constant dense<0.000000e+00> : vector<512x192xf32>
    %dot_general3A_849 = tpu.matmul %get3A_847, %get3A_1, %dot_general3A_848 {dimension_numbers = #tpu.dot_dimension_numbers<[1], [0], [0], [1], [0, 0, 1, 1], [], []>, transpose_lhs_hint = false} : vector<512x16xf32>, vector<16x192xf32>, vector<512x192xf32> -> vector<512x192xf32>
    %add3A_850 = vector.broadcast %get3A_7 : vector<1x192xf32> to vector<512x192xf32>
    %add3A_851 = arith.addf %dot_general3A_849, %add3A_850 : vector<512x192xf32>
    %dot_general3A_852 = arith.constant dense<0.000000e+00> : vector<512x192xf32>
    %dot_general3A_853 = tpu.matmul %add3A_844, %get3A_4, %dot_general3A_852 {dimension_numbers = #tpu.dot_dimension_numbers<[1], [0], [0], [1], [0, 0, 1, 1], [], []>, transpose_lhs_hint = false} : vector<512x64xf32>, vector<64x192xf32>, vector<512x192xf32> -> vector<512x192xf32>
    %add3A_854 = vector.broadcast %get3A_10 : vector<1x192xf32> to vector<512x192xf32>
    %add3A_855 = arith.addf %dot_general3A_853, %add3A_854 : vector<512x192xf32>
    %slice3A_856 = vector.extract_strided_slice %add3A_851 {offsets = [0, 0], sizes = [512, 64], strides = [1, 1]} : vector<512x192xf32> to vector<512x64xf32>
    %slice3A_857 = vector.extract_strided_slice %add3A_855 {offsets = [0, 0], sizes = [512, 64], strides = [1, 1]} : vector<512x192xf32> to vector<512x64xf32>
    %add3A_858 = arith.addf %slice3A_856, %slice3A_857 : vector<512x64xf32>
    %logistic3A_859 = arith.negf %add3A_858 : vector<512x64xf32>
    %logistic3A_860 = math.exp %logistic3A_859 : vector<512x64xf32>
    %logistic3A_861 = arith.constant 1.000000e+00 : f32
    %logistic3A_862 = vector.broadcast %logistic3A_861 : f32 to vector<512x64xf32>
    %logistic3A_863 = arith.addf %logistic3A_862, %logistic3A_860 : vector<512x64xf32>
    %logistic3A_864 = arith.divf %logistic3A_862, %logistic3A_863 : vector<512x64xf32>
    %slice3A_865 = vector.extract_strided_slice %add3A_851 {offsets = [0, 64], sizes = [512, 64], strides = [1, 1]} : vector<512x192xf32> to vector<512x64xf32>
    %slice3A_866 = vector.extract_strided_slice %add3A_855 {offsets = [0, 64], sizes = [512, 64], strides = [1, 1]} : vector<512x192xf32> to vector<512x64xf32>
    %add3A_867 = arith.addf %slice3A_865, %slice3A_866 : vector<512x64xf32>
    %logistic3A_868 = arith.negf %add3A_867 : vector<512x64xf32>
    %logistic3A_869 = math.exp %logistic3A_868 : vector<512x64xf32>
    %logistic3A_870 = arith.constant 1.000000e+00 : f32
    %logistic3A_871 = vector.broadcast %logistic3A_870 : f32 to vector<512x64xf32>
    %logistic3A_872 = arith.addf %logistic3A_871, %logistic3A_869 : vector<512x64xf32>
    %logistic3A_873 = arith.divf %logistic3A_871, %logistic3A_872 : vector<512x64xf32>
    %slice3A_874 = vector.extract_strided_slice %add3A_851 {offsets = [0, 128], sizes = [512, 64], strides = [1, 1]} : vector<512x192xf32> to vector<512x64xf32>
    %slice3A_875 = vector.extract_strided_slice %add3A_855 {offsets = [0, 128], sizes = [512, 64], strides = [1, 1]} : vector<512x192xf32> to vector<512x64xf32>
    %mul3A_876 = arith.mulf %logistic3A_864, %slice3A_875 : vector<512x64xf32>
    %add3A_877 = arith.addf %slice3A_874, %mul3A_876 : vector<512x64xf32>
    %tanh3A_878 = math.tanh %add3A_877 : vector<512x64xf32>
    %sub3A_879 = arith.constant 1.000000e+00 : f32
    %sub3A_880 = vector.broadcast %sub3A_879 : f32 to vector<512x64xf32>
    %sub3A_881 = arith.subf %sub3A_880, %logistic3A_873 : vector<512x64xf32>
    %mul3A_882 = arith.mulf %sub3A_881, %tanh3A_878 : vector<512x64xf32>
    %mul3A_883 = arith.mulf %logistic3A_873, %add3A_844 : vector<512x64xf32>
    %add3A_884 = arith.addf %mul3A_882, %mul3A_883 : vector<512x64xf32>
    %get3A_885 = arith.constant 0 : index
    %get3A_886 = arith.constant 352 : index
    %get3A_887 = vector.load %arg1[%get3A_885, %get3A_886] : memref<512x384xf32, #tpu.memory_space<vmem>>, vector<512x16xf32>
    %dot_general3A_888 = arith.constant dense<0.000000e+00> : vector<512x192xf32>
    %dot_general3A_889 = tpu.matmul %get3A_887, %get3A_1, %dot_general3A_888 {dimension_numbers = #tpu.dot_dimension_numbers<[1], [0], [0], [1], [0, 0, 1, 1], [], []>, transpose_lhs_hint = false} : vector<512x16xf32>, vector<16x192xf32>, vector<512x192xf32> -> vector<512x192xf32>
    %add3A_890 = vector.broadcast %get3A_7 : vector<1x192xf32> to vector<512x192xf32>
    %add3A_891 = arith.addf %dot_general3A_889, %add3A_890 : vector<512x192xf32>
    %dot_general3A_892 = arith.constant dense<0.000000e+00> : vector<512x192xf32>
    %dot_general3A_893 = tpu.matmul %add3A_884, %get3A_4, %dot_general3A_892 {dimension_numbers = #tpu.dot_dimension_numbers<[1], [0], [0], [1], [0, 0, 1, 1], [], []>, transpose_lhs_hint = false} : vector<512x64xf32>, vector<64x192xf32>, vector<512x192xf32> -> vector<512x192xf32>
    %add3A_894 = vector.broadcast %get3A_10 : vector<1x192xf32> to vector<512x192xf32>
    %add3A_895 = arith.addf %dot_general3A_893, %add3A_894 : vector<512x192xf32>
    %slice3A_896 = vector.extract_strided_slice %add3A_891 {offsets = [0, 0], sizes = [512, 64], strides = [1, 1]} : vector<512x192xf32> to vector<512x64xf32>
    %slice3A_897 = vector.extract_strided_slice %add3A_895 {offsets = [0, 0], sizes = [512, 64], strides = [1, 1]} : vector<512x192xf32> to vector<512x64xf32>
    %add3A_898 = arith.addf %slice3A_896, %slice3A_897 : vector<512x64xf32>
    %logistic3A_899 = arith.negf %add3A_898 : vector<512x64xf32>
    %logistic3A_900 = math.exp %logistic3A_899 : vector<512x64xf32>
    %logistic3A_901 = arith.constant 1.000000e+00 : f32
    %logistic3A_902 = vector.broadcast %logistic3A_901 : f32 to vector<512x64xf32>
    %logistic3A_903 = arith.addf %logistic3A_902, %logistic3A_900 : vector<512x64xf32>
    %logistic3A_904 = arith.divf %logistic3A_902, %logistic3A_903 : vector<512x64xf32>
    %slice3A_905 = vector.extract_strided_slice %add3A_891 {offsets = [0, 64], sizes = [512, 64], strides = [1, 1]} : vector<512x192xf32> to vector<512x64xf32>
    %slice3A_906 = vector.extract_strided_slice %add3A_895 {offsets = [0, 64], sizes = [512, 64], strides = [1, 1]} : vector<512x192xf32> to vector<512x64xf32>
    %add3A_907 = arith.addf %slice3A_905, %slice3A_906 : vector<512x64xf32>
    %logistic3A_908 = arith.negf %add3A_907 : vector<512x64xf32>
    %logistic3A_909 = math.exp %logistic3A_908 : vector<512x64xf32>
    %logistic3A_910 = arith.constant 1.000000e+00 : f32
    %logistic3A_911 = vector.broadcast %logistic3A_910 : f32 to vector<512x64xf32>
    %logistic3A_912 = arith.addf %logistic3A_911, %logistic3A_909 : vector<512x64xf32>
    %logistic3A_913 = arith.divf %logistic3A_911, %logistic3A_912 : vector<512x64xf32>
    %slice3A_914 = vector.extract_strided_slice %add3A_891 {offsets = [0, 128], sizes = [512, 64], strides = [1, 1]} : vector<512x192xf32> to vector<512x64xf32>
    %slice3A_915 = vector.extract_strided_slice %add3A_895 {offsets = [0, 128], sizes = [512, 64], strides = [1, 1]} : vector<512x192xf32> to vector<512x64xf32>
    %mul3A_916 = arith.mulf %logistic3A_904, %slice3A_915 : vector<512x64xf32>
    %add3A_917 = arith.addf %slice3A_914, %mul3A_916 : vector<512x64xf32>
    %tanh3A_918 = math.tanh %add3A_917 : vector<512x64xf32>
    %sub3A_919 = arith.constant 1.000000e+00 : f32
    %sub3A_920 = vector.broadcast %sub3A_919 : f32 to vector<512x64xf32>
    %sub3A_921 = arith.subf %sub3A_920, %logistic3A_913 : vector<512x64xf32>
    %mul3A_922 = arith.mulf %sub3A_921, %tanh3A_918 : vector<512x64xf32>
    %mul3A_923 = arith.mulf %logistic3A_913, %add3A_884 : vector<512x64xf32>
    %add3A_924 = arith.addf %mul3A_922, %mul3A_923 : vector<512x64xf32>
    %get3A_925 = arith.constant 0 : index
    %get3A_926 = arith.constant 368 : index
    %get3A_927 = vector.load %arg1[%get3A_925, %get3A_926] : memref<512x384xf32, #tpu.memory_space<vmem>>, vector<512x16xf32>
    %dot_general3A_928 = arith.constant dense<0.000000e+00> : vector<512x192xf32>
    %dot_general3A_929 = tpu.matmul %get3A_927, %get3A_1, %dot_general3A_928 {dimension_numbers = #tpu.dot_dimension_numbers<[1], [0], [0], [1], [0, 0, 1, 1], [], []>, transpose_lhs_hint = false} : vector<512x16xf32>, vector<16x192xf32>, vector<512x192xf32> -> vector<512x192xf32>
    %add3A_930 = vector.broadcast %get3A_7 : vector<1x192xf32> to vector<512x192xf32>
    %add3A_931 = arith.addf %dot_general3A_929, %add3A_930 : vector<512x192xf32>
    %dot_general3A_932 = arith.constant dense<0.000000e+00> : vector<512x192xf32>
    %dot_general3A_933 = tpu.matmul %add3A_924, %get3A_4, %dot_general3A_932 {dimension_numbers = #tpu.dot_dimension_numbers<[1], [0], [0], [1], [0, 0, 1, 1], [], []>, transpose_lhs_hint = false} : vector<512x64xf32>, vector<64x192xf32>, vector<512x192xf32> -> vector<512x192xf32>
    %add3A_934 = vector.broadcast %get3A_10 : vector<1x192xf32> to vector<512x192xf32>
    %add3A_935 = arith.addf %dot_general3A_933, %add3A_934 : vector<512x192xf32>
    %slice3A_936 = vector.extract_strided_slice %add3A_931 {offsets = [0, 0], sizes = [512, 64], strides = [1, 1]} : vector<512x192xf32> to vector<512x64xf32>
    %slice3A_937 = vector.extract_strided_slice %add3A_935 {offsets = [0, 0], sizes = [512, 64], strides = [1, 1]} : vector<512x192xf32> to vector<512x64xf32>
    %add3A_938 = arith.addf %slice3A_936, %slice3A_937 : vector<512x64xf32>
    %logistic3A_939 = arith.negf %add3A_938 : vector<512x64xf32>
    %logistic3A_940 = math.exp %logistic3A_939 : vector<512x64xf32>
    %logistic3A_941 = arith.constant 1.000000e+00 : f32
    %logistic3A_942 = vector.broadcast %logistic3A_941 : f32 to vector<512x64xf32>
    %logistic3A_943 = arith.addf %logistic3A_942, %logistic3A_940 : vector<512x64xf32>
    %logistic3A_944 = arith.divf %logistic3A_942, %logistic3A_943 : vector<512x64xf32>
    %slice3A_945 = vector.extract_strided_slice %add3A_931 {offsets = [0, 64], sizes = [512, 64], strides = [1, 1]} : vector<512x192xf32> to vector<512x64xf32>
    %slice3A_946 = vector.extract_strided_slice %add3A_935 {offsets = [0, 64], sizes = [512, 64], strides = [1, 1]} : vector<512x192xf32> to vector<512x64xf32>
    %add3A_947 = arith.addf %slice3A_945, %slice3A_946 : vector<512x64xf32>
    %logistic3A_948 = arith.negf %add3A_947 : vector<512x64xf32>
    %logistic3A_949 = math.exp %logistic3A_948 : vector<512x64xf32>
    %logistic3A_950 = arith.constant 1.000000e+00 : f32
    %logistic3A_951 = vector.broadcast %logistic3A_950 : f32 to vector<512x64xf32>
    %logistic3A_952 = arith.addf %logistic3A_951, %logistic3A_949 : vector<512x64xf32>
    %logistic3A_953 = arith.divf %logistic3A_951, %logistic3A_952 : vector<512x64xf32>
    %slice3A_954 = vector.extract_strided_slice %add3A_931 {offsets = [0, 128], sizes = [512, 64], strides = [1, 1]} : vector<512x192xf32> to vector<512x64xf32>
    %slice3A_955 = vector.extract_strided_slice %add3A_935 {offsets = [0, 128], sizes = [512, 64], strides = [1, 1]} : vector<512x192xf32> to vector<512x64xf32>
    %mul3A_956 = arith.mulf %logistic3A_944, %slice3A_955 : vector<512x64xf32>
    %add3A_957 = arith.addf %slice3A_954, %mul3A_956 : vector<512x64xf32>
    %tanh3A_958 = math.tanh %add3A_957 : vector<512x64xf32>
    %sub3A_959 = arith.constant 1.000000e+00 : f32
    %sub3A_960 = vector.broadcast %sub3A_959 : f32 to vector<512x64xf32>
    %sub3A_961 = arith.subf %sub3A_960, %logistic3A_953 : vector<512x64xf32>
    %mul3A_962 = arith.mulf %sub3A_961, %tanh3A_958 : vector<512x64xf32>
    %mul3A_963 = arith.mulf %logistic3A_953, %add3A_924 : vector<512x64xf32>
    %add3A_964 = arith.addf %mul3A_962, %mul3A_963 : vector<512x64xf32>
    %get3A_965 = arith.constant 0 : index
    %get3A_966 = arith.constant 0 : index
    %get3A_967 = vector.load %arg7[%get3A_965, %get3A_966] : memref<64x64xf32, #tpu.memory_space<vmem>>, vector<64x64xf32>
    %dot_general3A_968 = arith.constant dense<0.000000e+00> : vector<512x64xf32>
    %dot_general3A_969 = tpu.matmul %add3A_964, %get3A_967, %dot_general3A_968 {dimension_numbers = #tpu.dot_dimension_numbers<[1], [0], [0], [1], [0, 0, 1, 1], [], []>, transpose_lhs_hint = false} : vector<512x64xf32>, vector<64x64xf32>, vector<512x64xf32> -> vector<512x64xf32>
    %get3A_970 = arith.constant 0 : index
    %get3A_971 = arith.constant 0 : index
    %get3A_972 = vector.load %arg2[%get3A_970, %get3A_971] : memref<512x16xf32, #tpu.memory_space<vmem>>, vector<512x16xf32>
    %get3A_973 = arith.constant 0 : index
    %get3A_974 = arith.constant 0 : index
    %get3A_975 = vector.load %arg8[%get3A_973, %get3A_974] : memref<16x64xf32, #tpu.memory_space<vmem>>, vector<16x64xf32>
    %dot_general3A_976 = arith.constant dense<0.000000e+00> : vector<512x64xf32>
    %dot_general3A_977 = tpu.matmul %get3A_972, %get3A_975, %dot_general3A_976 {dimension_numbers = #tpu.dot_dimension_numbers<[1], [0], [0], [1], [0, 0, 1, 1], [], []>, transpose_lhs_hint = false} : vector<512x16xf32>, vector<16x64xf32>, vector<512x64xf32> -> vector<512x64xf32>
    %add3A_978 = arith.addf %dot_general3A_969, %dot_general3A_977 : vector<512x64xf32>
    %slice3A_979 = vector.extract_strided_slice %add3A_978 {offsets = [0, 0], sizes = [512, 32], strides = [1, 1]} : vector<512x64xf32> to vector<512x32xf32>
    %swap3A = arith.constant 0 : index
    %swap3A_980 = arith.constant 0 : index
    %swap3A_981 = arith.constant 0 : index
    %swap3A_982 = vector.load %arg9[%swap3A, %swap3A_980, %swap3A_981] : memref<2x512x32xf32, #tpu.memory_space<vmem>>, vector<1x512x32xf32>
    %swap3A_983 = vector.shape_cast %swap3A_982 : vector<1x512x32xf32> to vector<512x32xf32>
    %swap3A_984 = vector.shape_cast %slice3A_979 : vector<512x32xf32> to vector<1x512x32xf32>
    tpu.vector_store %arg9[%swap3A, %swap3A_980, %swap3A_981], %swap3A_984 {strides = array<i32>} : memref<2x512x32xf32, #tpu.memory_space<vmem>>, vector<1x512x32xf32>,
    %slice3A_985 = vector.extract_strided_slice %add3A_978 {offsets = [0, 32], sizes = [512, 32], strides = [1, 1]} : vector<512x64xf32> to vector<512x32xf32>
    %swap3A_986 = arith.constant 1 : index
    %swap3A_987 = arith.constant 0 : index
    %swap3A_988 = arith.constant 0 : index
    %swap3A_989 = vector.load %arg9[%swap3A_986, %swap3A_987, %swap3A_988] : memref<2x512x32xf32, #tpu.memory_space<vmem>>, vector<1x512x32xf32>
    %swap3A_990 = vector.shape_cast %swap3A_989 : vector<1x512x32xf32> to vector<512x32xf32>
    %swap3A_991 = vector.shape_cast %slice3A_985 : vector<512x32xf32> to vector<1x512x32xf32>
    tpu.vector_store %arg9[%swap3A_986, %swap3A_987, %swap3A_988], %swap3A_991 {strides = array<i32>} : memref<2x512x32xf32, #tpu.memory_space<vmem>>, vector<1x512x32xf32>,
    return
  }
  func.func @transform_0(%arg0: i32) -> (i32, i32) {
    %c0_i32 = arith.constant 0 : i32
    %c0_i32_0 = arith.constant 0 : i32
    return %arg0, %c0_i32 : i32, i32
  }
  func.func @transform_1(%arg0: i32) -> (i32, i32) {
    %c0_i32 = arith.constant 0 : i32
    %c0_i32_0 = arith.constant 0 : i32
    return %arg0, %c0_i32 : i32, i32
  }
  func.func @transform_2(%arg0: i32) -> (i32, i32) {
    %c0_i32 = arith.constant 0 : i32
    %c0_i32_0 = arith.constant 0 : i32
    %c0_i32_1 = arith.constant 0 : i32
    return %c0_i32, %c0_i32_0 : i32, i32
  }
  func.func @transform_3(%arg0: i32) -> (i32, i32) {
    %c0_i32 = arith.constant 0 : i32
    %c0_i32_0 = arith.constant 0 : i32
    %c0_i32_1 = arith.constant 0 : i32
    return %c0_i32, %c0_i32_0 : i32, i32
  }
  func.func @transform_4(%arg0: i32) -> (i32, i32) {
    %c0_i32 = arith.constant 0 : i32
    %c0_i32_0 = arith.constant 0 : i32
    %c0_i32_1 = arith.constant 0 : i32
    return %c0_i32, %c0_i32_0 : i32, i32
  }
  func.func @transform_5(%arg0: i32) -> (i32, i32) {
    %c0_i32 = arith.constant 0 : i32
    %c0_i32_0 = arith.constant 0 : i32
    %c0_i32_1 = arith.constant 0 : i32
    return %c0_i32, %c0_i32_0 : i32, i32
  }
  func.func @transform_6(%arg0: i32) -> (i32, i32) {
    %c0_i32 = arith.constant 0 : i32
    %c0_i32_0 = arith.constant 0 : i32
    %c0_i32_1 = arith.constant 0 : i32
    return %c0_i32, %c0_i32_0 : i32, i32
  }
  func.func @transform_7(%arg0: i32) -> (i32, i32) {
    %c0_i32 = arith.constant 0 : i32
    %c0_i32_0 = arith.constant 0 : i32
    %c0_i32_1 = arith.constant 0 : i32
    return %c0_i32, %c0_i32_0 : i32, i32
  }
  func.func @transform_8(%arg0: i32) -> (i32, i32, i32) {
    %c0_i32 = arith.constant 0 : i32
    %c0_i32_0 = arith.constant 0 : i32
    %c0_i32_1 = arith.constant 0 : i32
    return %c0_i32, %arg0, %c0_i32_0 : i32, i32, i32
  }
}

module attributes {stable_mosaic.version = 14 : i64} {
  func.func @_mid_body(%arg0: i32, %arg1: memref<2048x32xf32, #tpu.memory_space<vmem>>, %arg2: memref<2048x32xf32, #tpu.memory_space<vmem>>, %arg3: memref<1x32xf32, #tpu.memory_space<vmem>>, %arg4: memref<1x32xf32, #tpu.memory_space<vmem>>, %arg5: memref<32x64xf32, #tpu.memory_space<vmem>>, %arg6: memref<32x64xf32, #tpu.memory_space<vmem>>, %arg7: memref<2x2048x32xf32, #tpu.memory_space<vmem>>) attributes {dimension_semantics = [#tpu.dimension_semantics<arbitrary>], iteration_bounds = array<i64: 25>, scalar_prefetch = 0 : i64, scratch_operands = 0 : i64, tpu.core_type = #tpu.core_type<tc>, window_params = [{transform_indices = @transform_0, window_bounds = array<i64: 2048, 32>}, {transform_indices = @transform_1, window_bounds = array<i64: 2048, 32>}, {pipeline_mode = #tpu.pipeline_mode<synchronous>, transform_indices = @transform_2, window_bounds = array<i64: 1, 32>}, {pipeline_mode = #tpu.pipeline_mode<synchronous>, transform_indices = @transform_3, window_bounds = array<i64: 1, 32>}, {pipeline_mode = #tpu.pipeline_mode<synchronous>, transform_indices = @transform_4, window_bounds = array<i64: 32, 64>}, {pipeline_mode = #tpu.pipeline_mode<synchronous>, transform_indices = @transform_5, window_bounds = array<i64: 32, 64>}, {transform_indices = @transform_6, window_bounds = array<i64: 2, 2048, 32>}]} {
    %get3A = arith.constant 0 : index
    %get3A_0 = arith.constant 0 : index
    %get3A_1 = vector.load %arg1[%get3A, %get3A_0] : memref<2048x32xf32, #tpu.memory_space<vmem>>, vector<2048x32xf32>
    %get3A_2 = arith.constant 0 : index
    %get3A_3 = arith.constant 0 : index
    %get3A_4 = vector.load %arg3[%get3A_2, %get3A_3] : memref<1x32xf32, #tpu.memory_space<vmem>>, vector<1x32xf32>
    %add3A = vector.broadcast %get3A_4 : vector<1x32xf32> to vector<2048x32xf32>
    %add3A_5 = arith.addf %get3A_1, %add3A : vector<2048x32xf32>
    %max3A = arith.constant 0.000000e+00 : f32
    %max3A_6 = vector.broadcast %max3A : f32 to vector<2048x32xf32>
    %max3A_7 = arith.maximumf %add3A_5, %max3A_6 : vector<2048x32xf32>
    %get3A_8 = arith.constant 0 : index
    %get3A_9 = arith.constant 0 : index
    %get3A_10 = vector.load %arg2[%get3A_8, %get3A_9] : memref<2048x32xf32, #tpu.memory_space<vmem>>, vector<2048x32xf32>
    %get3A_11 = arith.constant 0 : index
    %get3A_12 = arith.constant 0 : index
    %get3A_13 = vector.load %arg4[%get3A_11, %get3A_12] : memref<1x32xf32, #tpu.memory_space<vmem>>, vector<1x32xf32>
    %add3A_14 = vector.broadcast %get3A_13 : vector<1x32xf32> to vector<2048x32xf32>
    %add3A_15 = arith.addf %get3A_10, %add3A_14 : vector<2048x32xf32>
    %max3A_16 = arith.constant 0.000000e+00 : f32
    %max3A_17 = vector.broadcast %max3A_16 : f32 to vector<2048x32xf32>
    %max3A_18 = arith.maximumf %add3A_15, %max3A_17 : vector<2048x32xf32>
    %get3A_19 = arith.constant 0 : index
    %get3A_20 = arith.constant 0 : index
    %get3A_21 = vector.load %arg5[%get3A_19, %get3A_20] : memref<32x64xf32, #tpu.memory_space<vmem>>, vector<32x64xf32>
    %dot_general3A = arith.constant dense<0.000000e+00> : vector<2048x64xf32>
    %dot_general3A_22 = tpu.matmul %max3A_7, %get3A_21, %dot_general3A {dimension_numbers = #tpu.dot_dimension_numbers<[1], [0], [0], [1], [0, 0, 1, 1], [], []>, transpose_lhs_hint = false} : vector<2048x32xf32>, vector<32x64xf32>, vector<2048x64xf32> -> vector<2048x64xf32>
    %get3A_23 = arith.constant 0 : index
    %get3A_24 = arith.constant 0 : index
    %get3A_25 = vector.load %arg6[%get3A_23, %get3A_24] : memref<32x64xf32, #tpu.memory_space<vmem>>, vector<32x64xf32>
    %dot_general3A_26 = arith.constant dense<0.000000e+00> : vector<2048x64xf32>
    %dot_general3A_27 = tpu.matmul %max3A_18, %get3A_25, %dot_general3A_26 {dimension_numbers = #tpu.dot_dimension_numbers<[1], [0], [0], [1], [0, 0, 1, 1], [], []>, transpose_lhs_hint = false} : vector<2048x32xf32>, vector<32x64xf32>, vector<2048x64xf32> -> vector<2048x64xf32>
    %add3A_28 = arith.addf %dot_general3A_22, %dot_general3A_27 : vector<2048x64xf32>
    %slice3A = vector.extract_strided_slice %add3A_28 {offsets = [0, 0], sizes = [2048, 32], strides = [1, 1]} : vector<2048x64xf32> to vector<2048x32xf32>
    %swap3A = arith.constant 0 : index
    %swap3A_29 = arith.constant 0 : index
    %swap3A_30 = arith.constant 0 : index
    %swap3A_31 = vector.load %arg7[%swap3A, %swap3A_29, %swap3A_30] : memref<2x2048x32xf32, #tpu.memory_space<vmem>>, vector<1x2048x32xf32>
    %swap3A_32 = vector.shape_cast %swap3A_31 : vector<1x2048x32xf32> to vector<2048x32xf32>
    %swap3A_33 = vector.shape_cast %slice3A : vector<2048x32xf32> to vector<1x2048x32xf32>
    tpu.vector_store %arg7[%swap3A, %swap3A_29, %swap3A_30], %swap3A_33 {strides = array<i32>} : memref<2x2048x32xf32, #tpu.memory_space<vmem>>, vector<1x2048x32xf32>,
    %slice3A_34 = vector.extract_strided_slice %add3A_28 {offsets = [0, 32], sizes = [2048, 32], strides = [1, 1]} : vector<2048x64xf32> to vector<2048x32xf32>
    %swap3A_35 = arith.constant 1 : index
    %swap3A_36 = arith.constant 0 : index
    %swap3A_37 = arith.constant 0 : index
    %swap3A_38 = vector.load %arg7[%swap3A_35, %swap3A_36, %swap3A_37] : memref<2x2048x32xf32, #tpu.memory_space<vmem>>, vector<1x2048x32xf32>
    %swap3A_39 = vector.shape_cast %swap3A_38 : vector<1x2048x32xf32> to vector<2048x32xf32>
    %swap3A_40 = vector.shape_cast %slice3A_34 : vector<2048x32xf32> to vector<1x2048x32xf32>
    tpu.vector_store %arg7[%swap3A_35, %swap3A_36, %swap3A_37], %swap3A_40 {strides = array<i32>} : memref<2x2048x32xf32, #tpu.memory_space<vmem>>, vector<1x2048x32xf32>,
    return
  }
  func.func @transform_0(%arg0: i32) -> (i32, i32) {
    %c0_i32 = arith.constant 0 : i32
    %c0_i32_0 = arith.constant 0 : i32
    return %arg0, %c0_i32 : i32, i32
  }
  func.func @transform_1(%arg0: i32) -> (i32, i32) {
    %c0_i32 = arith.constant 0 : i32
    %c0_i32_0 = arith.constant 0 : i32
    return %arg0, %c0_i32 : i32, i32
  }
  func.func @transform_2(%arg0: i32) -> (i32, i32) {
    %c0_i32 = arith.constant 0 : i32
    %c0_i32_0 = arith.constant 0 : i32
    %c0_i32_1 = arith.constant 0 : i32
    return %c0_i32, %c0_i32_0 : i32, i32
  }
  func.func @transform_3(%arg0: i32) -> (i32, i32) {
    %c0_i32 = arith.constant 0 : i32
    %c0_i32_0 = arith.constant 0 : i32
    %c0_i32_1 = arith.constant 0 : i32
    return %c0_i32, %c0_i32_0 : i32, i32
  }
  func.func @transform_4(%arg0: i32) -> (i32, i32) {
    %c0_i32 = arith.constant 0 : i32
    %c0_i32_0 = arith.constant 0 : i32
    %c0_i32_1 = arith.constant 0 : i32
    return %c0_i32, %c0_i32_0 : i32, i32
  }
  func.func @transform_5(%arg0: i32) -> (i32, i32) {
    %c0_i32 = arith.constant 0 : i32
    %c0_i32_0 = arith.constant 0 : i32
    %c0_i32_1 = arith.constant 0 : i32
    return %c0_i32, %c0_i32_0 : i32, i32
  }
  func.func @transform_6(%arg0: i32) -> (i32, i32, i32) {
    %c0_i32 = arith.constant 0 : i32
    %c0_i32_0 = arith.constant 0 : i32
    %c0_i32_1 = arith.constant 0 : i32
    return %c0_i32, %arg0, %c0_i32_0 : i32, i32, i32
  }
}

module attributes {stable_mosaic.version = 14 : i64} {
  func.func @_head_body(%arg0: i32, %arg1: memref<2048x32xf32, #tpu.memory_space<vmem>>, %arg2: memref<2048x32xf32, #tpu.memory_space<vmem>>, %arg3: memref<1x32xf32, #tpu.memory_space<vmem>>, %arg4: memref<1x32xf32, #tpu.memory_space<vmem>>, %arg5: memref<32x2xf32, #tpu.memory_space<vmem>>, %arg6: memref<32x2xf32, #tpu.memory_space<vmem>>, %arg7: memref<1x2xf32, #tpu.memory_space<vmem>>, %arg8: memref<2048x2xf32, #tpu.memory_space<vmem>>) attributes {dimension_semantics = [#tpu.dimension_semantics<arbitrary>], iteration_bounds = array<i64: 25>, scalar_prefetch = 0 : i64, scratch_operands = 0 : i64, tpu.core_type = #tpu.core_type<tc>, window_params = [{transform_indices = @transform_0, window_bounds = array<i64: 2048, 32>}, {transform_indices = @transform_1, window_bounds = array<i64: 2048, 32>}, {pipeline_mode = #tpu.pipeline_mode<synchronous>, transform_indices = @transform_2, window_bounds = array<i64: 1, 32>}, {pipeline_mode = #tpu.pipeline_mode<synchronous>, transform_indices = @transform_3, window_bounds = array<i64: 1, 32>}, {pipeline_mode = #tpu.pipeline_mode<synchronous>, transform_indices = @transform_4, window_bounds = array<i64: 32, 2>}, {pipeline_mode = #tpu.pipeline_mode<synchronous>, transform_indices = @transform_5, window_bounds = array<i64: 32, 2>}, {pipeline_mode = #tpu.pipeline_mode<synchronous>, transform_indices = @transform_6, window_bounds = array<i64: 1, 2>}, {transform_indices = @transform_7, window_bounds = array<i64: 2048, 2>}]} {
    %get3A = arith.constant 0 : index
    %get3A_0 = arith.constant 0 : index
    %get3A_1 = vector.load %arg1[%get3A, %get3A_0] : memref<2048x32xf32, #tpu.memory_space<vmem>>, vector<2048x32xf32>
    %get3A_2 = arith.constant 0 : index
    %get3A_3 = arith.constant 0 : index
    %get3A_4 = vector.load %arg3[%get3A_2, %get3A_3] : memref<1x32xf32, #tpu.memory_space<vmem>>, vector<1x32xf32>
    %add3A = vector.broadcast %get3A_4 : vector<1x32xf32> to vector<2048x32xf32>
    %add3A_5 = arith.addf %get3A_1, %add3A : vector<2048x32xf32>
    %max3A = arith.constant 0.000000e+00 : f32
    %max3A_6 = vector.broadcast %max3A : f32 to vector<2048x32xf32>
    %max3A_7 = arith.maximumf %add3A_5, %max3A_6 : vector<2048x32xf32>
    %get3A_8 = arith.constant 0 : index
    %get3A_9 = arith.constant 0 : index
    %get3A_10 = vector.load %arg2[%get3A_8, %get3A_9] : memref<2048x32xf32, #tpu.memory_space<vmem>>, vector<2048x32xf32>
    %get3A_11 = arith.constant 0 : index
    %get3A_12 = arith.constant 0 : index
    %get3A_13 = vector.load %arg4[%get3A_11, %get3A_12] : memref<1x32xf32, #tpu.memory_space<vmem>>, vector<1x32xf32>
    %add3A_14 = vector.broadcast %get3A_13 : vector<1x32xf32> to vector<2048x32xf32>
    %add3A_15 = arith.addf %get3A_10, %add3A_14 : vector<2048x32xf32>
    %max3A_16 = arith.constant 0.000000e+00 : f32
    %max3A_17 = vector.broadcast %max3A_16 : f32 to vector<2048x32xf32>
    %max3A_18 = arith.maximumf %add3A_15, %max3A_17 : vector<2048x32xf32>
    %get3A_19 = arith.constant 0 : index
    %get3A_20 = arith.constant 0 : index
    %get3A_21 = vector.load %arg5[%get3A_19, %get3A_20] : memref<32x2xf32, #tpu.memory_space<vmem>>, vector<32x2xf32>
    %dot_general3A = arith.constant dense<0.000000e+00> : vector<2048x2xf32>
    %dot_general3A_22 = tpu.matmul %max3A_7, %get3A_21, %dot_general3A {dimension_numbers = #tpu.dot_dimension_numbers<[1], [0], [0], [1], [0, 0, 1, 1], [], []>, transpose_lhs_hint = false} : vector<2048x32xf32>, vector<32x2xf32>, vector<2048x2xf32> -> vector<2048x2xf32>
    %get3A_23 = arith.constant 0 : index
    %get3A_24 = arith.constant 0 : index
    %get3A_25 = vector.load %arg6[%get3A_23, %get3A_24] : memref<32x2xf32, #tpu.memory_space<vmem>>, vector<32x2xf32>
    %dot_general3A_26 = arith.constant dense<0.000000e+00> : vector<2048x2xf32>
    %dot_general3A_27 = tpu.matmul %max3A_18, %get3A_25, %dot_general3A_26 {dimension_numbers = #tpu.dot_dimension_numbers<[1], [0], [0], [1], [0, 0, 1, 1], [], []>, transpose_lhs_hint = false} : vector<2048x32xf32>, vector<32x2xf32>, vector<2048x2xf32> -> vector<2048x2xf32>
    %add3A_28 = arith.addf %dot_general3A_22, %dot_general3A_27 : vector<2048x2xf32>
    %get3A_29 = arith.constant 0 : index
    %get3A_30 = arith.constant 0 : index
    %get3A_31 = vector.load %arg7[%get3A_29, %get3A_30] : memref<1x2xf32, #tpu.memory_space<vmem>>, vector<1x2xf32>
    %add3A_32 = vector.broadcast %get3A_31 : vector<1x2xf32> to vector<2048x2xf32>
    %add3A_33 = arith.addf %add3A_28, %add3A_32 : vector<2048x2xf32>
    %swap3A = arith.constant 0 : index
    %swap3A_34 = arith.constant 0 : index
    %swap3A_35 = vector.load %arg8[%swap3A, %swap3A_34] : memref<2048x2xf32, #tpu.memory_space<vmem>>, vector<2048x2xf32>
    tpu.vector_store %arg8[%swap3A, %swap3A_34], %add3A_33 {strides = array<i32>} : memref<2048x2xf32, #tpu.memory_space<vmem>>, vector<2048x2xf32>,
    return
  }
  func.func @transform_0(%arg0: i32) -> (i32, i32) {
    %c0_i32 = arith.constant 0 : i32
    %c0_i32_0 = arith.constant 0 : i32
    return %arg0, %c0_i32 : i32, i32
  }
  func.func @transform_1(%arg0: i32) -> (i32, i32) {
    %c0_i32 = arith.constant 0 : i32
    %c0_i32_0 = arith.constant 0 : i32
    return %arg0, %c0_i32 : i32, i32
  }
  func.func @transform_2(%arg0: i32) -> (i32, i32) {
    %c0_i32 = arith.constant 0 : i32
    %c0_i32_0 = arith.constant 0 : i32
    %c0_i32_1 = arith.constant 0 : i32
    return %c0_i32, %c0_i32_0 : i32, i32
  }
  func.func @transform_3(%arg0: i32) -> (i32, i32) {
    %c0_i32 = arith.constant 0 : i32
    %c0_i32_0 = arith.constant 0 : i32
    %c0_i32_1 = arith.constant 0 : i32
    return %c0_i32, %c0_i32_0 : i32, i32
  }
  func.func @transform_4(%arg0: i32) -> (i32, i32) {
    %c0_i32 = arith.constant 0 : i32
    %c0_i32_0 = arith.constant 0 : i32
    %c0_i32_1 = arith.constant 0 : i32
    return %c0_i32, %c0_i32_0 : i32, i32
  }
  func.func @transform_5(%arg0: i32) -> (i32, i32) {
    %c0_i32 = arith.constant 0 : i32
    %c0_i32_0 = arith.constant 0 : i32
    %c0_i32_1 = arith.constant 0 : i32
    return %c0_i32, %c0_i32_0 : i32, i32
  }
  func.func @transform_6(%arg0: i32) -> (i32, i32) {
    %c0_i32 = arith.constant 0 : i32
    %c0_i32_0 = arith.constant 0 : i32
    %c0_i32_1 = arith.constant 0 : i32
    return %c0_i32, %c0_i32_0 : i32, i32
  }
  func.func @transform_7(%arg0: i32) -> (i32, i32) {
    %c0_i32 = arith.constant 0 : i32
    %c0_i32_0 = arith.constant 0 : i32
    return %arg0, %c0_i32 : i32, i32
  }
}

</mosaic_0001>

<sc_bundles>
// kernel: kernel.10.cloned.1.call-start
scs
__scs_entry_jumppad:
0x0: {  	(pc) =	sbr.rel $0x88, $3  }
0x1: {  	(tag) =	ssettag $0x0;
	lr =	simm.s32 $0x1  }
0x2: {  	[smem:$0x3F91] =	sst lr;
	_ =	strace $0xD0000000  }
0x3: {  	_ = 	snop  }
0x4: {  	_ = 	snop  }
0x5: {  	_ = 	snop  }
0x6: {  	_ = 	snop  }
0x7: {  	_ = 	snop  }
__scs_overlays_trampoline_lowered:
0x8: {  	[smem:$0x3FA0] =	sst s0  }
0x9: {  	[smem:$0x3FA1] =	sst s1  }
0xa: {  	[smem:$0x3FA2] =	sst s2  }
0xb: {  	[smem:$0x3FA3] =	sst s3  }
0xc: {  	[smem:$0x3FA4] =	sst s4  }
0xd: {  	[smem:$0x3FA5] =	sst s5  }
0xe: {  	[smem:$0x3FA6] =	sst s6  }
0xf: {  	[smem:$0x3FA7] =	sst s7  }
0x10: {  	[smem:$0x3FA8] =	sst s8  }
0x11: {  	[smem:$0x3FA9] =	sst s9;
	s0 =	simm.s32 @!p0 $0x0  }
0x12: {  	s1 =	sld [smem:$0x3F8F];
	s0 =	simm.s32 @p0 $0x1  }
0x13: {  	[smem:$0x3FAA] =	sst s0;
	s0 =	simm.s32 @!p1 $0x0  }
0x14: {  	s2 =	sld [smem:$0x3F8E];
	s0 =	simm.s32 @p1 $0x1  }
0x15: {  	[smem:$0x3FAB] =	sst s0;
	s0 =	simm.s32 @!p2 $0x0  }
0x16: {  	s3 =	sld [smem:$0x3FDB];
	s0 =	simm.s32 @p2 $0x1  }
0x17: {  	s4 =	simm.s32 $0x1BF5;
	[smem:$0x3FAD] =	sst s0  }
0x18: {  	s0 =	sld [smem:$0x3F90];
	_ =	swait.ge [sflag:s4], $0x0  }
0x19: {  	s7 =	sld [smem:$0x3F91]  }
0x1a: {  	s8 =	sadd.s32 $0xFFFFE003, lr  }
0x1b: {  	s9 =	sadd.s32 $0xFFFFFEF7, lr;
	s5 =	simm.s32 $0xFFFFFFFF;
	p2 =	slt.u32 s8, $0xFFFFF086  }
0x1c: {  	p1 =	slt.u32 s9, $0xF7A;
	s5 =	simm.s32 @!p2 $0x0  }
0x1d: {  	s5 =	simm.s32 @p1 $0x1;
	p0 =	seq.s32 s7, s2  }
0x1e: {  	s7 =	smul.u32 @!p0 $0xF7A, s2;
	p2 =	seq.s32 @!p0 s5, $0x0  }
0x1f: {  	s9 =	smul.u32 $0xF7A, s1;
	s8 =	simm.s32 @!p0 $0x1BF5;
	p2 =	por !p2, p0  }
0x20: {  	[sflag:s8] =	ssyncset.s32 @!p0 $0xFFFFF086;
	s6 =	sadd.s32 @!p0 s3, s7;
	s7 =	simm.s32 @!p0 $0x108  }
0x21: {  	s3 =	sadd.s32 s3, s9;
	s6 =	sadd.s32 @!p0 $0x88, s6;
	s7 =	simm.s32 @p2 $0x1082  }
0x22: {  	[simem:s7], [sflag:s8] =	dma.local @!p0 [hbm:s6], $0xF7A  }
0x23: {  	s9 =	sor.u32 $0xD0000000, s2;
	s6 =	simm.s32 $0x108;
	_ =	swait.ge @!p0 [sflag:s8], $0x0  }
0x24: {  	s3 =	sadd.s32 $0x88, s3;
	s6 =	simm.s32 @!p1 $0x1082;
	[sflag:s4] =	ssyncset.s32 $0xFFFFF086  }
0x25: {  	[simem:s6], [sflag:s4] =	dma.local [hbm:s3], $0xF7A  }
0x26: {  	[smem:$0x3F91] =	sst s1;
	(tag) =	ssettag s2;
	_ =	strace s9  }
0x27: {  	s1 =	sld [smem:$0x3FA1]  }
0x28: {  	s2 =	sld [smem:$0x3FA2]  }
0x29: {  	s4 =	sld [smem:$0x3FA4]  }
0x2a: {  	p0 =	seq.s32 s5, $0x0;
	s5 =	sld [smem:$0x3FA5]  }
0x2b: {  	s6 =	sld [smem:$0x3FA6]  }
0x2c: {  	s7 =	sld [smem:$0x3FA7]  }
0x2d: {  	s3 =	simm.s32 $0x108;
	s8 =	sld [smem:$0x3FA8]  }
0x2e: {  	s3 =	simm.s32 @!p0 $0x1082;
	s9 =	sld [smem:$0x3FA9]  }
0x2f: {  	lr =	sadd.s32 s0, s3;
	s0 =	sld [smem:$0x3FA0]  }
0x30: {  	s3 =	sld [smem:$0x3FA3]  }
0x31: {  	[smem:$0x3FAC] =	sst s10  }
0x32: {  	s10 =	sld [smem:$0x3FAA];
	_ =	sdelay $0x3  }
0x33: {  	p0 =	seq.s32 s10, $0x1;
	s10 =	sld [smem:$0x3FAC];
	_ =	sdelay $0x3  }
0x34: {  	[smem:$0x3FAC] =	sst s10  }
0x35: {  	s10 =	sld [smem:$0x3FAB];
	_ =	sdelay $0x3  }
0x36: {  	p1 =	seq.s32 s10, $0x1;
	s10 =	sld [smem:$0x3FAC];
	_ =	sdelay $0x3  }
0x37: {  	[smem:$0x3FAC] =	sst s10  }
0x38: {  	s10 =	sld [smem:$0x3FAD]  }
0x39: {  	_ = 	snop;
	(pc) =	sbr.ind lr, $3  }
0x3a: {  	_ = 	snop  }
0x3b: {  	_ = 	snop  }
0x3c: {  	p2 =	seq.s32 s10, $0x1;
	s10 =	sld [smem:$0x3FAC]  }
0x3d: {  	_ =	shalt  }
0x3e: {  	_ =	shalt  }
0x3f: {  	_ =	shalt  }
0x40: {  	_ =	shalt  }
0x41: {  	_ =	shalt  }
0x42: {  	_ =	shalt  }
0x43: {  	_ =	shalt  }
0x44: {  	_ =	shalt  }
0x45: {  	_ =	shalt  }
0x46: {  	_ =	shalt  }
0x47: {  	_ =	shalt  }
0x48: {  	_ =	shalt  }
0x49: {  	_ =	shalt  }
0x4a: {  	_ =	shalt  }
0x4b: {  	_ =	shalt  }
0x4c: {  	_ =	shalt  }
0x4d: {  	_ =	shalt  }
0x4e: {  	_ =	shalt  }
0x4f: {  	_ =	shalt  }
0x50: {  	_ =	shalt  }
0x51: {  	_ =	shalt  }
0x52: {  	_ =	shalt  }
0x53: {  	_ =	shalt  }
0x54: {  	_ =	shalt  }
0x55: {  	_ =	shalt  }
0x56: {  	_ =	shalt  }
0x57: {  	_ =	shalt  }
0x58: {  	_ =	shalt  }
0x59: {  	_ =	shalt  }
0x5a: {  	_ =	shalt  }
0x5b: {  	_ =	shalt  }
0x5c: {  	_ =	shalt  }
0x5d: {  	_ =	shalt  }
0x5e: {  	_ =	shalt  }
0x5f: {  	_ =	shalt  }
0x60: {  	_ =	shalt  }
0x61: {  	_ =	shalt  }
0x62: {  	_ =	shalt  }
0x63: {  	_ =	shalt  }
0x64: {  	_ =	shalt  }
0x65: {  	_ =	shalt  }
0x66: {  	_ =	shalt  }
0x67: {  	_ =	shalt  }
0x68: {  	_ =	shalt  }
0x69: {  	_ =	shalt  }
0x6a: {  	_ =	shalt  }
0x6b: {  	_ =	shalt  }
0x6c: {  	_ =	shalt  }
0x6d: {  	_ =	shalt  }
0x6e: {  	_ =	shalt  }
0x6f: {  	_ =	shalt  }
0x70: {  	_ =	shalt  }
0x71: {  	_ =	shalt  }
0x72: {  	_ =	shalt  }
0x73: {  	_ =	shalt  }
0x74: {  	_ =	shalt  }
0x75: {  	_ =	shalt  }
0x76: {  	_ =	shalt  }
0x77: {  	_ =	shalt  }
0x78: {  	_ =	shalt  }
0x79: {  	_ =	shalt  }
0x7a: {  	_ =	shalt  }
0x7b: {  	_ =	shalt  }
0x7c: {  	_ =	shalt  }
0x7d: {  	_ =	shalt  }
0x7e: {  	_ =	shalt  }
0x7f: {  	_ =	shalt  }
0x80: {  	_ =	shalt  }
0x81: {  	_ =	shalt  }
0x82: {  	_ =	shalt  }
0x83: {  	_ =	shalt  }
0x84: {  	_ =	shalt  }
0x85: {  	_ =	shalt  }
0x86: {  	_ =	shalt  }
0x87: {  	_ =	shalt  }
.Lfunc_end0:
.L_simem_size_0:
called_computation.1_lowered:
.L_overlay_start_0:
0x88: {  	s2 =	sld [smem:$0x3FD9]  }
0x89: {  	s3 =	sld [smem:$0x3FFE];
	_ =	sdelay $0x1  }
0x8a: {  	s1 =	srdreg.scid  }
0x8b: {  	s0 =	sand.u32 $0x1, s1  }
0x8c: {  	s16 =	sshll.u32 s0, $0xA;
	s2 =	sadd.s32 s3, s2  }
0x8d: {  	s2 =	sadd.s32 s2, s16  }
0x8e: {  	[smem:$0x3FB8] =	sst s2  }
0x8f: {  	_ = 	snop  }
0x90: {  	(tm) =	ssettm $0x1  }
0x91: {  	s17 =	sld [smem:$0x3FFB];
	_ =	sdelay $0x3  }
0x92: {  	_ =	strace s17  }
0x93: {  	s2 =	sld [smem:$0x3FFC];
	_ =	sdelay $0x3  }
0x94: {  	_ =	strace s2  }
0x95: {  	s2 =	sld [smem:$0x3FFD];
	_ =	sdelay $0x3  }
0x96: {  	_ =	strace s2  }
0x97: {  	_ =	strace $0x8FFFFFFF  }
0x98: {  	s18 =	sld [smem:$0x3FDB];
	_ =	sdelay $0x1  }
0x99: {  	s19 =	simm.s32 $_scs_section_size  }
0x9a: {  	s4 =	simm.s32 $_size__tile_overlayer_lowered;
	s5 =	simm.s32 $_tile_overlayer_lowered  }
0x9b: {  	s22 =	simm.s32 $0x1BFF;
	s21 =	sshll.u32 s5, $0x1;
	s2 =	sadd.s32 s19, s18  }
0x9c: {  	s6 =	simm.s32 $0x0;
	s20 =	sshll.u32 s4, $0x1;
	s4 =	sadd.s32 s21, s2  }
0x9d: {  	[timem:s6], [sflag:s22] =	dma.local [hbm:s4], s20  }
0x9e: {  	_ =	swait.ge [sflag:s22], s20  }
0x9f: {  	s3 =	ssub.s32 $0x0, s20;
	[sflag:s22] =	ssyncset.done $0x0  }
0xa0: {  	[sflag:s22] =	ssyncadd.s32 s3;
	_ =	sdelay $0x1  }
0xa1: {  	s23 =	simm.s32 $0x1B8B  }
0xa2: {  	_ =	swait.ge [sflag:s23], $0x1  }
0xa3: {  	[sflag:s23] =	ssyncset.done $0x0  }
0xa4: {  	s25 =	simm.s32 $0x1B8E;
	s24 =	sld [smem:$0x3FFE];
	[sflag:s23] =	ssyncadd.s32 $0xFFFFFFFF  }
0xa5: {  	s26 =	simm.s32 $execute0_lowered;
	[smem:$0x3FD2] =	sst s25  }
0xa6: {  	s4 =	sshll.u32 s26, $0x1;
	_ =	strace $0x80000049;
	[dreg:$0x1] =	wrdreg $0xFFFFFFFF  }
0xa7: {  	s28 =	simm.s32 $_size_execute0_lowered;
	s2 =	sadd.s32 s2, s4;
	[dreg:$0x0] =	wrdreg $0x0  }
0xa8: {  	s4 =	sshll.u32 s28, $0x1;
	[dreg:$0x2] =	wrdreg s2  }
0xa9: {  	[dreg:$0x3] =	wrdreg s4  }
0xaa: {  	[dreg:$0x4] =	wrdreg $0xC0  }
0xab: {  	_ =	task [dreg:s6], $0x5FFFF  }
0xac: {  	[dreg:$0x1] =	wrdreg $0xFFFFFFFF  }
0xad: {  	[dreg:$0x0] =	wrdreg $0x60  }
0xae: {  	[dreg:$0x2] =	wrdreg s24  }
0xaf: {  	[dreg:$0x3] =	wrdreg $0x0  }
0xb0: {  	[dreg:$0x4] =	wrdreg $0x9  }
0xb1: {  	_ =	task.clear_ibuf [dreg:s6], $0x5FFFF;
	_ =	strace $0x90000049  }
0xb2: {  	s29 =	simm.s32 $0x9;
	_ =	strace $0x8000004B  }
0xb3: {  	_ =	swait.ge [sflag:s29], $0x1  }
0xb4: {  	[sflag:s29] =	ssyncadd.s32 $0xFFFFFFFF  }
0xb5: {  	_ =	strace $0x9000004B  }
0xb6: {  	_ =	sfence  }
0xb7: {  	s30 =	sld [smem:$0x0];
	_ =	sdelay $0x2  }
0xb8: {  	s31 =	sshll.u32 s1, $0xD;
	s1 =	sshrl.u32 s1, $0x2  }
0xb9: {  	s3 =	sand.u32 $0x4000, s31;
	s1 =	sadd.s32 s1, s30  }
0xba: {  	s0 =	sor.u32 s3, s0;
	s1 =	sshll.u32 s1, $0x11  }
0xbb: {  	s0 =	sor.u32 s1, s0  }
0xbc: {  	s0 =	sadd.s32 $0x8F2B, s0  }
0xbd: {  	[sflag:s0] =	ssyncadd.remote.s32 $0x1  }
0xbe: {  	_ =	sfence.sel $0xFFFF  }
0xbf: {  	[dreg:$0x0] =	wrdreg $0xFFFFFFFF;
	(pc) =	sbr.abs _section_cstart, $3  }
0xc0: {  	[dreg:$0x1] =	wrdreg $0xFFFFFFFF  }
0xc1: {  	_ =	task.clear_ibuf [dreg:s6], $0x2FFFF;
	_ =	strace $0x9FFFFFFF  }
0xc2: {  	(tm) =	ssettm $0x7FFFFFFF  }
0xc3: {  	_ =	shalt  }
tec
execute0_lowered:
.L_overlay_start_1:
0x0: {  	(tag) =	ssettag $0x1  }
0x1: {  	s0 =	rddreg [dreg:$0x0]  }
0x2: {  	s2 =	rddreg [dreg:$0x1];
	s3 =	simm.s32 $0x0  }
0x3: {  	s1 =	srdreg.scid;
	s12 =	stileid.u32;
	s16 =	simm.s32 $0x2  }
0x4: {  	s17 =	simm.s32 $0x18700;
	s18 =	simm.s32 $0x18900;
	s19 =	simm.s32 $0x18B00  }
0x5: {  	s20 =	simm.s32 $0x80;
	s21 =	simm.s32 $0x18D00;
	s22 =	simm.s32 $0x18780  }
0x6: {  	s28 =	simm.s32 $0x1BD00;
	s29 =	simm.s32 $0x1;
	s30 =	simm.s32 $0x18980  }
0x7: {  	s31 =	simm.s32 $0x18A00;
	[smem:$0x7FF] =	sst s3;
	s1 =	sand.u32 $0x1, s1  }
0x8: {  	s8 =	smul.u32 $0x30E0, s12;
	s4 =	sadd.s32 $0x2400, s0;
	s5 =	sadd.s32 $0x7D000, s0  }
0x9: {  	s6 =	sadd.s32 $0x64000, s0;
	s7 =	sadd.s32 $0xAF000, s0;
	s10 =	smul.u32 $0x61C00, s12  }
0xa: {  	s11 =	sadd.s32 $0xC8000, s0;
	s25 =	sshll.u32 s12, $0x6;
	_ =	strace $0x8000004A  }
0xb: {  	s9 =	smul.u32 $0x30E00, s1;
	s23 =	ssub.s32 $0x2, s1;
	[dreg:$0x3] =	wrdreg s11  }
0xc: {  	s11 =	sor.u32 $0x1C02, s25;
	s25 =	simm.s32 $0x1AD00;
	s24 =	sshrl.u32 s23, $0x1  }
0xd: {  	s10 =	sshrl.u32 s10, $0x2;
	s8 =	sadd.s32 s8, s9;
	s9 =	smul.u32 $0xC800, s12  }
0xe: {  	s13 =	sadd.s32 s10, s2;
	s10 =	smul.u32 $0x190, s12;
	s0 =	sadd.s32 s8, s0  }
0xf: {  	s12 =	smul.u32 $0x1900, s1;
	s8 =	ssub.s32 s23, s24;
	s0 =	sadd.s32 $0xCB200, s0  }
0x10: {  	s23 =	simm.s32 $0x19D00;
	s26 =	smax.u32 s8, $0x1;
	[dreg:$0x4] =	wrdreg s0  }
0x11: {  	v0 =	vlaneseq.u32;
	s24 =	simm.s32 $0x18800;
	s8 =	sshrl.u32 s13, $0x3;
	[dreg:$0x5] =	wrdreg s26  }
0x12: {  	v1 =	vor.u32 $0x10, v0;
	s26 =	simm.s32 $0x18880;
	s0 =	simm.s32 $0x18A80;
	[dreg:$0x6] =	wrdreg s8  }
.LBB2_1:
0x13: {  	s1 =	rddreg [dreg:$0x3]  }
0x14: {  	[spmem:s8], [sflag:s11] =	dma.local [hbm:s1], $0x30E0  }
0x15: {  	_ =	swait.ge [sflag:s16], $0x30E0  }
0x16: {  	[sflag:s16] =	ssyncset.done $0x0  }
0x17: {  	[sflag:s16] =	ssyncadd.s32 $0xFFFFCF20  }
0x18: {  	s15 =	smov.u32 s11;
	s1 =	simm.s32 $0x0;
	[bflag:$0x0] =	sbarrier.arrive $0xFFFF  }
.LBB2_2:
0x19: {  	s8 =	sshll.u32 s1, $0x2  }
0x1a: {  	s8 =	sadd.s32 s10, s8  }
0x1b: {  	s13 =	sadd.s32 s12, s8  }
0x1c: {  	s13 =	sshll.u32 s13, $0x4  }
0x1d: {  	s14 =	simm.s32 $0x0;
	s13 =	sadd.s32 s5, s13  }
0x1e: {  	[tilespmem:s17], [sflag:$0x2] =	stream.linear.gather [hbm4b:s13+s14], $0x200, $0x38;
	[tilespmem:$0x1CD00] =	vst v63  }
0x1f: {  	_ =	swait.ge [sflag:s16], $0x200  }
0x20: {  	s8 =	sshll.u32 s8, $0x4;
	[sflag:s16] =	ssyncset.done $0x0  }
0x21: {  	s11 =	sshll.u32 s1, $0x9;
	s8 =	sadd.s32 s6, s8;
	[sflag:s16] =	ssyncadd.s32 $0xFFFFFE00  }
0x22: {  	[tilespmem:s18], [sflag:$0x2] =	stream.linear.gather [hbm4b:s8+s14], $0x200, $0x38;
	[tilespmem:$0x1CD00] =	vst v63  }
0x23: {  	s13 =	sadd.s32 s9, s11;
	_ =	swait.ge [sflag:s16], $0x200  }
0x24: {  	s8 =	sshrl.u32 s13, $0x3;
	[sflag:s16] =	ssyncset.done $0x0  }
0x25: {  	s8 =	sadd.s32 s7, s8;
	[sflag:s16] =	ssyncadd.s32 $0xFFFFFE00  }
0x26: {  	[tilespmem:s19], [sflag:$0x2] =	stream.linear.gather [hbm4b:s8+s14], $0x200, $0x38;
	[tilespmem:$0x1CD00] =	vst v63  }
0x27: {  	_ =	swait.ge [sflag:s16], $0x200  }
0x28: {  	[sflag:s16] =	ssyncset.done $0x0  }
0x29: {  	[sflag:s16] =	ssyncadd.s32 $0xFFFFFE00  }
0x2a: {  	[tilespmem:s21], [sflag:$0x1] =	stream.indirect.gather [hbm4b:s4+s20], $0x20, s17, s20, $0xb8;
	[tilespmem:$0x1CD00] =	vst v63  }
0x2b: {  	_ = 	snop  }
0x2c: {  	[tilespmem:s23], [sflag:$0x1] =	stream.indirect.gather [hbm4b:s4+s20], $0x20, s22, s20, $0xb8;
	[tilespmem:$0x1CD00] =	vst v63  }
0x2d: {  	_ = 	snop  }
0x2e: {  	[tilespmem:s25], [sflag:$0x1] =	stream.indirect.gather [hbm4b:s4+s20], $0x20, s24, s20, $0xb8;
	[tilespmem:$0x1CD00] =	vst v63  }
0x2f: {  	_ = 	snop  }
0x30: {  	[tilespmem:s28], [sflag:$0x1] =	stream.indirect.gather [hbm4b:s4+s20], $0x20, s26, s20, $0xb8;
	[tilespmem:$0x1CD00] =	vst v63  }
0x31: {  	_ =	swait.ge [sflag:s29], $0x1000  }
0x32: {  	[sflag:s29] =	ssyncset.done $0x0  }
0x33: {  	[sflag:s29] =	ssyncadd.s32 $0xFFFFF000  }
0x34: {  	_ =	swait.ge [sflag:s29], $0x1000  }
0x35: {  	[sflag:s29] =	ssyncset.done $0x0  }
0x36: {  	v2 =	vmov s14;
	[sflag:s29] =	ssyncadd.s32 $0xFFFFF000  }
0x37: {  	v3 =	vshll.u32 v2, $0x5;
	_ =	swait.ge [sflag:s29], $0x1000  }
0x38: {  	v4 =	vor.u32 v0, v3;
	[sflag:s29] =	ssyncset.done $0x0  }
0x39: {  	[sflag:s29] =	ssyncadd.s32 $0xFFFFF000  }
0x3a: {  	v3 =	vor.u32 v1, v3;
	_ =	swait.ge [sflag:s29], $0x1000  }
0x3b: {  	[sflag:s29] =	ssyncset.done $0x0  }
0x3c: {  	[sflag:s29] =	ssyncadd.s32 $0xFFFFF000  }
0x3d: {  	v5 =	vld.idx.msk [tilespmem:v4+s21+$0x0], $0xffff  }
0x3e: {  	v2 =	vld.idx.msk [tilespmem:v2+s19+$0x0], $0xffff  }
0x3f: {  	v6 =	vld.idx.msk [tilespmem:v3+s21+$0x0], $0xffff  }
0x40: {  	s11 =	simm.s32 $0x1  }
0x41: {  	v7 =	vmov s11  }
0x42: {  	v8 =	vshll.u32 v7, $0x5  }
0x43: {  	v9 =	vor.u32 v0, v8;
	v5 =	vmul.f32 v5, v2  }
0x44: {  	v2 =	vmul.f32 v6, v2;
	v6 =	vor.u32 v1, v8  }
0x45: {  	[tilespmem:v4+s21+$0x0] =	vst.idx.msk $0xffff, v5  }
0x46: {  	[tilespmem:v3+s21+$0x0] =	vst.idx.msk $0xffff, v2  }
0x47: {  	v2 =	vld.idx.msk [tilespmem:v7+s19+$0x0], $0xffff  }
0x48: {  	v3 =	vld.idx.msk [tilespmem:v9+s21+$0x0], $0xffff  }
0x49: {  	v4 =	vld.idx.msk [tilespmem:v6+s21+$0x0], $0xffff  }
0x4a: {  	s13 =	simm.s32 $0x2  }
0x4b: {  	v5 =	vmov s13  }
0x4c: {  	v7 =	vshll.u32 v5, $0x5  }
0x4d: {  	v8 =	vor.u32 v0, v7;
	v3 =	vmul.f32 v3, v2  }
0x4e: {  	v2 =	vmul.f32 v4, v2;
	v4 =	vor.u32 v1, v7  }
0x4f: {  	[tilespmem:v9+s21+$0x0] =	vst.idx.msk $0xffff, v3  }
0x50: {  	[tilespmem:v6+s21+$0x0] =	vst.idx.msk $0xffff, v2  }
0x51: {  	v3 =	vld.idx.msk [tilespmem:v5+s19+$0x0], $0xffff  }
0x52: {  	v2 =	vld.idx.msk [tilespmem:v8+s21+$0x0], $0xffff  }
0x53: {  	v5 =	vld.idx.msk [tilespmem:v4+s21+$0x0], $0xffff;
	_ =	sdelay $0x2  }
0x54: {  	s14 =	simm.s32 $0x3  }
0x55: {  	v6 =	vmov s14;
	v63 =	vmul.f32 v2, v3  }
0x56: {  	v7 =	vshll.u32 v6, $0x5;
	v3 =	vmul.f32 v5, v3  }
0x57: {  	v2 =	vor.u32 v0, v7;
	[tilespmem:v8+s21+$0x0] =	vst.idx.msk $0xffff, v63  }
0x58: {  	[tilespmem:v4+s21+$0x0] =	vst.idx.msk $0xffff, v3;
	v4 =	vor.u32 v1, v7;
	_ =	sdelay $0x1  }
0x59: {  	s8 =	simm.s32 $0x4  }
0x5a: {  	v3 =	vmov s8;
	v5 =	vld.idx.msk [tilespmem:v6+s19+$0x0], $0xffff  }
0x5b: {  	s13 =	simm.s32 $0x8;
	v7 =	vshll.u32 v3, $0x5;
	v6 =	vld.idx.msk [tilespmem:v2+s21+$0x0], $0xffff  }
.LBB2_3:
0x5c: {  	p0 =	sne.s32 s13, $0x1FC;
	v8 =	vor.u32 v0, v7;
	v9 =	vld.idx.msk [tilespmem:v4+s21+$0x0], $0xffff;
	s14 =	smov.u32 s13;
	s13 =	sadd.s32 $0x4, s13  }
0x5d: {  	v7 =	vor.u32 v1, v7;
	_ =	sdelay $0x3  }
0x5e: {  	v6 =	vmul.f32 v6, v5  }
0x5f: {  	v5 =	vmul.f32 v9, v5  }
0x60: {  	[tilespmem:v2+s21+$0x0] =	vst.idx.msk $0xffff, v6  }
0x61: {  	[tilespmem:v4+s21+$0x0] =	vst.idx.msk $0xffff, v5  }
0x62: {  	v2 =	vld.idx.msk [tilespmem:v8+s21+$0x0], $0xffff  }
0x63: {  	v3 =	vld.idx.msk [tilespmem:v3+s19+$0x0], $0xffff  }
0x64: {  	v4 =	vld.idx.msk [tilespmem:v7+s21+$0x0], $0xffff;
	_ =	sdelay $0x1  }
0x65: {  	s11 =	sadd.s32 $0x1, s8  }
0x66: {  	v5 =	vmov s11  }
0x67: {  	v6 =	vshll.u32 v5, $0x5  }
0x68: {  	v9 =	vor.u32 v0, v6;
	v2 =	vmul.f32 v2, v3  }
0x69: {  	v3 =	vmul.f32 v4, v3;
	v4 =	vor.u32 v1, v6  }
0x6a: {  	[tilespmem:v8+s21+$0x0] =	vst.idx.msk $0xffff, v2  }
0x6b: {  	[tilespmem:v7+s21+$0x0] =	vst.idx.msk $0xffff, v3  }
0x6c: {  	v2 =	vld.idx.msk [tilespmem:v5+s19+$0x0], $0xffff  }
0x6d: {  	v3 =	vld.idx.msk [tilespmem:v9+s21+$0x0], $0xffff  }
0x6e: {  	v5 =	vld.idx.msk [tilespmem:v4+s21+$0x0], $0xffff;
	_ =	sdelay $0x1  }
0x6f: {  	s11 =	sadd.s32 $0x2, s8  }
0x70: {  	v6 =	vmov s11  }
0x71: {  	v7 =	vshll.u32 v6, $0x5  }
0x72: {  	v8 =	vor.u32 v0, v7;
	v3 =	vmul.f32 v3, v2  }
0x73: {  	v2 =	vmul.f32 v5, v2;
	v5 =	vor.u32 v1, v7  }
0x74: {  	[tilespmem:v9+s21+$0x0] =	vst.idx.msk $0xffff, v3  }
0x75: {  	[tilespmem:v4+s21+$0x0] =	vst.idx.msk $0xffff, v2  }
0x76: {  	v3 =	vld.idx.msk [tilespmem:v6+s19+$0x0], $0xffff  }
0x77: {  	v2 =	vld.idx.msk [tilespmem:v8+s21+$0x0], $0xffff  }
0x78: {  	v4 =	vld.idx.msk [tilespmem:v5+s21+$0x0], $0xffff;
	_ =	sdelay $0x1  }
0x79: {  	s11 =	sadd.s32 $0x3, s8;
	s8 =	smov.u32 s14  }
0x7a: {  	v6 =	vmov s11  }
0x7b: {  	v7 =	vshll.u32 v6, $0x5  }
0x7c: {  	v9 =	vmul.f32 v2, v3;
	v2 =	vor.u32 v0, v7  }
.Ltmp0:
0x7d: {  	v3 =	vmul.f32 v4, v3;
	v4 =	vor.u32 v1, v7;
	(pc) =	sbr.rel @p0 .LBB2_3-.Ltmp0, $4  }
0x7e: {  	[tilespmem:v8+s21+$0x0] =	vst.idx.msk $0xffff, v9  }
0x7f: {  	[tilespmem:v5+s21+$0x0] =	vst.idx.msk $0xffff, v3  }
0x80: {  	v3 =	vmov s8;
	v5 =	vld.idx.msk [tilespmem:v6+s19+$0x0], $0xffff  }
0x81: {  	v7 =	vshll.u32 v3, $0x5;
	v6 =	vld.idx.msk [tilespmem:v2+s21+$0x0], $0xffff  }
0x82: {  	_ =	sdelay $0x3  }
0x83: {  	v8 =	vld.idx.msk [tilespmem:v4+s21+$0x0], $0xffff;
	_ =	sdelay $0x2  }
0x84: {  	v9 =	vor.u32 v0, v7  }
0x85: {  	v6 =	vmul.f32 v6, v5  }
0x86: {  	v49 =	vor.u32 v1, v7;
	v50 =	vmul.f32 v8, v5  }
0x87: {  	[tilespmem:v2+s21+$0x0] =	vst.idx.msk $0xffff, v6  }
0x88: {  	[tilespmem:v4+s21+$0x0] =	vst.idx.msk $0xffff, v50  }
0x89: {  	v2 =	vld.idx.msk [tilespmem:v9+s21+$0x0], $0xffff  }
0x8a: {  	v3 =	vld.idx.msk [tilespmem:v3+s19+$0x0], $0xffff  }
0x8b: {  	v4 =	vld.idx.msk [tilespmem:v49+s21+$0x0], $0xffff  }
0x8c: {  	s11 =	sadd.s32 $0x1, s8  }
0x8d: {  	v51 =	vmov s11  }
0x8e: {  	v52 =	vshll.u32 v51, $0x5  }
0x8f: {  	v53 =	vor.u32 v0, v52;
	v2 =	vmul.f32 v2, v3  }
0x90: {  	v54 =	vor.u32 v1, v52;
	v3 =	vmul.f32 v4, v3  }
0x91: {  	[tilespmem:v9+s21+$0x0] =	vst.idx.msk $0xffff, v2  }
0x92: {  	[tilespmem:v49+s21+$0x0] =	vst.idx.msk $0xffff, v3  }
0x93: {  	v2 =	vld.idx.msk [tilespmem:v51+s19+$0x0], $0xffff  }
0x94: {  	v3 =	vld.idx.msk [tilespmem:v53+s21+$0x0], $0xffff  }
0x95: {  	v55 =	vld.idx.msk [tilespmem:v54+s21+$0x0], $0xffff  }
0x96: {  	s13 =	sadd.s32 $0x2, s8  }
0x97: {  	v56 =	vmov s13  }
0x98: {  	v57 =	vshll.u32 v56, $0x5  }
0x99: {  	v58 =	vor.u32 v0, v57;
	v3 =	vmul.f32 v3, v2  }
0x9a: {  	v59 =	vor.u32 v1, v57;
	v2 =	vmul.f32 v55, v2  }
0x9b: {  	[tilespmem:v53+s21+$0x0] =	vst.idx.msk $0xffff, v3  }
0x9c: {  	[tilespmem:v54+s21+$0x0] =	vst.idx.msk $0xffff, v2  }
0x9d: {  	v2 =	vld.idx.msk [tilespmem:v56+s19+$0x0], $0xffff  }
0x9e: {  	v3 =	vld.idx.msk [tilespmem:v58+s21+$0x0], $0xffff  }
0x9f: {  	v4 =	vld.idx.msk [tilespmem:v59+s21+$0x0], $0xffff  }
0xa0: {  	s14 =	sadd.s32 $0x3, s8  }
0xa1: {  	v60 =	vmov s14  }
0xa2: {  	v61 =	vshll.u32 v60, $0x5  }
0xa3: {  	v62 =	vor.u32 v0, v61;
	v3 =	vmul.f32 v3, v2  }
0xa4: {  	v63 =	vor.u32 v1, v61;
	v2 =	vmul.f32 v4, v2  }
0xa5: {  	[tilespmem:v58+s21+$0x0] =	vst.idx.msk $0xffff, v3  }
0xa6: {  	[tilespmem:v59+s21+$0x0] =	vst.idx.msk $0xffff, v2  }
0xa7: {  	v2 =	vld.idx.msk [tilespmem:v60+s19+$0x0], $0xffff  }
0xa8: {  	v3 =	vld.idx.msk [tilespmem:v62+s21+$0x0], $0xffff  }
0xa9: {  	v5 =	vld.idx.msk [tilespmem:v63+s21+$0x0], $0xffff;
	_ =	sdelay $0x3  }
0xaa: {  	v3 =	vmul.f32 v3, v2  }
0xab: {  	v2 =	vmul.f32 v5, v2  }
0xac: {  	[tilespmem:v62+s21+$0x0] =	vst.idx.msk $0xffff, v3  }
0xad: {  	[tilespmem:v63+s21+$0x0] =	vst.idx.msk $0xffff, v2  }
0xae: {  	[spmem:s2] =	stream.indirect.scatter.add.f32 [tilespmem:s21], [sflag:$0x2], $0x20, s18, s20, $0xb8;
	[tilespmem:$0x1CD00] =	vst v63  }
0xaf: {  	_ =	swait.ge [sflag:s16], $0x1000  }
0xb0: {  	[sflag:s16] =	ssyncset.done $0x0  }
0xb1: {  	[sflag:s16] =	ssyncadd.s32 $0xFFFFF000  }
0xb2: {  	[spmem:s2] =	stream.indirect.scatter.add.f32 [tilespmem:s23], [sflag:$0x2], $0x20, s30, s20, $0xb8;
	[tilespmem:$0x1CD00] =	vst v63  }
0xb3: {  	_ =	swait.ge [sflag:s16], $0x1000  }
0xb4: {  	[sflag:s16] =	ssyncset.done $0x0  }
0xb5: {  	[sflag:s16] =	ssyncadd.s32 $0xFFFFF000  }
0xb6: {  	[spmem:s2] =	stream.indirect.scatter.add.f32 [tilespmem:s25], [sflag:$0x2], $0x20, s31, s20, $0xb8;
	[tilespmem:$0x1CD00] =	vst v63  }
0xb7: {  	s1 =	sadd.s32 $0x1, s1;
	_ =	swait.ge [sflag:s16], $0x1000  }
0xb8: {  	p0 =	sne.s32 s1, $0x64;
	[sflag:s16] =	ssyncset.done $0x0  }
.Ltmp1:
0xb9: {  	[sflag:s16] =	ssyncadd.s32 $0xFFFFF000;
	(pc) =	sbr.rel @p0 .LBB2_2-.Ltmp1, $4  }
0xba: {  	[spmem:s2] =	stream.indirect.scatter.add.f32 [tilespmem:s28], [sflag:$0x2], $0x20, s0, s20, $0xb8;
	[tilespmem:$0x1CD00] =	vst v63  }
0xbb: {  	_ =	swait.ge [sflag:s16], $0x1000  }
0xbc: {  	[sflag:s16] =	ssyncset.done $0x0  }
0xbd: {  	[sflag:s16] =	ssyncadd.s32 $0xFFFFF000  }
0xbe: {  	[bflag:$0x0] =	sbarrier.arrive $0xFFFF  }
0xbf: {  	s1 =	rddreg [dreg:$0x4]  }
0xc0: {  	s8 =	rddreg [dreg:$0x6]  }
0xc1: {  	[hbm:s1], [sflag:s15] =	dma.local [spmem:s8], $0x30E0  }
0xc2: {  	_ =	swait.ge [sflag:s16], $0x30E0  }
0xc3: {  	s11 =	smov.u32 s15;
	s3 =	sadd.s32 $0x1, s3;
	s15 =	rddreg [dreg:$0x5]  }
0xc4: {  	p0 =	sne.s32 s3, s15  }
.Ltmp2:
0xc5: {  	_ = 	snop;
	(pc) =	sbr.rel @p0 .LBB2_1-.Ltmp2, $3  }
0xc6: {  	_ =	sdelay $0x1  }
0xc7: {  	[sflag:s16] =	ssyncset.done $0x0  }
0xc8: {  	[sflag:s16] =	ssyncadd.s32 $0xFFFFCF20  }
0xc9: {  	_ =	sfence.sel $0x180000  }
0xca: {  	[bflag:$0x0] =	sbarrier.arrive $0xFFFF  }
0xcb: {  	_ =	strace $0x9000004A  }
0xcc: {  	s0 =	stileid.u32;
	[bflag:$0x2] =	sbarrier.arrive $0xFFFF  }
0xcd: {  	p0 =	sne.s32 s0, $0x0;
	s0 =	rddreg [dreg:$0x2]  }
0xce: {  	s0 =	sadd.s32 @!p0 $0x100000, s0  }
0xcf: {  	[sflag:s0] =	ssyncadd.tile.s32 @!p0 $0x1;
	_ =	shalt  }
.Lfunc_end2:
_tile_overlayer_lowered:
.L_overlay_start_2:
0xd0: {  	(tag) =	ssettag $0x2  }
0xd1: {  	s0 =	rddreg [dreg:$0x0];
	s2 =	stileid.u32  }
0xd2: {  	s1 =	rddreg [dreg:$0x1];
	p0 =	sne.s32 s2, $0x0  }
0xd3: {  	s3 =	rddreg [dreg:$0x2];
	[bflag:$0x3] =	sbarrier.arrive $0xFFFF;
	s2 =	simm.s32 @!p0 $0x1C02  }
0xd4: {  	[timem:s3], [sflag:s2] =	dma.local @!p0 [hbm:s0], s1  }
0xd5: {  	s0 =	simm.s32 @!p0 $0x2  }
0xd6: {  	_ =	swait.ge @!p0 [sflag:s0], s1  }
0xd7: {  	s1 =	ssub.s32 @!p0 $0x0, s1;
	[sflag:s0] =	ssyncset.done @!p0 $0x0  }
0xd8: {  	[sflag:s0] =	ssyncadd.s32 @!p0 s1  }
0xd9: {  	[bflag:$0x3] =	sbarrier.arrive $0xFFFF  }
0xda: {  	_ =	shalt  }

// kernel: kernel.7.cloned.1.call-start
scs
__scs_entry_jumppad:
0x0: {  	(pc) =	sbr.rel $0x88, $3  }
0x1: {  	(tag) =	ssettag $0x0;
	lr =	simm.s32 $0x1  }
0x2: {  	[smem:$0x3F91] =	sst lr;
	_ =	strace $0xD0000000  }
0x3: {  	_ = 	snop  }
0x4: {  	_ = 	snop  }
0x5: {  	_ = 	snop  }
0x6: {  	_ = 	snop  }
0x7: {  	_ = 	snop  }
__scs_overlays_trampoline_lowered:
0x8: {  	[smem:$0x3FA0] =	sst s0  }
0x9: {  	[smem:$0x3FA1] =	sst s1  }
0xa: {  	[smem:$0x3FA2] =	sst s2  }
0xb: {  	[smem:$0x3FA3] =	sst s3  }
0xc: {  	[smem:$0x3FA4] =	sst s4  }
0xd: {  	[smem:$0x3FA5] =	sst s5  }
0xe: {  	[smem:$0x3FA6] =	sst s6  }
0xf: {  	[smem:$0x3FA7] =	sst s7  }
0x10: {  	[smem:$0x3FA8] =	sst s8  }
0x11: {  	[smem:$0x3FA9] =	sst s9;
	s0 =	simm.s32 @!p0 $0x0  }
0x12: {  	s1 =	sld [smem:$0x3F8F];
	s0 =	simm.s32 @p0 $0x1  }
0x13: {  	[smem:$0x3FAA] =	sst s0;
	s0 =	simm.s32 @!p1 $0x0  }
0x14: {  	s2 =	sld [smem:$0x3F8E];
	s0 =	simm.s32 @p1 $0x1  }
0x15: {  	[smem:$0x3FAB] =	sst s0;
	s0 =	simm.s32 @!p2 $0x0  }
0x16: {  	s3 =	sld [smem:$0x3FDB];
	s0 =	simm.s32 @p2 $0x1  }
0x17: {  	s4 =	simm.s32 $0x1BF5;
	[smem:$0x3FAD] =	sst s0  }
0x18: {  	s0 =	sld [smem:$0x3F90];
	_ =	swait.ge [sflag:s4], $0x0  }
0x19: {  	s7 =	sld [smem:$0x3F91]  }
0x1a: {  	s8 =	sadd.s32 $0xFFFFE003, lr  }
0x1b: {  	s9 =	sadd.s32 $0xFFFFFEF7, lr;
	s5 =	simm.s32 $0xFFFFFFFF;
	p2 =	slt.u32 s8, $0xFFFFF086  }
0x1c: {  	p1 =	slt.u32 s9, $0xF7A;
	s5 =	simm.s32 @!p2 $0x0  }
0x1d: {  	s5 =	simm.s32 @p1 $0x1;
	p0 =	seq.s32 s7, s2  }
0x1e: {  	s7 =	smul.u32 @!p0 $0xF7A, s2;
	p2 =	seq.s32 @!p0 s5, $0x0  }
0x1f: {  	s9 =	smul.u32 $0xF7A, s1;
	s8 =	simm.s32 @!p0 $0x1BF5;
	p2 =	por !p2, p0  }
0x20: {  	[sflag:s8] =	ssyncset.s32 @!p0 $0xFFFFF086;
	s6 =	sadd.s32 @!p0 s3, s7;
	s7 =	simm.s32 @!p0 $0x108  }
0x21: {  	s3 =	sadd.s32 s3, s9;
	s6 =	sadd.s32 @!p0 $0x88, s6;
	s7 =	simm.s32 @p2 $0x1082  }
0x22: {  	[simem:s7], [sflag:s8] =	dma.local @!p0 [hbm:s6], $0xF7A  }
0x23: {  	s9 =	sor.u32 $0xD0000000, s2;
	s6 =	simm.s32 $0x108;
	_ =	swait.ge @!p0 [sflag:s8], $0x0  }
0x24: {  	s3 =	sadd.s32 $0x88, s3;
	s6 =	simm.s32 @!p1 $0x1082;
	[sflag:s4] =	ssyncset.s32 $0xFFFFF086  }
0x25: {  	[simem:s6], [sflag:s4] =	dma.local [hbm:s3], $0xF7A  }
0x26: {  	[smem:$0x3F91] =	sst s1;
	(tag) =	ssettag s2;
	_ =	strace s9  }
0x27: {  	s1 =	sld [smem:$0x3FA1]  }
0x28: {  	s2 =	sld [smem:$0x3FA2]  }
0x29: {  	s4 =	sld [smem:$0x3FA4]  }
0x2a: {  	p0 =	seq.s32 s5, $0x0;
	s5 =	sld [smem:$0x3FA5]  }
0x2b: {  	s6 =	sld [smem:$0x3FA6]  }
0x2c: {  	s7 =	sld [smem:$0x3FA7]  }
0x2d: {  	s3 =	simm.s32 $0x108;
	s8 =	sld [smem:$0x3FA8]  }
0x2e: {  	s3 =	simm.s32 @!p0 $0x1082;
	s9 =	sld [smem:$0x3FA9]  }
0x2f: {  	lr =	sadd.s32 s0, s3;
	s0 =	sld [smem:$0x3FA0]  }
0x30: {  	s3 =	sld [smem:$0x3FA3]  }
0x31: {  	[smem:$0x3FAC] =	sst s10  }
0x32: {  	s10 =	sld [smem:$0x3FAA];
	_ =	sdelay $0x3  }
0x33: {  	p0 =	seq.s32 s10, $0x1;
	s10 =	sld [smem:$0x3FAC];
	_ =	sdelay $0x3  }
0x34: {  	[smem:$0x3FAC] =	sst s10  }
0x35: {  	s10 =	sld [smem:$0x3FAB];
	_ =	sdelay $0x3  }
0x36: {  	p1 =	seq.s32 s10, $0x1;
	s10 =	sld [smem:$0x3FAC];
	_ =	sdelay $0x3  }
0x37: {  	[smem:$0x3FAC] =	sst s10  }
0x38: {  	s10 =	sld [smem:$0x3FAD]  }
0x39: {  	_ = 	snop;
	(pc) =	sbr.ind lr, $3  }
0x3a: {  	_ = 	snop  }
0x3b: {  	_ = 	snop  }
0x3c: {  	p2 =	seq.s32 s10, $0x1;
	s10 =	sld [smem:$0x3FAC]  }
0x3d: {  	_ =	shalt  }
0x3e: {  	_ =	shalt  }
0x3f: {  	_ =	shalt  }
0x40: {  	_ =	shalt  }
0x41: {  	_ =	shalt  }
0x42: {  	_ =	shalt  }
0x43: {  	_ =	shalt  }
0x44: {  	_ =	shalt  }
0x45: {  	_ =	shalt  }
0x46: {  	_ =	shalt  }
0x47: {  	_ =	shalt  }
0x48: {  	_ =	shalt  }
0x49: {  	_ =	shalt  }
0x4a: {  	_ =	shalt  }
0x4b: {  	_ =	shalt  }
0x4c: {  	_ =	shalt  }
0x4d: {  	_ =	shalt  }
0x4e: {  	_ =	shalt  }
0x4f: {  	_ =	shalt  }
0x50: {  	_ =	shalt  }
0x51: {  	_ =	shalt  }
0x52: {  	_ =	shalt  }
0x53: {  	_ =	shalt  }
0x54: {  	_ =	shalt  }
0x55: {  	_ =	shalt  }
0x56: {  	_ =	shalt  }
0x57: {  	_ =	shalt  }
0x58: {  	_ =	shalt  }
0x59: {  	_ =	shalt  }
0x5a: {  	_ =	shalt  }
0x5b: {  	_ =	shalt  }
0x5c: {  	_ =	shalt  }
0x5d: {  	_ =	shalt  }
0x5e: {  	_ =	shalt  }
0x5f: {  	_ =	shalt  }
0x60: {  	_ =	shalt  }
0x61: {  	_ =	shalt  }
0x62: {  	_ =	shalt  }
0x63: {  	_ =	shalt  }
0x64: {  	_ =	shalt  }
0x65: {  	_ =	shalt  }
0x66: {  	_ =	shalt  }
0x67: {  	_ =	shalt  }
0x68: {  	_ =	shalt  }
0x69: {  	_ =	shalt  }
0x6a: {  	_ =	shalt  }
0x6b: {  	_ =	shalt  }
0x6c: {  	_ =	shalt  }
0x6d: {  	_ =	shalt  }
0x6e: {  	_ =	shalt  }
0x6f: {  	_ =	shalt  }
0x70: {  	_ =	shalt  }
0x71: {  	_ =	shalt  }
0x72: {  	_ =	shalt  }
0x73: {  	_ =	shalt  }
0x74: {  	_ =	shalt  }
0x75: {  	_ =	shalt  }
0x76: {  	_ =	shalt  }
0x77: {  	_ =	shalt  }
0x78: {  	_ =	shalt  }
0x79: {  	_ =	shalt  }
0x7a: {  	_ =	shalt  }
0x7b: {  	_ =	shalt  }
0x7c: {  	_ =	shalt  }
0x7d: {  	_ =	shalt  }
0x7e: {  	_ =	shalt  }
0x7f: {  	_ =	shalt  }
0x80: {  	_ =	shalt  }
0x81: {  	_ =	shalt  }
0x82: {  	_ =	shalt  }
0x83: {  	_ =	shalt  }
0x84: {  	_ =	shalt  }
0x85: {  	_ =	shalt  }
0x86: {  	_ =	shalt  }
0x87: {  	_ =	shalt  }
.Lfunc_end0:
.L_simem_size_0:
called_computation_lowered:
.L_overlay_start_0:
0x88: {  	s2 =	sld [smem:$0x3FD9]  }
0x89: {  	s3 =	sld [smem:$0x3FFE];
	_ =	sdelay $0x1  }
0x8a: {  	s1 =	srdreg.scid  }
0x8b: {  	s0 =	sand.u32 $0x1, s1  }
0x8c: {  	s16 =	sshll.u32 s0, $0xA;
	s2 =	sadd.s32 s3, s2  }
0x8d: {  	s2 =	sadd.s32 s2, s16  }
0x8e: {  	[smem:$0x3FB8] =	sst s2  }
0x8f: {  	_ = 	snop  }
0x90: {  	(tm) =	ssettm $0x1  }
0x91: {  	s17 =	sld [smem:$0x3FFB];
	_ =	sdelay $0x3  }
0x92: {  	_ =	strace s17  }
0x93: {  	s2 =	sld [smem:$0x3FFC];
	_ =	sdelay $0x3  }
0x94: {  	_ =	strace s2  }
0x95: {  	s2 =	sld [smem:$0x3FFD];
	_ =	sdelay $0x3  }
0x96: {  	_ =	strace s2  }
0x97: {  	_ =	strace $0x8FFFFFFF  }
0x98: {  	s18 =	sld [smem:$0x3FDB];
	_ =	sdelay $0x1  }
0x99: {  	s19 =	simm.s32 $_scs_section_size  }
0x9a: {  	s4 =	simm.s32 $_size__tile_overlayer_lowered;
	s5 =	simm.s32 $_tile_overlayer_lowered  }
0x9b: {  	s22 =	simm.s32 $0x1BFF;
	s21 =	sshll.u32 s5, $0x1;
	s2 =	sadd.s32 s19, s18  }
0x9c: {  	s6 =	simm.s32 $0x0;
	s20 =	sshll.u32 s4, $0x1;
	s4 =	sadd.s32 s21, s2  }
0x9d: {  	[timem:s6], [sflag:s22] =	dma.local [hbm:s4], s20  }
0x9e: {  	_ =	swait.ge [sflag:s22], s20  }
0x9f: {  	s3 =	ssub.s32 $0x0, s20;
	[sflag:s22] =	ssyncset.done $0x0  }
0xa0: {  	[sflag:s22] =	ssyncadd.s32 s3;
	_ =	sdelay $0x1  }
0xa1: {  	s23 =	simm.s32 $0x1B8B  }
0xa2: {  	_ =	swait.ge [sflag:s23], $0x1  }
0xa3: {  	[sflag:s23] =	ssyncset.done $0x0  }
0xa4: {  	s25 =	simm.s32 $0x1B8E;
	s24 =	sld [smem:$0x3FFE];
	[sflag:s23] =	ssyncadd.s32 $0xFFFFFFFF  }
0xa5: {  	s26 =	simm.s32 $execute0_lowered;
	[smem:$0x3FD2] =	sst s25  }
0xa6: {  	s4 =	sshll.u32 s26, $0x1;
	_ =	strace $0x80000046;
	[dreg:$0x1] =	wrdreg $0xFFFFFFFF  }
0xa7: {  	s28 =	simm.s32 $_size_execute0_lowered;
	s2 =	sadd.s32 s2, s4;
	[dreg:$0x0] =	wrdreg $0x0  }
0xa8: {  	s4 =	sshll.u32 s28, $0x1;
	[dreg:$0x2] =	wrdreg s2  }
0xa9: {  	[dreg:$0x3] =	wrdreg s4  }
0xaa: {  	[dreg:$0x4] =	wrdreg $0xC0  }
0xab: {  	_ =	task [dreg:s6], $0x5FFFF  }
0xac: {  	[dreg:$0x1] =	wrdreg $0xFFFFFFFF  }
0xad: {  	[dreg:$0x0] =	wrdreg $0x60  }
0xae: {  	[dreg:$0x2] =	wrdreg s24  }
0xaf: {  	[dreg:$0x3] =	wrdreg $0x0  }
0xb0: {  	[dreg:$0x4] =	wrdreg $0x9  }
0xb1: {  	_ =	task.clear_ibuf [dreg:s6], $0x5FFFF;
	_ =	strace $0x90000046  }
0xb2: {  	s29 =	simm.s32 $0x9;
	_ =	strace $0x80000048  }
0xb3: {  	_ =	swait.ge [sflag:s29], $0x1  }
0xb4: {  	[sflag:s29] =	ssyncadd.s32 $0xFFFFFFFF  }
0xb5: {  	_ =	strace $0x90000048  }
0xb6: {  	_ =	sfence  }
0xb7: {  	s30 =	sld [smem:$0x0];
	_ =	sdelay $0x2  }
0xb8: {  	s31 =	sshll.u32 s1, $0xD;
	s1 =	sshrl.u32 s1, $0x2  }
0xb9: {  	s3 =	sand.u32 $0x4000, s31;
	s1 =	sadd.s32 s1, s30  }
0xba: {  	s0 =	sor.u32 s3, s0;
	s1 =	sshll.u32 s1, $0x11  }
0xbb: {  	s0 =	sor.u32 s1, s0  }
0xbc: {  	s0 =	sadd.s32 $0x8F2B, s0  }
0xbd: {  	[sflag:s0] =	ssyncadd.remote.s32 $0x1  }
0xbe: {  	_ =	sfence.sel $0xFFFF  }
0xbf: {  	[dreg:$0x0] =	wrdreg $0xFFFFFFFF;
	(pc) =	sbr.abs _section_cstart, $3  }
0xc0: {  	[dreg:$0x1] =	wrdreg $0xFFFFFFFF  }
0xc1: {  	_ =	task.clear_ibuf [dreg:s6], $0x2FFFF;
	_ =	strace $0x9FFFFFFF  }
0xc2: {  	(tm) =	ssettm $0x7FFFFFFF  }
0xc3: {  	_ =	shalt  }
tec
execute0_lowered:
.L_overlay_start_1:
0x0: {  	(tag) =	ssettag $0x1  }
0x1: {  	s0 =	rddreg [dreg:$0x0]  }
0x2: {  	s2 =	rddreg [dreg:$0x1];
	s3 =	simm.s32 $0x0  }
0x3: {  	s1 =	srdreg.scid;
	s12 =	stileid.u32;
	s16 =	simm.s32 $0x2  }
0x4: {  	s17 =	simm.s32 $0x18700;
	s18 =	simm.s32 $0x18900;
	s19 =	simm.s32 $0x18B00  }
0x5: {  	s20 =	simm.s32 $0x80;
	s21 =	simm.s32 $0x18D00;
	s22 =	simm.s32 $0x18780  }
0x6: {  	s28 =	simm.s32 $0x1BD00;
	s29 =	simm.s32 $0x1;
	s30 =	simm.s32 $0x18980  }
0x7: {  	s31 =	simm.s32 $0x18A00;
	[smem:$0x7FF] =	sst s3;
	s1 =	sand.u32 $0x1, s1  }
0x8: {  	s8 =	smul.u32 $0x30E0, s12;
	s4 =	sadd.s32 $0x2400, s0;
	s5 =	sadd.s32 $0x7D000, s0  }
0x9: {  	s6 =	sadd.s32 $0x64000, s0;
	s7 =	sadd.s32 $0xAF000, s0;
	s10 =	smul.u32 $0x61C00, s12  }
0xa: {  	s11 =	sadd.s32 $0xC8000, s0;
	s25 =	sshll.u32 s12, $0x6;
	_ =	strace $0x80000047  }
0xb: {  	s9 =	smul.u32 $0x30E00, s1;
	s23 =	ssub.s32 $0x2, s1;
	[dreg:$0x3] =	wrdreg s11  }
0xc: {  	s11 =	sor.u32 $0x1C02, s25;
	s25 =	simm.s32 $0x1AD00;
	s24 =	sshrl.u32 s23, $0x1  }
0xd: {  	s10 =	sshrl.u32 s10, $0x2;
	s8 =	sadd.s32 s8, s9;
	s9 =	smul.u32 $0xC800, s12  }
0xe: {  	s13 =	sadd.s32 s10, s2;
	s10 =	smul.u32 $0x190, s12;
	s0 =	sadd.s32 s8, s0  }
0xf: {  	s12 =	smul.u32 $0x1900, s1;
	s8 =	ssub.s32 s23, s24;
	s0 =	sadd.s32 $0xCB200, s0  }
0x10: {  	s23 =	simm.s32 $0x19D00;
	s26 =	smax.u32 s8, $0x1;
	[dreg:$0x4] =	wrdreg s0  }
0x11: {  	v0 =	vlaneseq.u32;
	s24 =	simm.s32 $0x18800;
	s8 =	sshrl.u32 s13, $0x3;
	[dreg:$0x5] =	wrdreg s26  }
0x12: {  	v1 =	vor.u32 $0x10, v0;
	s26 =	simm.s32 $0x18880;
	s0 =	simm.s32 $0x18A80;
	[dreg:$0x6] =	wrdreg s8  }
.LBB2_1:
0x13: {  	s1 =	rddreg [dreg:$0x3]  }
0x14: {  	[spmem:s8], [sflag:s11] =	dma.local [hbm:s1], $0x30E0  }
0x15: {  	_ =	swait.ge [sflag:s16], $0x30E0  }
0x16: {  	[sflag:s16] =	ssyncset.done $0x0  }
0x17: {  	[sflag:s16] =	ssyncadd.s32 $0xFFFFCF20  }
0x18: {  	s15 =	smov.u32 s11;
	s1 =	simm.s32 $0x0;
	[bflag:$0x0] =	sbarrier.arrive $0xFFFF  }
.LBB2_2:
0x19: {  	s8 =	sshll.u32 s1, $0x2  }
0x1a: {  	s8 =	sadd.s32 s10, s8  }
0x1b: {  	s13 =	sadd.s32 s12, s8  }
0x1c: {  	s13 =	sshll.u32 s13, $0x4  }
0x1d: {  	s14 =	simm.s32 $0x0;
	s13 =	sadd.s32 s5, s13  }
0x1e: {  	[tilespmem:s17], [sflag:$0x2] =	stream.linear.gather [hbm4b:s13+s14], $0x200, $0x38;
	[tilespmem:$0x1CD00] =	vst v63  }
0x1f: {  	_ =	swait.ge [sflag:s16], $0x200  }
0x20: {  	s8 =	sshll.u32 s8, $0x4;
	[sflag:s16] =	ssyncset.done $0x0  }
0x21: {  	s11 =	sshll.u32 s1, $0x9;
	s8 =	sadd.s32 s6, s8;
	[sflag:s16] =	ssyncadd.s32 $0xFFFFFE00  }
0x22: {  	[tilespmem:s18], [sflag:$0x2] =	stream.linear.gather [hbm4b:s8+s14], $0x200, $0x38;
	[tilespmem:$0x1CD00] =	vst v63  }
0x23: {  	s13 =	sadd.s32 s9, s11;
	_ =	swait.ge [sflag:s16], $0x200  }
0x24: {  	s8 =	sshrl.u32 s13, $0x3;
	[sflag:s16] =	ssyncset.done $0x0  }
0x25: {  	s8 =	sadd.s32 s7, s8;
	[sflag:s16] =	ssyncadd.s32 $0xFFFFFE00  }
0x26: {  	[tilespmem:s19], [sflag:$0x2] =	stream.linear.gather [hbm4b:s8+s14], $0x200, $0x38;
	[tilespmem:$0x1CD00] =	vst v63  }
0x27: {  	_ =	swait.ge [sflag:s16], $0x200  }
0x28: {  	[sflag:s16] =	ssyncset.done $0x0  }
0x29: {  	[sflag:s16] =	ssyncadd.s32 $0xFFFFFE00  }
0x2a: {  	[tilespmem:s21], [sflag:$0x1] =	stream.indirect.gather [hbm4b:s4+s20], $0x20, s17, s20, $0xb8;
	[tilespmem:$0x1CD00] =	vst v63  }
0x2b: {  	_ = 	snop  }
0x2c: {  	[tilespmem:s23], [sflag:$0x1] =	stream.indirect.gather [hbm4b:s4+s20], $0x20, s22, s20, $0xb8;
	[tilespmem:$0x1CD00] =	vst v63  }
0x2d: {  	_ = 	snop  }
0x2e: {  	[tilespmem:s25], [sflag:$0x1] =	stream.indirect.gather [hbm4b:s4+s20], $0x20, s24, s20, $0xb8;
	[tilespmem:$0x1CD00] =	vst v63  }
0x2f: {  	_ = 	snop  }
0x30: {  	[tilespmem:s28], [sflag:$0x1] =	stream.indirect.gather [hbm4b:s4+s20], $0x20, s26, s20, $0xb8;
	[tilespmem:$0x1CD00] =	vst v63  }
0x31: {  	_ =	swait.ge [sflag:s29], $0x1000  }
0x32: {  	[sflag:s29] =	ssyncset.done $0x0  }
0x33: {  	[sflag:s29] =	ssyncadd.s32 $0xFFFFF000  }
0x34: {  	_ =	swait.ge [sflag:s29], $0x1000  }
0x35: {  	[sflag:s29] =	ssyncset.done $0x0  }
0x36: {  	v2 =	vmov s14;
	[sflag:s29] =	ssyncadd.s32 $0xFFFFF000  }
0x37: {  	v3 =	vshll.u32 v2, $0x5;
	_ =	swait.ge [sflag:s29], $0x1000  }
0x38: {  	v4 =	vor.u32 v0, v3;
	[sflag:s29] =	ssyncset.done $0x0  }
0x39: {  	[sflag:s29] =	ssyncadd.s32 $0xFFFFF000  }
0x3a: {  	v3 =	vor.u32 v1, v3;
	_ =	swait.ge [sflag:s29], $0x1000  }
0x3b: {  	[sflag:s29] =	ssyncset.done $0x0  }
0x3c: {  	[sflag:s29] =	ssyncadd.s32 $0xFFFFF000  }
0x3d: {  	v5 =	vld.idx.msk [tilespmem:v4+s21+$0x0], $0xffff  }
0x3e: {  	v2 =	vld.idx.msk [tilespmem:v2+s19+$0x0], $0xffff  }
0x3f: {  	v6 =	vld.idx.msk [tilespmem:v3+s21+$0x0], $0xffff  }
0x40: {  	s11 =	simm.s32 $0x1  }
0x41: {  	v7 =	vmov s11  }
0x42: {  	v8 =	vshll.u32 v7, $0x5  }
0x43: {  	v9 =	vor.u32 v0, v8;
	v5 =	vmul.f32 v5, v2  }
0x44: {  	v2 =	vmul.f32 v6, v2;
	v6 =	vor.u32 v1, v8  }
0x45: {  	[tilespmem:v4+s21+$0x0] =	vst.idx.msk $0xffff, v5  }
0x46: {  	[tilespmem:v3+s21+$0x0] =	vst.idx.msk $0xffff, v2  }
0x47: {  	v2 =	vld.idx.msk [tilespmem:v7+s19+$0x0], $0xffff  }
0x48: {  	v3 =	vld.idx.msk [tilespmem:v9+s21+$0x0], $0xffff  }
0x49: {  	v4 =	vld.idx.msk [tilespmem:v6+s21+$0x0], $0xffff  }
0x4a: {  	s13 =	simm.s32 $0x2  }
0x4b: {  	v5 =	vmov s13  }
0x4c: {  	v7 =	vshll.u32 v5, $0x5  }
0x4d: {  	v8 =	vor.u32 v0, v7;
	v3 =	vmul.f32 v3, v2  }
0x4e: {  	v2 =	vmul.f32 v4, v2;
	v4 =	vor.u32 v1, v7  }
0x4f: {  	[tilespmem:v9+s21+$0x0] =	vst.idx.msk $0xffff, v3  }
0x50: {  	[tilespmem:v6+s21+$0x0] =	vst.idx.msk $0xffff, v2  }
0x51: {  	v3 =	vld.idx.msk [tilespmem:v5+s19+$0x0], $0xffff  }
0x52: {  	v2 =	vld.idx.msk [tilespmem:v8+s21+$0x0], $0xffff  }
0x53: {  	v5 =	vld.idx.msk [tilespmem:v4+s21+$0x0], $0xffff;
	_ =	sdelay $0x2  }
0x54: {  	s14 =	simm.s32 $0x3  }
0x55: {  	v6 =	vmov s14;
	v63 =	vmul.f32 v2, v3  }
0x56: {  	v7 =	vshll.u32 v6, $0x5;
	v3 =	vmul.f32 v5, v3  }
0x57: {  	v2 =	vor.u32 v0, v7;
	[tilespmem:v8+s21+$0x0] =	vst.idx.msk $0xffff, v63  }
0x58: {  	[tilespmem:v4+s21+$0x0] =	vst.idx.msk $0xffff, v3;
	v4 =	vor.u32 v1, v7;
	_ =	sdelay $0x1  }
0x59: {  	s8 =	simm.s32 $0x4  }
0x5a: {  	v3 =	vmov s8;
	v5 =	vld.idx.msk [tilespmem:v6+s19+$0x0], $0xffff  }
0x5b: {  	s13 =	simm.s32 $0x8;
	v7 =	vshll.u32 v3, $0x5;
	v6 =	vld.idx.msk [tilespmem:v2+s21+$0x0], $0xffff  }
.LBB2_3:
0x5c: {  	p0 =	sne.s32 s13, $0x1FC;
	v8 =	vor.u32 v0, v7;
	v9 =	vld.idx.msk [tilespmem:v4+s21+$0x0], $0xffff;
	s14 =	smov.u32 s13;
	s13 =	sadd.s32 $0x4, s13  }
0x5d: {  	v7 =	vor.u32 v1, v7;
	_ =	sdelay $0x3  }
0x5e: {  	v6 =	vmul.f32 v6, v5  }
0x5f: {  	v5 =	vmul.f32 v9, v5  }
0x60: {  	[tilespmem:v2+s21+$0x0] =	vst.idx.msk $0xffff, v6  }
0x61: {  	[tilespmem:v4+s21+$0x0] =	vst.idx.msk $0xffff, v5  }
0x62: {  	v2 =	vld.idx.msk [tilespmem:v8+s21+$0x0], $0xffff  }
0x63: {  	v3 =	vld.idx.msk [tilespmem:v3+s19+$0x0], $0xffff  }
0x64: {  	v4 =	vld.idx.msk [tilespmem:v7+s21+$0x0], $0xffff;
	_ =	sdelay $0x1  }
0x65: {  	s11 =	sadd.s32 $0x1, s8  }
0x66: {  	v5 =	vmov s11  }
0x67: {  	v6 =	vshll.u32 v5, $0x5  }
0x68: {  	v9 =	vor.u32 v0, v6;
	v2 =	vmul.f32 v2, v3  }
0x69: {  	v3 =	vmul.f32 v4, v3;
	v4 =	vor.u32 v1, v6  }
0x6a: {  	[tilespmem:v8+s21+$0x0] =	vst.idx.msk $0xffff, v2  }
0x6b: {  	[tilespmem:v7+s21+$0x0] =	vst.idx.msk $0xffff, v3  }
0x6c: {  	v2 =	vld.idx.msk [tilespmem:v5+s19+$0x0], $0xffff  }
0x6d: {  	v3 =	vld.idx.msk [tilespmem:v9+s21+$0x0], $0xffff  }
0x6e: {  	v5 =	vld.idx.msk [tilespmem:v4+s21+$0x0], $0xffff;
	_ =	sdelay $0x1  }
0x6f: {  	s11 =	sadd.s32 $0x2, s8  }
0x70: {  	v6 =	vmov s11  }
0x71: {  	v7 =	vshll.u32 v6, $0x5  }
0x72: {  	v8 =	vor.u32 v0, v7;
	v3 =	vmul.f32 v3, v2  }
0x73: {  	v2 =	vmul.f32 v5, v2;
	v5 =	vor.u32 v1, v7  }
0x74: {  	[tilespmem:v9+s21+$0x0] =	vst.idx.msk $0xffff, v3  }
0x75: {  	[tilespmem:v4+s21+$0x0] =	vst.idx.msk $0xffff, v2  }
0x76: {  	v3 =	vld.idx.msk [tilespmem:v6+s19+$0x0], $0xffff  }
0x77: {  	v2 =	vld.idx.msk [tilespmem:v8+s21+$0x0], $0xffff  }
0x78: {  	v4 =	vld.idx.msk [tilespmem:v5+s21+$0x0], $0xffff;
	_ =	sdelay $0x1  }
0x79: {  	s11 =	sadd.s32 $0x3, s8;
	s8 =	smov.u32 s14  }
0x7a: {  	v6 =	vmov s11  }
0x7b: {  	v7 =	vshll.u32 v6, $0x5  }
0x7c: {  	v9 =	vmul.f32 v2, v3;
	v2 =	vor.u32 v0, v7  }
.Ltmp0:
0x7d: {  	v3 =	vmul.f32 v4, v3;
	v4 =	vor.u32 v1, v7;
	(pc) =	sbr.rel @p0 .LBB2_3-.Ltmp0, $4  }
0x7e: {  	[tilespmem:v8+s21+$0x0] =	vst.idx.msk $0xffff, v9  }
0x7f: {  	[tilespmem:v5+s21+$0x0] =	vst.idx.msk $0xffff, v3  }
0x80: {  	v3 =	vmov s8;
	v5 =	vld.idx.msk [tilespmem:v6+s19+$0x0], $0xffff  }
0x81: {  	v7 =	vshll.u32 v3, $0x5;
	v6 =	vld.idx.msk [tilespmem:v2+s21+$0x0], $0xffff  }
0x82: {  	_ =	sdelay $0x3  }
0x83: {  	v8 =	vld.idx.msk [tilespmem:v4+s21+$0x0], $0xffff;
	_ =	sdelay $0x2  }
0x84: {  	v9 =	vor.u32 v0, v7  }
0x85: {  	v6 =	vmul.f32 v6, v5  }
0x86: {  	v49 =	vor.u32 v1, v7;
	v50 =	vmul.f32 v8, v5  }
0x87: {  	[tilespmem:v2+s21+$0x0] =	vst.idx.msk $0xffff, v6  }
0x88: {  	[tilespmem:v4+s21+$0x0] =	vst.idx.msk $0xffff, v50  }
0x89: {  	v2 =	vld.idx.msk [tilespmem:v9+s21+$0x0], $0xffff  }
0x8a: {  	v3 =	vld.idx.msk [tilespmem:v3+s19+$0x0], $0xffff  }
0x8b: {  	v4 =	vld.idx.msk [tilespmem:v49+s21+$0x0], $0xffff  }
0x8c: {  	s11 =	sadd.s32 $0x1, s8  }
0x8d: {  	v51 =	vmov s11  }
0x8e: {  	v52 =	vshll.u32 v51, $0x5  }
0x8f: {  	v53 =	vor.u32 v0, v52;
	v2 =	vmul.f32 v2, v3  }
0x90: {  	v54 =	vor.u32 v1, v52;
	v3 =	vmul.f32 v4, v3  }
0x91: {  	[tilespmem:v9+s21+$0x0] =	vst.idx.msk $0xffff, v2  }
0x92: {  	[tilespmem:v49+s21+$0x0] =	vst.idx.msk $0xffff, v3  }
0x93: {  	v2 =	vld.idx.msk [tilespmem:v51+s19+$0x0], $0xffff  }
0x94: {  	v3 =	vld.idx.msk [tilespmem:v53+s21+$0x0], $0xffff  }
0x95: {  	v55 =	vld.idx.msk [tilespmem:v54+s21+$0x0], $0xffff  }
0x96: {  	s13 =	sadd.s32 $0x2, s8  }
0x97: {  	v56 =	vmov s13  }
0x98: {  	v57 =	vshll.u32 v56, $0x5  }
0x99: {  	v58 =	vor.u32 v0, v57;
	v3 =	vmul.f32 v3, v2  }
0x9a: {  	v59 =	vor.u32 v1, v57;
	v2 =	vmul.f32 v55, v2  }
0x9b: {  	[tilespmem:v53+s21+$0x0] =	vst.idx.msk $0xffff, v3  }
0x9c: {  	[tilespmem:v54+s21+$0x0] =	vst.idx.msk $0xffff, v2  }
0x9d: {  	v2 =	vld.idx.msk [tilespmem:v56+s19+$0x0], $0xffff  }
0x9e: {  	v3 =	vld.idx.msk [tilespmem:v58+s21+$0x0], $0xffff  }
0x9f: {  	v4 =	vld.idx.msk [tilespmem:v59+s21+$0x0], $0xffff  }
0xa0: {  	s14 =	sadd.s32 $0x3, s8  }
0xa1: {  	v60 =	vmov s14  }
0xa2: {  	v61 =	vshll.u32 v60, $0x5  }
0xa3: {  	v62 =	vor.u32 v0, v61;
	v3 =	vmul.f32 v3, v2  }
0xa4: {  	v63 =	vor.u32 v1, v61;
	v2 =	vmul.f32 v4, v2  }
0xa5: {  	[tilespmem:v58+s21+$0x0] =	vst.idx.msk $0xffff, v3  }
0xa6: {  	[tilespmem:v59+s21+$0x0] =	vst.idx.msk $0xffff, v2  }
0xa7: {  	v2 =	vld.idx.msk [tilespmem:v60+s19+$0x0], $0xffff  }
0xa8: {  	v3 =	vld.idx.msk [tilespmem:v62+s21+$0x0], $0xffff  }
0xa9: {  	v5 =	vld.idx.msk [tilespmem:v63+s21+$0x0], $0xffff;
	_ =	sdelay $0x3  }
0xaa: {  	v3 =	vmul.f32 v3, v2  }
0xab: {  	v2 =	vmul.f32 v5, v2  }
0xac: {  	[tilespmem:v62+s21+$0x0] =	vst.idx.msk $0xffff, v3  }
0xad: {  	[tilespmem:v63+s21+$0x0] =	vst.idx.msk $0xffff, v2  }
0xae: {  	[spmem:s2] =	stream.indirect.scatter.add.f32 [tilespmem:s21], [sflag:$0x2], $0x20, s18, s20, $0xb8;
	[tilespmem:$0x1CD00] =	vst v63  }
0xaf: {  	_ =	swait.ge [sflag:s16], $0x1000  }
0xb0: {  	[sflag:s16] =	ssyncset.done $0x0  }
0xb1: {  	[sflag:s16] =	ssyncadd.s32 $0xFFFFF000  }
0xb2: {  	[spmem:s2] =	stream.indirect.scatter.add.f32 [tilespmem:s23], [sflag:$0x2], $0x20, s30, s20, $0xb8;
	[tilespmem:$0x1CD00] =	vst v63  }
0xb3: {  	_ =	swait.ge [sflag:s16], $0x1000  }
0xb4: {  	[sflag:s16] =	ssyncset.done $0x0  }
0xb5: {  	[sflag:s16] =	ssyncadd.s32 $0xFFFFF000  }
0xb6: {  	[spmem:s2] =	stream.indirect.scatter.add.f32 [tilespmem:s25], [sflag:$0x2], $0x20, s31, s20, $0xb8;
	[tilespmem:$0x1CD00] =	vst v63  }
0xb7: {  	s1 =	sadd.s32 $0x1, s1;
	_ =	swait.ge [sflag:s16], $0x1000  }
0xb8: {  	p0 =	sne.s32 s1, $0x64;
	[sflag:s16] =	ssyncset.done $0x0  }
.Ltmp1:
0xb9: {  	[sflag:s16] =	ssyncadd.s32 $0xFFFFF000;
	(pc) =	sbr.rel @p0 .LBB2_2-.Ltmp1, $4  }
0xba: {  	[spmem:s2] =	stream.indirect.scatter.add.f32 [tilespmem:s28], [sflag:$0x2], $0x20, s0, s20, $0xb8;
	[tilespmem:$0x1CD00] =	vst v63  }
0xbb: {  	_ =	swait.ge [sflag:s16], $0x1000  }
0xbc: {  	[sflag:s16] =	ssyncset.done $0x0  }
0xbd: {  	[sflag:s16] =	ssyncadd.s32 $0xFFFFF000  }
0xbe: {  	[bflag:$0x0] =	sbarrier.arrive $0xFFFF  }
0xbf: {  	s1 =	rddreg [dreg:$0x4]  }
0xc0: {  	s8 =	rddreg [dreg:$0x6]  }
0xc1: {  	[hbm:s1], [sflag:s15] =	dma.local [spmem:s8], $0x30E0  }
0xc2: {  	_ =	swait.ge [sflag:s16], $0x30E0  }
0xc3: {  	s11 =	smov.u32 s15;
	s3 =	sadd.s32 $0x1, s3;
	s15 =	rddreg [dreg:$0x5]  }
0xc4: {  	p0 =	sne.s32 s3, s15  }
.Ltmp2:
0xc5: {  	_ = 	snop;
	(pc) =	sbr.rel @p0 .LBB2_1-.Ltmp2, $3  }
0xc6: {  	_ =	sdelay $0x1  }
0xc7: {  	[sflag:s16] =	ssyncset.done $0x0  }
0xc8: {  	[sflag:s16] =	ssyncadd.s32 $0xFFFFCF20  }
0xc9: {  	_ =	sfence.sel $0x180000  }
0xca: {  	[bflag:$0x0] =	sbarrier.arrive $0xFFFF  }
0xcb: {  	_ =	strace $0x90000047  }
0xcc: {  	s0 =	stileid.u32;
	[bflag:$0x2] =	sbarrier.arrive $0xFFFF  }
0xcd: {  	p0 =	sne.s32 s0, $0x0;
	s0 =	rddreg [dreg:$0x2]  }
0xce: {  	s0 =	sadd.s32 @!p0 $0x100000, s0  }
0xcf: {  	[sflag:s0] =	ssyncadd.tile.s32 @!p0 $0x1;
	_ =	shalt  }
.Lfunc_end2:
_tile_overlayer_lowered:
.L_overlay_start_2:
0xd0: {  	(tag) =	ssettag $0x2  }
0xd1: {  	s0 =	rddreg [dreg:$0x0];
	s2 =	stileid.u32  }
0xd2: {  	s1 =	rddreg [dreg:$0x1];
	p0 =	sne.s32 s2, $0x0  }
0xd3: {  	s3 =	rddreg [dreg:$0x2];
	[bflag:$0x3] =	sbarrier.arrive $0xFFFF;
	s2 =	simm.s32 @!p0 $0x1C02  }
0xd4: {  	[timem:s3], [sflag:s2] =	dma.local @!p0 [hbm:s0], s1  }
0xd5: {  	s0 =	simm.s32 @!p0 $0x2  }
0xd6: {  	_ =	swait.ge @!p0 [sflag:s0], s1  }
0xd7: {  	s1 =	ssub.s32 @!p0 $0x0, s1;
	[sflag:s0] =	ssyncset.done @!p0 $0x0  }
0xd8: {  	[sflag:s0] =	ssyncadd.s32 @!p0 s1  }
0xd9: {  	[bflag:$0x3] =	sbarrier.arrive $0xFFFF  }
0xda: {  	_ =	shalt  }

</sc_bundles>
